<compile_context>
chip_gen: v7x
topology: tpu7x:2x2x1
jax: 0.10.2.dev20260603
libtpu: 0.0.44.dev20260713+nightly
codegen_flags: <defaults>
</compile_context>

<pallas_src>
import functools

import jax
import jax.numpy as jnp
import numpy as np
from jax import lax
from jax.experimental import pallas as pl
from jax.experimental.pallas import tpu as pltpu
from jax.experimental.pallas import tpu_sc as plsc

F32 = jnp.float32
I32 = jnp.int32

NC = 2
NS = 16
NW = NC * NS
G = 64



def _deg_body(dst_hbm, out_hbm, idx_v, hist, *, nchunks, cw):
    c = lax.axis_index("c")
    s = lax.axis_index("s")
    w = c * jnp.int32(NS) + s
    npad = hist.shape[0]
    pltpu.sync_copy(dst_hbm.at[w], idx_v)

    def zero(r, carry):
        hist[pl.ds(r * jnp.int32(16), 16)] = jnp.zeros((16,), F32)
        return carry

    lax.fori_loop(jnp.int32(0), jnp.int32(npad // 16), zero, jnp.int32(0))

    def body(i, carry):
        for k in range(cw // 16):
            v = idx_v[i, pl.ds(jnp.int32(k * 16), 16)]
            plsc.addupdate_scatter(hist, [v], jnp.ones((16,), F32))
        return carry

    lax.fori_loop(jnp.int32(0), jnp.int32(nchunks), body, jnp.int32(0))
    pltpu.sync_copy(hist, out_hbm.at[c, s])


def _agg_body(src_hbm, dst_hbm, y_hbm, out_hbm,
              sidx_h, didx_h, rows0, rows1, acc, sem0, sem1, *, nchunks):
    c = lax.axis_index("c")
    s = lax.axis_index("s")
    w = c * jnp.int32(NS) + s
    rows_per_sub = acc.shape[0] // NS
    ka = rows0.shape[0]

    def zrow(r, carry):
        for j in range(rows0.shape[1] // 16):
            rows0[r, pl.ds(jnp.int32(j * 16), 16)] = jnp.zeros((16,), F32)
        return carry

    lax.fori_loop(jnp.int32(0), jnp.int32(ka), zrow, jnp.int32(0))
    nfull = rows_per_sub // ka
    for b in range(nfull):
        pltpu.sync_copy(
            rows0, acc.at[pl.ds(s * jnp.int32(rows_per_sub) + jnp.int32(b * ka), ka)])
    tail = rows_per_sub - nfull * ka
    if tail:
        pltpu.sync_copy(
            rows0.at[pl.ds(0, tail)],
            acc.at[pl.ds(s * jnp.int32(rows_per_sub) + jnp.int32(nfull * ka), tail)])
    plsc.subcore_barrier()
    nh = nchunks // 2
    n2 = nh // 2

    def gat(i, rows, sem):
        pltpu.async_copy(y_hbm.at[sidx_h.at[i]], rows, sem)

    def gwait(i, rows, sem):
        pltpu.make_async_copy(y_hbm.at[sidx_h.at[i]], rows, sem).wait()

    def body(i2, carry):
        i0 = i2 * jnp.int32(2)
        i1 = i0 + jnp.int32(1)
        gat(i1, rows1, sem1)
        gwait(i0, rows0, sem0)
        pltpu.sync_copy(rows0, acc.at[didx_h.at[i0]], add=True)

        @pl.when(i2 < jnp.int32(n2 - 1))
        def _pref():
            gat(i0 + jnp.int32(2), rows0, sem0)

        gwait(i1, rows1, sem1)
        pltpu.sync_copy(rows1, acc.at[didx_h.at[i1]], add=True)
        return carry

    for half in range(2):
        pltpu.sync_copy(src_hbm.at[w, pl.ds(jnp.int32(half * nh), nh)], sidx_h)
        pltpu.sync_copy(dst_hbm.at[w, pl.ds(jnp.int32(half * nh), nh)], didx_h)
        gat(jnp.int32(0), rows0, sem0)
        lax.fori_loop(jnp.int32(0), jnp.int32(n2), body, jnp.int32(0))
    plsc.subcore_barrier()
    pltpu.sync_copy(acc.at[pl.ds(s * jnp.int32(rows_per_sub), rows_per_sub)],
                    out_hbm.at[c, pl.ds(s * jnp.int32(rows_per_sub), rows_per_sub)])



def _dinv_from_parts(degp_ref):
    deg = jnp.sum(degp_ref[...], axis=0) + 1.0
    return lax.rsqrt(deg)[:, None]


def _mm_scale_kernel(x_ref, w_ref, degp_ref, o_ref):
    dinv = _dinv_from_parts(degp_ref)
    o_ref[...] = jnp.dot(x_ref[...], w_ref[...], preferred_element_type=F32, precision=lax.Precision.HIGHEST) * dinv


def _combine_kernel(aggp_ref, y_ref, degp_ref, b_ref, w_ref, o_ref):
    dinv = _dinv_from_parts(degp_ref)
    t = (aggp_ref[0] + aggp_ref[1] + y_ref[...]) * dinv + b_ref[...]
    h = jnp.maximum(t, 0.0)
    o_ref[...] = jnp.dot(h, w_ref[...], preferred_element_type=F32, precision=lax.Precision.HIGHEST) * dinv


def _final_kernel(aggp_ref, y_ref, degp_ref, b_ref, batch_ref, wout_ref,
                  bout_ref, o_ref, sums, cnts):
    i = pl.program_id(0)

    @pl.when(i == 0)
    def _init():
        sums[...] = jnp.zeros_like(sums)
        cnts[...] = jnp.zeros_like(cnts)

    dinv = _dinv_from_parts(degp_ref)
    t = (aggp_ref[0] + aggp_ref[1] + y_ref[...]) * dinv + b_ref[...]
    h = jnp.maximum(t, 0.0)
    oh = (batch_ref[...] == lax.broadcasted_iota(I32, (1, G), 1)).astype(F32)
    dn = (((0,), (0,)), ((), ()))
    sums[...] += lax.dot_general(oh, h, dn, preferred_element_type=F32, precision=lax.Precision.HIGHEST)
    cnts[...] += lax.dot_general(oh, jnp.ones_like(h), dn, preferred_element_type=F32, precision=lax.Precision.HIGHEST)

    @pl.when(i == pl.num_programs(0) - 1)
    def _fin():
        mean = sums[...] / jnp.maximum(cnts[...], 1.0)
        o_ref[...] = jnp.dot(mean, wout_ref[...], preferred_element_type=F32, precision=lax.Precision.HIGHEST) + bout_ref[...]



def _sc_mesh():
    return plsc.VectorSubcoreMesh(core_axis_name="c", subcore_axis_name="s",
                                  num_cores=NC, num_subcores=NS)


def _deg_parts(dst3d, npad):
    nch, cw = dst3d.shape[1], dst3d.shape[2]
    call = pl.kernel(
        functools.partial(_deg_body, nchunks=nch, cw=cw),
        out_type=jax.ShapeDtypeStruct((NC, NS, npad), F32),
        mesh=_sc_mesh(),
        scratch_types=[
            pltpu.VMEM((nch, cw), I32),
            pltpu.VMEM((npad,), F32),
        ],
        compiler_params=pltpu.CompilerParams(needs_layout_passes=False),
    )
    return call(dst3d)


def _agg_parts(src3a, dst3a, y, npad):
    h = y.shape[1]
    nch, ka = src3a.shape[1], src3a.shape[2]
    call = pl.kernel(
        functools.partial(_agg_body, nchunks=nch),
        out_type=jax.ShapeDtypeStruct((NC, npad, h), F32),
        mesh=_sc_mesh(),
        scratch_types=[
            pltpu.VMEM((nch // 2, ka), I32),
            pltpu.VMEM((nch // 2, ka), I32),
            pltpu.VMEM((ka, h), F32),
            pltpu.VMEM((ka, h), F32),
            pltpu.VMEM_SHARED((npad, h), F32),
            pltpu.SemaphoreType.DMA,
            pltpu.SemaphoreType.DMA,
        ],
        compiler_params=pltpu.CompilerParams(needs_layout_passes=False),
    )
    return call(src3a, dst3a, y)


_Z = np.int32(0)


def _im_i0(i):
    return i, _Z


def _im_0i0(i):
    return _Z, i, _Z


def _im_00(i):
    return _Z, _Z


def _im_i0x(i):
    return _Z, i



def kernel(x, edge_index, batch, W1, b1, W2, b2, Wout, bout):
    N, D = x.shape
    H = W1.shape[1]
    E = edge_index.shape[1]
    NPAD = (N // 1024 + 1) * 1024
    R = 1024
    grid = NPAD // R
    ew = E // NW
    nch = 80
    ka = ew // nch
    src3a = edge_index[0].astype(I32).reshape(NW, nch, ka)
    dst3a = edge_index[1].astype(I32).reshape(NW, nch, ka)
    dst3d = edge_index[1].astype(I32).reshape(NW, ka, nch)

    x32 = x.astype(F32)
    x_p = jnp.concatenate([x32, jnp.zeros((NPAD - N, D), F32)])
    batch_p = jnp.concatenate([batch.astype(I32),
                               jnp.full((NPAD - N,), G, I32)]).reshape(NPAD, 1)
    W1f = W1.astype(F32)
    W2f = W2.astype(F32)
    Woutf = Wout.astype(F32)
    b1r = b1.astype(F32).reshape(1, H)
    b2r = b2.astype(F32).reshape(1, H)
    boutr = bout.astype(F32).reshape(1, 1)

    degparts = _deg_parts(dst3d, NPAD).reshape(NW, NPAD)

    y1 = pl.pallas_call(
        _mm_scale_kernel,
        grid=(grid,),
        in_specs=[
            pl.BlockSpec((R, D), _im_i0),
            pl.BlockSpec((D, H), _im_00),
            pl.BlockSpec((NW, R), _im_i0x),
        ],
        out_specs=pl.BlockSpec((R, H), _im_i0),
        out_shape=jax.ShapeDtypeStruct((NPAD, H), F32),
    )(x_p, W1f, degparts)

    agg1 = _agg_parts(src3a, dst3a, y1, NPAD)

    y2 = pl.pallas_call(
        _combine_kernel,
        grid=(grid,),
        in_specs=[
            pl.BlockSpec((NC, R, H), _im_0i0),
            pl.BlockSpec((R, H), _im_i0),
            pl.BlockSpec((NW, R), _im_i0x),
            pl.BlockSpec((1, H), _im_00),
            pl.BlockSpec((H, H), _im_00),
        ],
        out_specs=pl.BlockSpec((R, H), _im_i0),
        out_shape=jax.ShapeDtypeStruct((NPAD, H), F32),
    )(agg1, y1, degparts, b1r, W2f)

    agg2 = _agg_parts(src3a, dst3a, y2, NPAD)

    out = pl.pallas_call(
        _final_kernel,
        grid=(grid,),
        in_specs=[
            pl.BlockSpec((NC, R, H), _im_0i0),
            pl.BlockSpec((R, H), _im_i0),
            pl.BlockSpec((NW, R), _im_i0x),
            pl.BlockSpec((1, H), _im_00),
            pl.BlockSpec((R, 1), _im_i0),
            pl.BlockSpec((H, 1), _im_00),
            pl.BlockSpec((1, 1), _im_00),
        ],
        out_specs=pl.BlockSpec((G, 1), _im_00),
        out_shape=jax.ShapeDtypeStruct((G, 1), F32),
        scratch_shapes=[
            pltpu.VMEM((G, H), F32),
            pltpu.VMEM((G, H), F32),
        ],
    )(agg2, y2, degparts, b2r, batch_p, Woutf, boutr)

    return out.astype(jnp.float64)

# --- scband reference (transcript-rebuilt; emitter-appended) ---
"""Pipeline reference for scband-gcn-60258391163406 (READ-ONLY COPY).

The authoritative reference and input builder live on the scoring server;
editing this copy changes nothing except your own understanding.
"""

import jax, jax.numpy as jnp
import numpy as np
jax.config.update('jax_enable_x64', True)

N = 10000
E = 320000
D = 128
H = 128
G = 64


def setup_inputs(seed: int = 0) -> dict:
    key = jax.random.key(seed)
    ks = jax.random.split(key, 10)
    x = jax.random.normal(ks[0], (N, D), dtype=jnp.float32)
    edge_index = jax.random.randint(ks[1], (2, E), 0, N, dtype=jnp.int64)
    batch = jnp.sort(jax.random.randint(ks[2], (N,), 0, G, dtype=jnp.int64))
    W1 = jax.random.normal(ks[3], (D, H), dtype=jnp.float32) * (1.0 / np.sqrt(D))
    b1 = jnp.zeros((H,), dtype=jnp.float32)
    W2 = jax.random.normal(ks[4], (H, H), dtype=jnp.float32) * (1.0 / np.sqrt(H))
    b2 = jnp.zeros((H,), dtype=jnp.float32)
    Wout = jax.random.normal(ks[5], (H, 1), dtype=jnp.float32) * (1.0 / np.sqrt(H))
    bout = jnp.zeros((1,), dtype=jnp.float32)
    return {"x": x, "edge_index": edge_index, "batch": batch, "W1": W1, "b1": b1, "W2": W2, "b2": b2, "Wout": Wout, "bout": bout}


def _gcn_conv(x, edge_index, W, b):
    # Faithful PyG GCNConv: add self-loops, symmetric normalization, scatter-add aggregation
    n = x.shape[0]
    loop = jnp.arange(n, dtype=edge_index.dtype)
    src = jnp.concatenate([edge_index[0], loop])
    dst = jnp.concatenate([edge_index[1], loop])
    xw = x @ W
    deg = jnp.zeros((n,), dtype=x.dtype).at[dst].add(1.0)
    dinv = jnp.where(deg > 0, jax.lax.rsqrt(deg), 0.0)
    norm = dinv[src] * dinv[dst]
    msg = xw[src] * norm[:, None]
    out = jnp.zeros_like(xw).at[dst].add(msg)
    return out + b


def reference(x, edge_index, batch, W1, b1, W2, b2, Wout, bout):
    h = jax.nn.relu(_gcn_conv(x, edge_index, W1, b1))
    h = jax.nn.relu(_gcn_conv(h, edge_index, W2, b2))
    sums = jax.ops.segment_sum(h, batch, num_segments=G)
    counts = jax.ops.segment_sum(jnp.ones((h.shape[0],), dtype=h.dtype), batch, num_segments=G)
    mean = sums / jnp.clip(counts, 1.0)[:, None]
    return mean @ Wout + bout

if __name__ == "__main__":
    import jax
    _d = setup_inputs()
    print(jax.jit(kernel)(*tuple(_d.values())))

</pallas_src>

<mosaic_0001>
#map = affine_map<(d0, d1) -> (0, 0, 0)>
#map1 = affine_map<(d0, d1) -> (0, 0)>
module attributes {stable_mosaic.version = 14 : i64} {
  func.func @_agg_body(%arg0: i32, %arg1: i32, %arg2: memref<32x80x125xi32, #tpu.memory_space<hbm>>, %arg3: memref<32x80x125xi32, #tpu.memory_space<hbm>>, %arg4: memref<10240x128xf32, #tpu.memory_space<hbm>>, %arg5: memref<2x10240x128xf32, #tpu.memory_space<hbm>>, %arg6: memref<40x125xi32, #tpu.memory_space<vmem>>, %arg7: memref<40x125xi32, #tpu.memory_space<vmem>>, %arg8: memref<125x128xf32, #tpu.memory_space<vmem>>, %arg9: memref<125x128xf32, #tpu.memory_space<vmem>>, %arg10: memref<10240x128xf32, #tpu.memory_space<vmem_shared>>, %arg11: memref<!tpu.dma_semaphore, #tpu.memory_space<semaphore_mem>>, %arg12: memref<!tpu.dma_semaphore, #tpu.memory_space<semaphore_mem>>) attributes {dimension_semantics = [#tpu.dimension_semantics<core_parallel>, #tpu.dimension_semantics<subcore_parallel>], iteration_bounds = array<i64: 2, 16>, scalar_prefetch = 0 : i64, scratch_operands = 7 : i64, tpu.core_type = #tpu.core_type<sc_vector_subcore>, window_params = [{transform_indices = #map}, {transform_indices = #map}, {transform_indices = #map1}, {transform_indices = #map}]} {
    %mul3A = arith.constant 16 : i32
    %mul3A_0 = arith.muli %arg0, %mul3A : i32
    %add3A = arith.addi %mul3A_0, %arg1 : i32
    %while3A = arith.constant 0 : i32
    %while3A_1 = arith.constant 0 : i32
    %while3A_2 = arith.constant 125 : i32
    %while3A_3 = arith.subi %while3A_2, %while3A_1 : i32
    %while3A_4 = arith.addi %while3A_1, %while3A_3 : i32
    %while3A_5 = arith.constant 1 : i32
    %while3A_6 = arith.divsi %while3A_3, %while3A_5 : i32
    %while3A_7 = arith.muli %while3A_6, %while3A_5 : i32
    %while3A_8 = arith.addi %while3A_1, %while3A_7 : i32
    %while3A_9 = arith.constant 1 : i32
    scf.for %while3A_78 = %while3A_1 to %while3A_8 step %while3A_9  : i32 {
      %broadcast_in_dim3A = arith.constant 0.000000e+00 : f32
      %broadcast_in_dim3A_79 = vector.broadcast %broadcast_in_dim3A : f32 to vector<16xf32>
      %swap3A = arith.constant 0 : i32
      %swap3A_80 = arith.index_cast %while3A_78 : i32 to index
      %swap3A_81 = arith.index_cast %swap3A : i32 to index
      %swap3A_82 = tpu.vector_load %arg8[%swap3A_80, %swap3A_81] {strides = array<i32>} : memref<125x128xf32, #tpu.memory_space<vmem>>, vector<16xf32>,
      tpu.vector_store %arg8[%swap3A_80, %swap3A_81], %broadcast_in_dim3A_79 {strides = array<i32>} : memref<125x128xf32, #tpu.memory_space<vmem>>, vector<16xf32>,
      %broadcast_in_dim3A_83 = arith.constant 0.000000e+00 : f32
      %broadcast_in_dim3A_84 = vector.broadcast %broadcast_in_dim3A_83 : f32 to vector<16xf32>
      %swap3A_85 = arith.constant 16 : i32
      %swap3A_86 = arith.index_cast %while3A_78 : i32 to index
      %swap3A_87 = arith.index_cast %swap3A_85 : i32 to index
      %swap3A_88 = tpu.vector_load %arg8[%swap3A_86, %swap3A_87] {strides = array<i32>} : memref<125x128xf32, #tpu.memory_space<vmem>>, vector<16xf32>,
      tpu.vector_store %arg8[%swap3A_86, %swap3A_87], %broadcast_in_dim3A_84 {strides = array<i32>} : memref<125x128xf32, #tpu.memory_space<vmem>>, vector<16xf32>,
      %broadcast_in_dim3A_89 = arith.constant 0.000000e+00 : f32
      %broadcast_in_dim3A_90 = vector.broadcast %broadcast_in_dim3A_89 : f32 to vector<16xf32>
      %swap3A_91 = arith.constant 32 : i32
      %swap3A_92 = arith.index_cast %while3A_78 : i32 to index
      %swap3A_93 = arith.index_cast %swap3A_91 : i32 to index
      %swap3A_94 = tpu.vector_load %arg8[%swap3A_92, %swap3A_93] {strides = array<i32>} : memref<125x128xf32, #tpu.memory_space<vmem>>, vector<16xf32>,
      tpu.vector_store %arg8[%swap3A_92, %swap3A_93], %broadcast_in_dim3A_90 {strides = array<i32>} : memref<125x128xf32, #tpu.memory_space<vmem>>, vector<16xf32>,
      %broadcast_in_dim3A_95 = arith.constant 0.000000e+00 : f32
      %broadcast_in_dim3A_96 = vector.broadcast %broadcast_in_dim3A_95 : f32 to vector<16xf32>
      %swap3A_97 = arith.constant 48 : i32
      %swap3A_98 = arith.index_cast %while3A_78 : i32 to index
      %swap3A_99 = arith.index_cast %swap3A_97 : i32 to index
      %swap3A_100 = tpu.vector_load %arg8[%swap3A_98, %swap3A_99] {strides = array<i32>} : memref<125x128xf32, #tpu.memory_space<vmem>>, vector<16xf32>,
      tpu.vector_store %arg8[%swap3A_98, %swap3A_99], %broadcast_in_dim3A_96 {strides = array<i32>} : memref<125x128xf32, #tpu.memory_space<vmem>>, vector<16xf32>,
      %broadcast_in_dim3A_101 = arith.constant 0.000000e+00 : f32
      %broadcast_in_dim3A_102 = vector.broadcast %broadcast_in_dim3A_101 : f32 to vector<16xf32>
      %swap3A_103 = arith.constant 64 : i32
      %swap3A_104 = arith.index_cast %while3A_78 : i32 to index
      %swap3A_105 = arith.index_cast %swap3A_103 : i32 to index
      %swap3A_106 = tpu.vector_load %arg8[%swap3A_104, %swap3A_105] {strides = array<i32>} : memref<125x128xf32, #tpu.memory_space<vmem>>, vector<16xf32>,
      tpu.vector_store %arg8[%swap3A_104, %swap3A_105], %broadcast_in_dim3A_102 {strides = array<i32>} : memref<125x128xf32, #tpu.memory_space<vmem>>, vector<16xf32>,
      %broadcast_in_dim3A_107 = arith.constant 0.000000e+00 : f32
      %broadcast_in_dim3A_108 = vector.broadcast %broadcast_in_dim3A_107 : f32 to vector<16xf32>
      %swap3A_109 = arith.constant 80 : i32
      %swap3A_110 = arith.index_cast %while3A_78 : i32 to index
      %swap3A_111 = arith.index_cast %swap3A_109 : i32 to index
      %swap3A_112 = tpu.vector_load %arg8[%swap3A_110, %swap3A_111] {strides = array<i32>} : memref<125x128xf32, #tpu.memory_space<vmem>>, vector<16xf32>,
      tpu.vector_store %arg8[%swap3A_110, %swap3A_111], %broadcast_in_dim3A_108 {strides = array<i32>} : memref<125x128xf32, #tpu.memory_space<vmem>>, vector<16xf32>,
      %broadcast_in_dim3A_113 = arith.constant 0.000000e+00 : f32
      %broadcast_in_dim3A_114 = vector.broadcast %broadcast_in_dim3A_113 : f32 to vector<16xf32>
      %swap3A_115 = arith.constant 96 : i32
      %swap3A_116 = arith.index_cast %while3A_78 : i32 to index
      %swap3A_117 = arith.index_cast %swap3A_115 : i32 to index
      %swap3A_118 = tpu.vector_load %arg8[%swap3A_116, %swap3A_117] {strides = array<i32>} : memref<125x128xf32, #tpu.memory_space<vmem>>, vector<16xf32>,
      tpu.vector_store %arg8[%swap3A_116, %swap3A_117], %broadcast_in_dim3A_114 {strides = array<i32>} : memref<125x128xf32, #tpu.memory_space<vmem>>, vector<16xf32>,
      %broadcast_in_dim3A_119 = arith.constant 0.000000e+00 : f32
      %broadcast_in_dim3A_120 = vector.broadcast %broadcast_in_dim3A_119 : f32 to vector<16xf32>
      %swap3A_121 = arith.constant 112 : i32
      %swap3A_122 = arith.index_cast %while3A_78 : i32 to index
      %swap3A_123 = arith.index_cast %swap3A_121 : i32 to index
      %swap3A_124 = tpu.vector_load %arg8[%swap3A_122, %swap3A_123] {strides = array<i32>} : memref<125x128xf32, #tpu.memory_space<vmem>>, vector<16xf32>,
      tpu.vector_store %arg8[%swap3A_122, %swap3A_123], %broadcast_in_dim3A_120 {strides = array<i32>} : memref<125x128xf32, #tpu.memory_space<vmem>>, vector<16xf32>,
    }
    %while3A_10 = arith.constant 1 : i32
    scf.for %while3A_78 = %while3A_8 to %while3A_4 step %while3A_10  : i32 {
      %broadcast_in_dim3A = arith.constant 0.000000e+00 : f32
      %broadcast_in_dim3A_79 = vector.broadcast %broadcast_in_dim3A : f32 to vector<16xf32>
      %swap3A = arith.constant 0 : i32
      %swap3A_80 = arith.index_cast %while3A_78 : i32 to index
      %swap3A_81 = arith.index_cast %swap3A : i32 to index
      %swap3A_82 = tpu.vector_load %arg8[%swap3A_80, %swap3A_81] {strides = array<i32>} : memref<125x128xf32, #tpu.memory_space<vmem>>, vector<16xf32>,
      tpu.vector_store %arg8[%swap3A_80, %swap3A_81], %broadcast_in_dim3A_79 {strides = array<i32>} : memref<125x128xf32, #tpu.memory_space<vmem>>, vector<16xf32>,
      %broadcast_in_dim3A_83 = arith.constant 0.000000e+00 : f32
      %broadcast_in_dim3A_84 = vector.broadcast %broadcast_in_dim3A_83 : f32 to vector<16xf32>
      %swap3A_85 = arith.constant 16 : i32
      %swap3A_86 = arith.index_cast %while3A_78 : i32 to index
      %swap3A_87 = arith.index_cast %swap3A_85 : i32 to index
      %swap3A_88 = tpu.vector_load %arg8[%swap3A_86, %swap3A_87] {strides = array<i32>} : memref<125x128xf32, #tpu.memory_space<vmem>>, vector<16xf32>,
      tpu.vector_store %arg8[%swap3A_86, %swap3A_87], %broadcast_in_dim3A_84 {strides = array<i32>} : memref<125x128xf32, #tpu.memory_space<vmem>>, vector<16xf32>,
      %broadcast_in_dim3A_89 = arith.constant 0.000000e+00 : f32
      %broadcast_in_dim3A_90 = vector.broadcast %broadcast_in_dim3A_89 : f32 to vector<16xf32>
      %swap3A_91 = arith.constant 32 : i32
      %swap3A_92 = arith.index_cast %while3A_78 : i32 to index
      %swap3A_93 = arith.index_cast %swap3A_91 : i32 to index
      %swap3A_94 = tpu.vector_load %arg8[%swap3A_92, %swap3A_93] {strides = array<i32>} : memref<125x128xf32, #tpu.memory_space<vmem>>, vector<16xf32>,
      tpu.vector_store %arg8[%swap3A_92, %swap3A_93], %broadcast_in_dim3A_90 {strides = array<i32>} : memref<125x128xf32, #tpu.memory_space<vmem>>, vector<16xf32>,
      %broadcast_in_dim3A_95 = arith.constant 0.000000e+00 : f32
      %broadcast_in_dim3A_96 = vector.broadcast %broadcast_in_dim3A_95 : f32 to vector<16xf32>
      %swap3A_97 = arith.constant 48 : i32
      %swap3A_98 = arith.index_cast %while3A_78 : i32 to index
      %swap3A_99 = arith.index_cast %swap3A_97 : i32 to index
      %swap3A_100 = tpu.vector_load %arg8[%swap3A_98, %swap3A_99] {strides = array<i32>} : memref<125x128xf32, #tpu.memory_space<vmem>>, vector<16xf32>,
      tpu.vector_store %arg8[%swap3A_98, %swap3A_99], %broadcast_in_dim3A_96 {strides = array<i32>} : memref<125x128xf32, #tpu.memory_space<vmem>>, vector<16xf32>,
      %broadcast_in_dim3A_101 = arith.constant 0.000000e+00 : f32
      %broadcast_in_dim3A_102 = vector.broadcast %broadcast_in_dim3A_101 : f32 to vector<16xf32>
      %swap3A_103 = arith.constant 64 : i32
      %swap3A_104 = arith.index_cast %while3A_78 : i32 to index
      %swap3A_105 = arith.index_cast %swap3A_103 : i32 to index
      %swap3A_106 = tpu.vector_load %arg8[%swap3A_104, %swap3A_105] {strides = array<i32>} : memref<125x128xf32, #tpu.memory_space<vmem>>, vector<16xf32>,
      tpu.vector_store %arg8[%swap3A_104, %swap3A_105], %broadcast_in_dim3A_102 {strides = array<i32>} : memref<125x128xf32, #tpu.memory_space<vmem>>, vector<16xf32>,
      %broadcast_in_dim3A_107 = arith.constant 0.000000e+00 : f32
      %broadcast_in_dim3A_108 = vector.broadcast %broadcast_in_dim3A_107 : f32 to vector<16xf32>
      %swap3A_109 = arith.constant 80 : i32
      %swap3A_110 = arith.index_cast %while3A_78 : i32 to index
      %swap3A_111 = arith.index_cast %swap3A_109 : i32 to index
      %swap3A_112 = tpu.vector_load %arg8[%swap3A_110, %swap3A_111] {strides = array<i32>} : memref<125x128xf32, #tpu.memory_space<vmem>>, vector<16xf32>,
      tpu.vector_store %arg8[%swap3A_110, %swap3A_111], %broadcast_in_dim3A_108 {strides = array<i32>} : memref<125x128xf32, #tpu.memory_space<vmem>>, vector<16xf32>,
      %broadcast_in_dim3A_113 = arith.constant 0.000000e+00 : f32
      %broadcast_in_dim3A_114 = vector.broadcast %broadcast_in_dim3A_113 : f32 to vector<16xf32>
      %swap3A_115 = arith.constant 96 : i32
      %swap3A_116 = arith.index_cast %while3A_78 : i32 to index
      %swap3A_117 = arith.index_cast %swap3A_115 : i32 to index
      %swap3A_118 = tpu.vector_load %arg8[%swap3A_116, %swap3A_117] {strides = array<i32>} : memref<125x128xf32, #tpu.memory_space<vmem>>, vector<16xf32>,
      tpu.vector_store %arg8[%swap3A_116, %swap3A_117], %broadcast_in_dim3A_114 {strides = array<i32>} : memref<125x128xf32, #tpu.memory_space<vmem>>, vector<16xf32>,
      %broadcast_in_dim3A_119 = arith.constant 0.000000e+00 : f32
      %broadcast_in_dim3A_120 = vector.broadcast %broadcast_in_dim3A_119 : f32 to vector<16xf32>
      %swap3A_121 = arith.constant 112 : i32
      %swap3A_122 = arith.index_cast %while3A_78 : i32 to index
      %swap3A_123 = arith.index_cast %swap3A_121 : i32 to index
      %swap3A_124 = tpu.vector_load %arg8[%swap3A_122, %swap3A_123] {strides = array<i32>} : memref<125x128xf32, #tpu.memory_space<vmem>>, vector<16xf32>,
      tpu.vector_store %arg8[%swap3A_122, %swap3A_123], %broadcast_in_dim3A_120 {strides = array<i32>} : memref<125x128xf32, #tpu.memory_space<vmem>>, vector<16xf32>,
    }
    %mul3A_11 = arith.constant 640 : i32
    %mul3A_12 = arith.muli %arg1, %mul3A_11 : i32
    %add3A_13 = arith.constant 0 : i32
    %add3A_14 = arith.addi %mul3A_12, %add3A_13 : i32
    "tpu.region"() ({
      %run_scoped3A_78 = tpu.sem_alloc : memref<!tpu.dma_semaphore, #tpu.memory_space<semaphore_mem>>
      %dma_start3A_79 = arith.constant 0 : i32
      %dma_start3A_80 = tpu.memref_slice %arg10[%add3A_14, %dma_start3A_79] : memref<10240x128xf32, #tpu.memory_space<vmem_shared>> -> memref<125x128xf32, #tpu.memory_space<vmem_shared>>
      %dma_start3A_81 = arith.constant 0 : i32
      %dma_start3A_82 = tpu.memref_slice %arg10[%add3A_14, %dma_start3A_81] : memref<10240x128xf32, #tpu.memory_space<vmem_shared>> -> memref<125x128xf32, #tpu.memory_space<vmem_shared>>
      tpu.enqueue_dma source(%arg8 : memref<125x128xf32, #tpu.memory_space<vmem>>) target(%dma_start3A_82 : memref<125x128xf32, #tpu.memory_space<vmem_shared>>) target_semaphore(%run_scoped3A_78 : memref<!tpu.dma_semaphore, #tpu.memory_space<semaphore_mem>>)
      %dma_wait3A = arith.constant 0 : i32
      %dma_wait3A_83 = tpu.memref_slice %arg10[%add3A_14, %dma_wait3A] : memref<10240x128xf32, #tpu.memory_space<vmem_shared>> -> memref<125x128xf32, #tpu.memory_space<vmem_shared>>
      %dma_wait3A_84 = arith.constant 0 : i32
      %dma_wait3A_85 = tpu.memref_slice %arg10[%add3A_14, %dma_wait3A_84] : memref<10240x128xf32, #tpu.memory_space<vmem_shared>> -> memref<125x128xf32, #tpu.memory_space<vmem_shared>>
      tpu.wait_dma2 semaphore(%run_scoped3A_78 : memref<!tpu.dma_semaphore, #tpu.memory_space<semaphore_mem>>) src(%arg8 : memref<125x128xf32, #tpu.memory_space<vmem>>) dst(%dma_wait3A_85 : memref<125x128xf32, #tpu.memory_space<vmem_shared>>)
      tpu.yield
    }) : () -> ()
    %mul3A_15 = arith.constant 640 : i32
    %mul3A_16 = arith.muli %arg1, %mul3A_15 : i32
    %add3A_17 = arith.constant 125 : i32
    %add3A_18 = arith.addi %mul3A_16, %add3A_17 : i32
    "tpu.region"() ({
      %run_scoped3A_78 = tpu.sem_alloc : memref<!tpu.dma_semaphore, #tpu.memory_space<semaphore_mem>>
      %dma_start3A_79 = arith.constant 0 : i32
      %dma_start3A_80 = tpu.memref_slice %arg10[%add3A_18, %dma_start3A_79] : memref<10240x128xf32, #tpu.memory_space<vmem_shared>> -> memref<125x128xf32, #tpu.memory_space<vmem_shared>>
      %dma_start3A_81 = arith.constant 0 : i32
      %dma_start3A_82 = tpu.memref_slice %arg10[%add3A_18, %dma_start3A_81] : memref<10240x128xf32, #tpu.memory_space<vmem_shared>> -> memref<125x128xf32, #tpu.memory_space<vmem_shared>>
      tpu.enqueue_dma source(%arg8 : memref<125x128xf32, #tpu.memory_space<vmem>>) target(%dma_start3A_82 : memref<125x128xf32, #tpu.memory_space<vmem_shared>>) target_semaphore(%run_scoped3A_78 : memref<!tpu.dma_semaphore, #tpu.memory_space<semaphore_mem>>)
      %dma_wait3A = arith.constant 0 : i32
      %dma_wait3A_83 = tpu.memref_slice %arg10[%add3A_18, %dma_wait3A] : memref<10240x128xf32, #tpu.memory_space<vmem_shared>> -> memref<125x128xf32, #tpu.memory_space<vmem_shared>>
      %dma_wait3A_84 = arith.constant 0 : i32
      %dma_wait3A_85 = tpu.memref_slice %arg10[%add3A_18, %dma_wait3A_84] : memref<10240x128xf32, #tpu.memory_space<vmem_shared>> -> memref<125x128xf32, #tpu.memory_space<vmem_shared>>
      tpu.wait_dma2 semaphore(%run_scoped3A_78 : memref<!tpu.dma_semaphore, #tpu.memory_space<semaphore_mem>>) src(%arg8 : memref<125x128xf32, #tpu.memory_space<vmem>>) dst(%dma_wait3A_85 : memref<125x128xf32, #tpu.memory_space<vmem_shared>>)
      tpu.yield
    }) : () -> ()
    %mul3A_19 = arith.constant 640 : i32
    %mul3A_20 = arith.muli %arg1, %mul3A_19 : i32
    %add3A_21 = arith.constant 250 : i32
    %add3A_22 = arith.addi %mul3A_20, %add3A_21 : i32
    "tpu.region"() ({
      %run_scoped3A_78 = tpu.sem_alloc : memref<!tpu.dma_semaphore, #tpu.memory_space<semaphore_mem>>
      %dma_start3A_79 = arith.constant 0 : i32
      %dma_start3A_80 = tpu.memref_slice %arg10[%add3A_22, %dma_start3A_79] : memref<10240x128xf32, #tpu.memory_space<vmem_shared>> -> memref<125x128xf32, #tpu.memory_space<vmem_shared>>
      %dma_start3A_81 = arith.constant 0 : i32
      %dma_start3A_82 = tpu.memref_slice %arg10[%add3A_22, %dma_start3A_81] : memref<10240x128xf32, #tpu.memory_space<vmem_shared>> -> memref<125x128xf32, #tpu.memory_space<vmem_shared>>
      tpu.enqueue_dma source(%arg8 : memref<125x128xf32, #tpu.memory_space<vmem>>) target(%dma_start3A_82 : memref<125x128xf32, #tpu.memory_space<vmem_shared>>) target_semaphore(%run_scoped3A_78 : memref<!tpu.dma_semaphore, #tpu.memory_space<semaphore_mem>>)
      %dma_wait3A = arith.constant 0 : i32
      %dma_wait3A_83 = tpu.memref_slice %arg10[%add3A_22, %dma_wait3A] : memref<10240x128xf32, #tpu.memory_space<vmem_shared>> -> memref<125x128xf32, #tpu.memory_space<vmem_shared>>
      %dma_wait3A_84 = arith.constant 0 : i32
      %dma_wait3A_85 = tpu.memref_slice %arg10[%add3A_22, %dma_wait3A_84] : memref<10240x128xf32, #tpu.memory_space<vmem_shared>> -> memref<125x128xf32, #tpu.memory_space<vmem_shared>>
      tpu.wait_dma2 semaphore(%run_scoped3A_78 : memref<!tpu.dma_semaphore, #tpu.memory_space<semaphore_mem>>) src(%arg8 : memref<125x128xf32, #tpu.memory_space<vmem>>) dst(%dma_wait3A_85 : memref<125x128xf32, #tpu.memory_space<vmem_shared>>)
      tpu.yield
    }) : () -> ()
    %mul3A_23 = arith.constant 640 : i32
    %mul3A_24 = arith.muli %arg1, %mul3A_23 : i32
    %add3A_25 = arith.constant 375 : i32
    %add3A_26 = arith.addi %mul3A_24, %add3A_25 : i32
    "tpu.region"() ({
      %run_scoped3A_78 = tpu.sem_alloc : memref<!tpu.dma_semaphore, #tpu.memory_space<semaphore_mem>>
      %dma_start3A_79 = arith.constant 0 : i32
      %dma_start3A_80 = tpu.memref_slice %arg10[%add3A_26, %dma_start3A_79] : memref<10240x128xf32, #tpu.memory_space<vmem_shared>> -> memref<125x128xf32, #tpu.memory_space<vmem_shared>>
      %dma_start3A_81 = arith.constant 0 : i32
      %dma_start3A_82 = tpu.memref_slice %arg10[%add3A_26, %dma_start3A_81] : memref<10240x128xf32, #tpu.memory_space<vmem_shared>> -> memref<125x128xf32, #tpu.memory_space<vmem_shared>>
      tpu.enqueue_dma source(%arg8 : memref<125x128xf32, #tpu.memory_space<vmem>>) target(%dma_start3A_82 : memref<125x128xf32, #tpu.memory_space<vmem_shared>>) target_semaphore(%run_scoped3A_78 : memref<!tpu.dma_semaphore, #tpu.memory_space<semaphore_mem>>)
      %dma_wait3A = arith.constant 0 : i32
      %dma_wait3A_83 = tpu.memref_slice %arg10[%add3A_26, %dma_wait3A] : memref<10240x128xf32, #tpu.memory_space<vmem_shared>> -> memref<125x128xf32, #tpu.memory_space<vmem_shared>>
      %dma_wait3A_84 = arith.constant 0 : i32
      %dma_wait3A_85 = tpu.memref_slice %arg10[%add3A_26, %dma_wait3A_84] : memref<10240x128xf32, #tpu.memory_space<vmem_shared>> -> memref<125x128xf32, #tpu.memory_space<vmem_shared>>
      tpu.wait_dma2 semaphore(%run_scoped3A_78 : memref<!tpu.dma_semaphore, #tpu.memory_space<semaphore_mem>>) src(%arg8 : memref<125x128xf32, #tpu.memory_space<vmem>>) dst(%dma_wait3A_85 : memref<125x128xf32, #tpu.memory_space<vmem_shared>>)
      tpu.yield
    }) : () -> ()
    %mul3A_27 = arith.constant 640 : i32
    %mul3A_28 = arith.muli %arg1, %mul3A_27 : i32
    %add3A_29 = arith.constant 500 : i32
    %add3A_30 = arith.addi %mul3A_28, %add3A_29 : i32
    "tpu.region"() ({
      %run_scoped3A_78 = tpu.sem_alloc : memref<!tpu.dma_semaphore, #tpu.memory_space<semaphore_mem>>
      %dma_start3A_79 = arith.constant 0 : i32
      %dma_start3A_80 = tpu.memref_slice %arg10[%add3A_30, %dma_start3A_79] : memref<10240x128xf32, #tpu.memory_space<vmem_shared>> -> memref<125x128xf32, #tpu.memory_space<vmem_shared>>
      %dma_start3A_81 = arith.constant 0 : i32
      %dma_start3A_82 = tpu.memref_slice %arg10[%add3A_30, %dma_start3A_81] : memref<10240x128xf32, #tpu.memory_space<vmem_shared>> -> memref<125x128xf32, #tpu.memory_space<vmem_shared>>
      tpu.enqueue_dma source(%arg8 : memref<125x128xf32, #tpu.memory_space<vmem>>) target(%dma_start3A_82 : memref<125x128xf32, #tpu.memory_space<vmem_shared>>) target_semaphore(%run_scoped3A_78 : memref<!tpu.dma_semaphore, #tpu.memory_space<semaphore_mem>>)
      %dma_wait3A = arith.constant 0 : i32
      %dma_wait3A_83 = tpu.memref_slice %arg10[%add3A_30, %dma_wait3A] : memref<10240x128xf32, #tpu.memory_space<vmem_shared>> -> memref<125x128xf32, #tpu.memory_space<vmem_shared>>
      %dma_wait3A_84 = arith.constant 0 : i32
      %dma_wait3A_85 = tpu.memref_slice %arg10[%add3A_30, %dma_wait3A_84] : memref<10240x128xf32, #tpu.memory_space<vmem_shared>> -> memref<125x128xf32, #tpu.memory_space<vmem_shared>>
      tpu.wait_dma2 semaphore(%run_scoped3A_78 : memref<!tpu.dma_semaphore, #tpu.memory_space<semaphore_mem>>) src(%arg8 : memref<125x128xf32, #tpu.memory_space<vmem>>) dst(%dma_wait3A_85 : memref<125x128xf32, #tpu.memory_space<vmem_shared>>)
      tpu.yield
    }) : () -> ()
    %mul3A_31 = arith.constant 640 : i32
    %mul3A_32 = arith.muli %arg1, %mul3A_31 : i32
    %add3A_33 = arith.constant 625 : i32
    %add3A_34 = arith.addi %mul3A_32, %add3A_33 : i32
    "tpu.region"() ({
      %run_scoped3A_78 = tpu.sem_alloc : memref<!tpu.dma_semaphore, #tpu.memory_space<semaphore_mem>>
      %dma_start3A_79 = arith.constant 0 : i32
      %dma_start3A_80 = arith.constant 0 : i32
      %dma_start3A_81 = tpu.memref_slice %arg8[%dma_start3A_79, %dma_start3A_80] : memref<125x128xf32, #tpu.memory_space<vmem>> -> memref<15x128xf32, #tpu.memory_space<vmem>>
      %dma_start3A_82 = arith.constant 0 : i32
      %dma_start3A_83 = tpu.memref_slice %arg10[%add3A_34, %dma_start3A_82] : memref<10240x128xf32, #tpu.memory_space<vmem_shared>> -> memref<15x128xf32, #tpu.memory_space<vmem_shared>>
      %dma_start3A_84 = arith.constant 0 : i32
      %dma_start3A_85 = tpu.memref_slice %arg10[%add3A_34, %dma_start3A_84] : memref<10240x128xf32, #tpu.memory_space<vmem_shared>> -> memref<15x128xf32, #tpu.memory_space<vmem_shared>>
      %dma_start3A_86 = arith.constant 0 : i32
      %dma_start3A_87 = arith.constant 0 : i32
      %dma_start3A_88 = tpu.memref_slice %arg8[%dma_start3A_86, %dma_start3A_87] : memref<125x128xf32, #tpu.memory_space<vmem>> -> memref<15x128xf32, #tpu.memory_space<vmem>>
      tpu.enqueue_dma source(%dma_start3A_88 : memref<15x128xf32, #tpu.memory_space<vmem>>) target(%dma_start3A_85 : memref<15x128xf32, #tpu.memory_space<vmem_shared>>) target_semaphore(%run_scoped3A_78 : memref<!tpu.dma_semaphore, #tpu.memory_space<semaphore_mem>>)
      %dma_wait3A = arith.constant 0 : i32
      %dma_wait3A_89 = arith.constant 0 : i32
      %dma_wait3A_90 = tpu.memref_slice %arg8[%dma_wait3A, %dma_wait3A_89] : memref<125x128xf32, #tpu.memory_space<vmem>> -> memref<15x128xf32, #tpu.memory_space<vmem>>
      %dma_wait3A_91 = arith.constant 0 : i32
      %dma_wait3A_92 = tpu.memref_slice %arg10[%add3A_34, %dma_wait3A_91] : memref<10240x128xf32, #tpu.memory_space<vmem_shared>> -> memref<15x128xf32, #tpu.memory_space<vmem_shared>>
      %dma_wait3A_93 = arith.constant 0 : i32
      %dma_wait3A_94 = tpu.memref_slice %arg10[%add3A_34, %dma_wait3A_93] : memref<10240x128xf32, #tpu.memory_space<vmem_shared>> -> memref<15x128xf32, #tpu.memory_space<vmem_shared>>
      %dma_wait3A_95 = arith.constant 0 : i32
      %dma_wait3A_96 = arith.constant 0 : i32
      %dma_wait3A_97 = tpu.memref_slice %arg8[%dma_wait3A_95, %dma_wait3A_96] : memref<125x128xf32, #tpu.memory_space<vmem>> -> memref<15x128xf32, #tpu.memory_space<vmem>>
      tpu.wait_dma2 semaphore(%run_scoped3A_78 : memref<!tpu.dma_semaphore, #tpu.memory_space<semaphore_mem>>) src(%dma_wait3A_97 : memref<15x128xf32, #tpu.memory_space<vmem>>) dst(%dma_wait3A_94 : memref<15x128xf32, #tpu.memory_space<vmem_shared>>)
      tpu.yield
    }) : () -> ()
    %barrier3A = arith.constant 0 : index
    tpu.barrier barrier_id(%barrier3A)
    %run_scoped3A = arith.constant 0 : i32
    "tpu.region"() ({
      %run_scoped3A_78 = tpu.sem_alloc : memref<!tpu.dma_semaphore, #tpu.memory_space<semaphore_mem>>
      %dma_start3A_79 = arith.constant 0 : i32
      %dma_start3A_80 = tpu.memref_slice %arg2[%add3A, %run_scoped3A, %dma_start3A_79] : memref<32x80x125xi32, #tpu.memory_space<hbm>> -> memref<1x40x125xi32, #tpu.memory_space<hbm>>
      %dma_start3A_81 = tpu.memref_squeeze %dma_start3A_80 : memref<1x40x125xi32, #tpu.memory_space<hbm>> -> memref<40x125xi32, #tpu.memory_space<hbm>>
      %dma_start3A_82 = arith.constant 0 : i32
      %dma_start3A_83 = tpu.memref_slice %arg2[%add3A, %run_scoped3A, %dma_start3A_82] : memref<32x80x125xi32, #tpu.memory_space<hbm>> -> memref<1x40x125xi32, #tpu.memory_space<hbm>>
      %dma_start3A_84 = tpu.memref_squeeze %dma_start3A_83 : memref<1x40x125xi32, #tpu.memory_space<hbm>> -> memref<40x125xi32, #tpu.memory_space<hbm>>
      tpu.enqueue_dma source(%dma_start3A_84 : memref<40x125xi32, #tpu.memory_space<hbm>>) target(%arg6 : memref<40x125xi32, #tpu.memory_space<vmem>>) target_semaphore(%run_scoped3A_78 : memref<!tpu.dma_semaphore, #tpu.memory_space<semaphore_mem>>)
      %dma_wait3A = arith.constant 0 : i32
      %dma_wait3A_85 = tpu.memref_slice %arg2[%add3A, %run_scoped3A, %dma_wait3A] : memref<32x80x125xi32, #tpu.memory_space<hbm>> -> memref<1x40x125xi32, #tpu.memory_space<hbm>>
      %dma_wait3A_86 = tpu.memref_squeeze %dma_wait3A_85 : memref<1x40x125xi32, #tpu.memory_space<hbm>> -> memref<40x125xi32, #tpu.memory_space<hbm>>
      %dma_wait3A_87 = arith.constant 0 : i32
      %dma_wait3A_88 = tpu.memref_slice %arg2[%add3A, %run_scoped3A, %dma_wait3A_87] : memref<32x80x125xi32, #tpu.memory_space<hbm>> -> memref<1x40x125xi32, #tpu.memory_space<hbm>>
      %dma_wait3A_89 = tpu.memref_squeeze %dma_wait3A_88 : memref<1x40x125xi32, #tpu.memory_space<hbm>> -> memref<40x125xi32, #tpu.memory_space<hbm>>
      tpu.wait_dma2 semaphore(%run_scoped3A_78 : memref<!tpu.dma_semaphore, #tpu.memory_space<semaphore_mem>>) src(%dma_wait3A_89 : memref<40x125xi32, #tpu.memory_space<hbm>>) dst(%arg6 : memref<40x125xi32, #tpu.memory_space<vmem>>)
      tpu.yield
    }) : () -> ()
    %run_scoped3A_35 = arith.constant 0 : i32
    "tpu.region"() ({
      %run_scoped3A_78 = tpu.sem_alloc : memref<!tpu.dma_semaphore, #tpu.memory_space<semaphore_mem>>
      %dma_start3A_79 = arith.constant 0 : i32
      %dma_start3A_80 = tpu.memref_slice %arg3[%add3A, %run_scoped3A_35, %dma_start3A_79] : memref<32x80x125xi32, #tpu.memory_space<hbm>> -> memref<1x40x125xi32, #tpu.memory_space<hbm>>
      %dma_start3A_81 = tpu.memref_squeeze %dma_start3A_80 : memref<1x40x125xi32, #tpu.memory_space<hbm>> -> memref<40x125xi32, #tpu.memory_space<hbm>>
      %dma_start3A_82 = arith.constant 0 : i32
      %dma_start3A_83 = tpu.memref_slice %arg3[%add3A, %run_scoped3A_35, %dma_start3A_82] : memref<32x80x125xi32, #tpu.memory_space<hbm>> -> memref<1x40x125xi32, #tpu.memory_space<hbm>>
      %dma_start3A_84 = tpu.memref_squeeze %dma_start3A_83 : memref<1x40x125xi32, #tpu.memory_space<hbm>> -> memref<40x125xi32, #tpu.memory_space<hbm>>
      tpu.enqueue_dma source(%dma_start3A_84 : memref<40x125xi32, #tpu.memory_space<hbm>>) target(%arg7 : memref<40x125xi32, #tpu.memory_space<vmem>>) target_semaphore(%run_scoped3A_78 : memref<!tpu.dma_semaphore, #tpu.memory_space<semaphore_mem>>)
      %dma_wait3A = arith.constant 0 : i32
      %dma_wait3A_85 = tpu.memref_slice %arg3[%add3A, %run_scoped3A_35, %dma_wait3A] : memref<32x80x125xi32, #tpu.memory_space<hbm>> -> memref<1x40x125xi32, #tpu.memory_space<hbm>>
      %dma_wait3A_86 = tpu.memref_squeeze %dma_wait3A_85 : memref<1x40x125xi32, #tpu.memory_space<hbm>> -> memref<40x125xi32, #tpu.memory_space<hbm>>
      %dma_wait3A_87 = arith.constant 0 : i32
      %dma_wait3A_88 = tpu.memref_slice %arg3[%add3A, %run_scoped3A_35, %dma_wait3A_87] : memref<32x80x125xi32, #tpu.memory_space<hbm>> -> memref<1x40x125xi32, #tpu.memory_space<hbm>>
      %dma_wait3A_89 = tpu.memref_squeeze %dma_wait3A_88 : memref<1x40x125xi32, #tpu.memory_space<hbm>> -> memref<40x125xi32, #tpu.memory_space<hbm>>
      tpu.wait_dma2 semaphore(%run_scoped3A_78 : memref<!tpu.dma_semaphore, #tpu.memory_space<semaphore_mem>>) src(%dma_wait3A_89 : memref<40x125xi32, #tpu.memory_space<hbm>>) dst(%arg7 : memref<40x125xi32, #tpu.memory_space<vmem>>)
      tpu.yield
    }) : () -> ()
    %dma_start3A = arith.constant 0 : i32
    %dma_start3A_36 = arith.constant 0 : i32
    %dma_start3A_37 = tpu.memref_slice %arg6[%dma_start3A, %dma_start3A_36] : memref<40x125xi32, #tpu.memory_space<vmem>> -> memref<1x125xi32, #tpu.memory_space<vmem>>
    %dma_start3A_38 = tpu.memref_squeeze %dma_start3A_37 : memref<1x125xi32, #tpu.memory_space<vmem>> -> memref<125xi32, #tpu.memory_space<vmem>>
    %dma_start3A_39 = arith.constant 0 : i32
    %dma_start3A_40 = arith.constant 0 : i32
    %dma_start3A_41 = tpu.memref_slice %arg4[%dma_start3A_39, %dma_start3A_40] : memref<10240x128xf32, #tpu.memory_space<hbm>> -> memref<10240x128xf32, #tpu.memory_space<hbm>>
    tpu.enqueue_indirect_dma source(%dma_start3A_41 : memref<10240x128xf32, #tpu.memory_space<hbm>>) target(%arg8 : memref<125x128xf32, #tpu.memory_space<vmem>>) offsets(%dma_start3A_38 : memref<125xi32, #tpu.memory_space<vmem>>) semaphore(%arg11 : memref<!tpu.dma_semaphore, #tpu.memory_space<semaphore_mem>>)
    %while3A_42 = arith.constant 0 : i32
    %while3A_43 = arith.constant 0 : i32
    %while3A_44 = arith.constant 20 : i32
    %while3A_45 = arith.subi %while3A_44, %while3A_43 : i32
    %while3A_46 = arith.addi %while3A_43, %while3A_45 : i32
    %while3A_47 = arith.constant 1 : i32
    %while3A_48 = arith.divsi %while3A_45, %while3A_47 : i32
    %while3A_49 = arith.muli %while3A_48, %while3A_47 : i32
    %while3A_50 = arith.addi %while3A_43, %while3A_49 : i32
    %while3A_51 = arith.constant 1 : i32
    scf.for %while3A_78 = %while3A_43 to %while3A_50 step %while3A_51  : i32 {
      %mul3A_79 = arith.constant 2 : i32
      %mul3A_80 = arith.muli %while3A_78, %mul3A_79 : i32
      %add3A_81 = arith.constant 1 : i32
      %add3A_82 = arith.addi %mul3A_80, %add3A_81 : i32
      %dma_start3A_83 = arith.constant 0 : i32
      %dma_start3A_84 = tpu.memref_slice %arg6[%add3A_82, %dma_start3A_83] : memref<40x125xi32, #tpu.memory_space<vmem>> -> memref<1x125xi32, #tpu.memory_space<vmem>>
      %dma_start3A_85 = tpu.memref_squeeze %dma_start3A_84 : memref<1x125xi32, #tpu.memory_space<vmem>> -> memref<125xi32, #tpu.memory_space<vmem>>
      %dma_start3A_86 = arith.constant 0 : i32
      %dma_start3A_87 = arith.constant 0 : i32
      %dma_start3A_88 = tpu.memref_slice %arg4[%dma_start3A_86, %dma_start3A_87] : memref<10240x128xf32, #tpu.memory_space<hbm>> -> memref<10240x128xf32, #tpu.memory_space<hbm>>
      tpu.enqueue_indirect_dma source(%dma_start3A_88 : memref<10240x128xf32, #tpu.memory_space<hbm>>) target(%arg9 : memref<125x128xf32, #tpu.memory_space<vmem>>) offsets(%dma_start3A_85 : memref<125xi32, #tpu.memory_space<vmem>>) semaphore(%arg12 : memref<!tpu.dma_semaphore, #tpu.memory_space<semaphore_mem>>)
      %dma_wait3A = arith.constant 0 : i32
      %dma_wait3A_89 = tpu.memref_slice %arg6[%mul3A_80, %dma_wait3A] : memref<40x125xi32, #tpu.memory_space<vmem>> -> memref<1x125xi32, #tpu.memory_space<vmem>>
      %dma_wait3A_90 = tpu.memref_squeeze %dma_wait3A_89 : memref<1x125xi32, #tpu.memory_space<vmem>> -> memref<125xi32, #tpu.memory_space<vmem>>
      %dma_wait3A_91 = arith.constant 0 : i32
      %dma_wait3A_92 = arith.constant 0 : i32
      %dma_wait3A_93 = tpu.memref_slice %arg4[%dma_wait3A_91, %dma_wait3A_92] : memref<10240x128xf32, #tpu.memory_space<hbm>> -> memref<10240x128xf32, #tpu.memory_space<hbm>>
      tpu.wait_indirect_dma semaphore(%arg11 : memref<!tpu.dma_semaphore, #tpu.memory_space<semaphore_mem>>) src(%dma_wait3A_93 : memref<10240x128xf32, #tpu.memory_space<hbm>>) dst(%arg8 : memref<125x128xf32, #tpu.memory_space<vmem>>)
      "tpu.region"() ({
        %run_scoped3A_102 = tpu.sem_alloc : memref<!tpu.dma_semaphore, #tpu.memory_space<semaphore_mem>>
        %dma_start3A_103 = arith.constant 0 : i32
        %dma_start3A_104 = tpu.memref_slice %arg7[%mul3A_80, %dma_start3A_103] : memref<40x125xi32, #tpu.memory_space<vmem>> -> memref<1x125xi32, #tpu.memory_space<vmem>>
        %dma_start3A_105 = tpu.memref_squeeze %dma_start3A_104 : memref<1x125xi32, #tpu.memory_space<vmem>> -> memref<125xi32, #tpu.memory_space<vmem>>
        %dma_start3A_106 = arith.constant 0 : i32
        %dma_start3A_107 = arith.constant 0 : i32
        %dma_start3A_108 = tpu.memref_slice %arg10[%dma_start3A_106, %dma_start3A_107] : memref<10240x128xf32, #tpu.memory_space<vmem_shared>> -> memref<10240x128xf32, #tpu.memory_space<vmem_shared>>
        tpu.enqueue_indirect_dma source(%arg8 : memref<125x128xf32, #tpu.memory_space<vmem>>) target(%dma_start3A_108 : memref<10240x128xf32, #tpu.memory_space<vmem_shared>>) offsets(%dma_start3A_105 : memref<125xi32, #tpu.memory_space<vmem>>) semaphore(%run_scoped3A_102 : memref<!tpu.dma_semaphore, #tpu.memory_space<semaphore_mem>>) {add = true}
        %dma_wait3A_109 = arith.constant 0 : i32
        %dma_wait3A_110 = tpu.memref_slice %arg7[%mul3A_80, %dma_wait3A_109] : memref<40x125xi32, #tpu.memory_space<vmem>> -> memref<1x125xi32, #tpu.memory_space<vmem>>
        %dma_wait3A_111 = tpu.memref_squeeze %dma_wait3A_110 : memref<1x125xi32, #tpu.memory_space<vmem>> -> memref<125xi32, #tpu.memory_space<vmem>>
        %dma_wait3A_112 = arith.constant 0 : i32
        %dma_wait3A_113 = arith.constant 0 : i32
        %dma_wait3A_114 = tpu.memref_slice %arg10[%dma_wait3A_112, %dma_wait3A_113] : memref<10240x128xf32, #tpu.memory_space<vmem_shared>> -> memref<10240x128xf32, #tpu.memory_space<vmem_shared>>
        tpu.wait_indirect_dma semaphore(%run_scoped3A_102 : memref<!tpu.dma_semaphore, #tpu.memory_space<semaphore_mem>>) src(%arg8 : memref<125x128xf32, #tpu.memory_space<vmem>>) dst(%dma_wait3A_114 : memref<10240x128xf32, #tpu.memory_space<vmem_shared>>)
        tpu.yield
      }) : () -> ()
      %lt3A = arith.constant 19 : i32
      %lt3A_94 = arith.cmpi slt, %while3A_78, %lt3A : i32
      %convert_element_type3A = arith.extui %lt3A_94 : i1 to i32
      %cond3A = arith.constant 0 : i32
      %cond3A_95 = arith.cmpi ne, %convert_element_type3A, %cond3A : i32
      scf.if %cond3A_95 {
        %add3A_102 = arith.constant 2 : i32
        %add3A_103 = arith.addi %mul3A_80, %add3A_102 : i32
        %dma_start3A_104 = arith.constant 0 : i32
        %dma_start3A_105 = tpu.memref_slice %arg6[%add3A_103, %dma_start3A_104] : memref<40x125xi32, #tpu.memory_space<vmem>> -> memref<1x125xi32, #tpu.memory_space<vmem>>
        %dma_start3A_106 = tpu.memref_squeeze %dma_start3A_105 : memref<1x125xi32, #tpu.memory_space<vmem>> -> memref<125xi32, #tpu.memory_space<vmem>>
        %dma_start3A_107 = arith.constant 0 : i32
        %dma_start3A_108 = arith.constant 0 : i32
        %dma_start3A_109 = tpu.memref_slice %arg4[%dma_start3A_107, %dma_start3A_108] : memref<10240x128xf32, #tpu.memory_space<hbm>> -> memref<10240x128xf32, #tpu.memory_space<hbm>>
        tpu.enqueue_indirect_dma source(%dma_start3A_109 : memref<10240x128xf32, #tpu.memory_space<hbm>>) target(%arg8 : memref<125x128xf32, #tpu.memory_space<vmem>>) offsets(%dma_start3A_106 : memref<125xi32, #tpu.memory_space<vmem>>) semaphore(%arg11 : memref<!tpu.dma_semaphore, #tpu.memory_space<semaphore_mem>>)
      } else {
      }
      %dma_wait3A_96 = arith.constant 0 : i32
      %dma_wait3A_97 = tpu.memref_slice %arg6[%add3A_82, %dma_wait3A_96] : memref<40x125xi32, #tpu.memory_space<vmem>> -> memref<1x125xi32, #tpu.memory_space<vmem>>
      %dma_wait3A_98 = tpu.memref_squeeze %dma_wait3A_97 : memref<1x125xi32, #tpu.memory_space<vmem>> -> memref<125xi32, #tpu.memory_space<vmem>>
      %dma_wait3A_99 = arith.constant 0 : i32
      %dma_wait3A_100 = arith.constant 0 : i32
      %dma_wait3A_101 = tpu.memref_slice %arg4[%dma_wait3A_99, %dma_wait3A_100] : memref<10240x128xf32, #tpu.memory_space<hbm>> -> memref<10240x128xf32, #tpu.memory_space<hbm>>
      tpu.wait_indirect_dma semaphore(%arg12 : memref<!tpu.dma_semaphore, #tpu.memory_space<semaphore_mem>>) src(%dma_wait3A_101 : memref<10240x128xf32, #tpu.memory_space<hbm>>) dst(%arg9 : memref<125x128xf32, #tpu.memory_space<vmem>>)
      "tpu.region"() ({
        %run_scoped3A_102 = tpu.sem_alloc : memref<!tpu.dma_semaphore, #tpu.memory_space<semaphore_mem>>
        %dma_start3A_103 = arith.constant 0 : i32
        %dma_start3A_104 = tpu.memref_slice %arg7[%add3A_82, %dma_start3A_103] : memref<40x125xi32, #tpu.memory_space<vmem>> -> memref<1x125xi32, #tpu.memory_space<vmem>>
        %dma_start3A_105 = tpu.memref_squeeze %dma_start3A_104 : memref<1x125xi32, #tpu.memory_space<vmem>> -> memref<125xi32, #tpu.memory_space<vmem>>
        %dma_start3A_106 = arith.constant 0 : i32
        %dma_start3A_107 = arith.constant 0 : i32
        %dma_start3A_108 = tpu.memref_slice %arg10[%dma_start3A_106, %dma_start3A_107] : memref<10240x128xf32, #tpu.memory_space<vmem_shared>> -> memref<10240x128xf32, #tpu.memory_space<vmem_shared>>
        tpu.enqueue_indirect_dma source(%arg9 : memref<125x128xf32, #tpu.memory_space<vmem>>) target(%dma_start3A_108 : memref<10240x128xf32, #tpu.memory_space<vmem_shared>>) offsets(%dma_start3A_105 : memref<125xi32, #tpu.memory_space<vmem>>) semaphore(%run_scoped3A_102 : memref<!tpu.dma_semaphore, #tpu.memory_space<semaphore_mem>>) {add = true}
        %dma_wait3A_109 = arith.constant 0 : i32
        %dma_wait3A_110 = tpu.memref_slice %arg7[%add3A_82, %dma_wait3A_109] : memref<40x125xi32, #tpu.memory_space<vmem>> -> memref<1x125xi32, #tpu.memory_space<vmem>>
        %dma_wait3A_111 = tpu.memref_squeeze %dma_wait3A_110 : memref<1x125xi32, #tpu.memory_space<vmem>> -> memref<125xi32, #tpu.memory_space<vmem>>
        %dma_wait3A_112 = arith.constant 0 : i32
        %dma_wait3A_113 = arith.constant 0 : i32
        %dma_wait3A_114 = tpu.memref_slice %arg10[%dma_wait3A_112, %dma_wait3A_113] : memref<10240x128xf32, #tpu.memory_space<vmem_shared>> -> memref<10240x128xf32, #tpu.memory_space<vmem_shared>>
        tpu.wait_indirect_dma semaphore(%run_scoped3A_102 : memref<!tpu.dma_semaphore, #tpu.memory_space<semaphore_mem>>) src(%arg9 : memref<125x128xf32, #tpu.memory_space<vmem>>) dst(%dma_wait3A_114 : memref<10240x128xf32, #tpu.memory_space<vmem_shared>>)
        tpu.yield
      }) : () -> ()
    }
    %while3A_52 = arith.constant 1 : i32
    scf.for %while3A_78 = %while3A_50 to %while3A_46 step %while3A_52  : i32 {
      %mul3A_79 = arith.constant 2 : i32
      %mul3A_80 = arith.muli %while3A_78, %mul3A_79 : i32
      %add3A_81 = arith.constant 1 : i32
      %add3A_82 = arith.addi %mul3A_80, %add3A_81 : i32
      %dma_start3A_83 = arith.constant 0 : i32
      %dma_start3A_84 = tpu.memref_slice %arg6[%add3A_82, %dma_start3A_83] : memref<40x125xi32, #tpu.memory_space<vmem>> -> memref<1x125xi32, #tpu.memory_space<vmem>>
      %dma_start3A_85 = tpu.memref_squeeze %dma_start3A_84 : memref<1x125xi32, #tpu.memory_space<vmem>> -> memref<125xi32, #tpu.memory_space<vmem>>
      %dma_start3A_86 = arith.constant 0 : i32
      %dma_start3A_87 = arith.constant 0 : i32
      %dma_start3A_88 = tpu.memref_slice %arg4[%dma_start3A_86, %dma_start3A_87] : memref<10240x128xf32, #tpu.memory_space<hbm>> -> memref<10240x128xf32, #tpu.memory_space<hbm>>
      tpu.enqueue_indirect_dma source(%dma_start3A_88 : memref<10240x128xf32, #tpu.memory_space<hbm>>) target(%arg9 : memref<125x128xf32, #tpu.memory_space<vmem>>) offsets(%dma_start3A_85 : memref<125xi32, #tpu.memory_space<vmem>>) semaphore(%arg12 : memref<!tpu.dma_semaphore, #tpu.memory_space<semaphore_mem>>)
      %dma_wait3A = arith.constant 0 : i32
      %dma_wait3A_89 = tpu.memref_slice %arg6[%mul3A_80, %dma_wait3A] : memref<40x125xi32, #tpu.memory_space<vmem>> -> memref<1x125xi32, #tpu.memory_space<vmem>>
      %dma_wait3A_90 = tpu.memref_squeeze %dma_wait3A_89 : memref<1x125xi32, #tpu.memory_space<vmem>> -> memref<125xi32, #tpu.memory_space<vmem>>
      %dma_wait3A_91 = arith.constant 0 : i32
      %dma_wait3A_92 = arith.constant 0 : i32
      %dma_wait3A_93 = tpu.memref_slice %arg4[%dma_wait3A_91, %dma_wait3A_92] : memref<10240x128xf32, #tpu.memory_space<hbm>> -> memref<10240x128xf32, #tpu.memory_space<hbm>>
      tpu.wait_indirect_dma semaphore(%arg11 : memref<!tpu.dma_semaphore, #tpu.memory_space<semaphore_mem>>) src(%dma_wait3A_93 : memref<10240x128xf32, #tpu.memory_space<hbm>>) dst(%arg8 : memref<125x128xf32, #tpu.memory_space<vmem>>)
      "tpu.region"() ({
        %run_scoped3A_102 = tpu.sem_alloc : memref<!tpu.dma_semaphore, #tpu.memory_space<semaphore_mem>>
        %dma_start3A_103 = arith.constant 0 : i32
        %dma_start3A_104 = tpu.memref_slice %arg7[%mul3A_80, %dma_start3A_103] : memref<40x125xi32, #tpu.memory_space<vmem>> -> memref<1x125xi32, #tpu.memory_space<vmem>>
        %dma_start3A_105 = tpu.memref_squeeze %dma_start3A_104 : memref<1x125xi32, #tpu.memory_space<vmem>> -> memref<125xi32, #tpu.memory_space<vmem>>
        %dma_start3A_106 = arith.constant 0 : i32
        %dma_start3A_107 = arith.constant 0 : i32
        %dma_start3A_108 = tpu.memref_slice %arg10[%dma_start3A_106, %dma_start3A_107] : memref<10240x128xf32, #tpu.memory_space<vmem_shared>> -> memref<10240x128xf32, #tpu.memory_space<vmem_shared>>
        tpu.enqueue_indirect_dma source(%arg8 : memref<125x128xf32, #tpu.memory_space<vmem>>) target(%dma_start3A_108 : memref<10240x128xf32, #tpu.memory_space<vmem_shared>>) offsets(%dma_start3A_105 : memref<125xi32, #tpu.memory_space<vmem>>) semaphore(%run_scoped3A_102 : memref<!tpu.dma_semaphore, #tpu.memory_space<semaphore_mem>>) {add = true}
        %dma_wait3A_109 = arith.constant 0 : i32
        %dma_wait3A_110 = tpu.memref_slice %arg7[%mul3A_80, %dma_wait3A_109] : memref<40x125xi32, #tpu.memory_space<vmem>> -> memref<1x125xi32, #tpu.memory_space<vmem>>
        %dma_wait3A_111 = tpu.memref_squeeze %dma_wait3A_110 : memref<1x125xi32, #tpu.memory_space<vmem>> -> memref<125xi32, #tpu.memory_space<vmem>>
        %dma_wait3A_112 = arith.constant 0 : i32
        %dma_wait3A_113 = arith.constant 0 : i32
        %dma_wait3A_114 = tpu.memref_slice %arg10[%dma_wait3A_112, %dma_wait3A_113] : memref<10240x128xf32, #tpu.memory_space<vmem_shared>> -> memref<10240x128xf32, #tpu.memory_space<vmem_shared>>
        tpu.wait_indirect_dma semaphore(%run_scoped3A_102 : memref<!tpu.dma_semaphore, #tpu.memory_space<semaphore_mem>>) src(%arg8 : memref<125x128xf32, #tpu.memory_space<vmem>>) dst(%dma_wait3A_114 : memref<10240x128xf32, #tpu.memory_space<vmem_shared>>)
        tpu.yield
      }) : () -> ()
      %lt3A = arith.constant 19 : i32
      %lt3A_94 = arith.cmpi slt, %while3A_78, %lt3A : i32
      %convert_element_type3A = arith.extui %lt3A_94 : i1 to i32
      %cond3A = arith.constant 0 : i32
      %cond3A_95 = arith.cmpi ne, %convert_element_type3A, %cond3A : i32
      scf.if %cond3A_95 {
        %add3A_102 = arith.constant 2 : i32
        %add3A_103 = arith.addi %mul3A_80, %add3A_102 : i32
        %dma_start3A_104 = arith.constant 0 : i32
        %dma_start3A_105 = tpu.memref_slice %arg6[%add3A_103, %dma_start3A_104] : memref<40x125xi32, #tpu.memory_space<vmem>> -> memref<1x125xi32, #tpu.memory_space<vmem>>
        %dma_start3A_106 = tpu.memref_squeeze %dma_start3A_105 : memref<1x125xi32, #tpu.memory_space<vmem>> -> memref<125xi32, #tpu.memory_space<vmem>>
        %dma_start3A_107 = arith.constant 0 : i32
        %dma_start3A_108 = arith.constant 0 : i32
        %dma_start3A_109 = tpu.memref_slice %arg4[%dma_start3A_107, %dma_start3A_108] : memref<10240x128xf32, #tpu.memory_space<hbm>> -> memref<10240x128xf32, #tpu.memory_space<hbm>>
        tpu.enqueue_indirect_dma source(%dma_start3A_109 : memref<10240x128xf32, #tpu.memory_space<hbm>>) target(%arg8 : memref<125x128xf32, #tpu.memory_space<vmem>>) offsets(%dma_start3A_106 : memref<125xi32, #tpu.memory_space<vmem>>) semaphore(%arg11 : memref<!tpu.dma_semaphore, #tpu.memory_space<semaphore_mem>>)
      } else {
      }
      %dma_wait3A_96 = arith.constant 0 : i32
      %dma_wait3A_97 = tpu.memref_slice %arg6[%add3A_82, %dma_wait3A_96] : memref<40x125xi32, #tpu.memory_space<vmem>> -> memref<1x125xi32, #tpu.memory_space<vmem>>
      %dma_wait3A_98 = tpu.memref_squeeze %dma_wait3A_97 : memref<1x125xi32, #tpu.memory_space<vmem>> -> memref<125xi32, #tpu.memory_space<vmem>>
      %dma_wait3A_99 = arith.constant 0 : i32
      %dma_wait3A_100 = arith.constant 0 : i32
      %dma_wait3A_101 = tpu.memref_slice %arg4[%dma_wait3A_99, %dma_wait3A_100] : memref<10240x128xf32, #tpu.memory_space<hbm>> -> memref<10240x128xf32, #tpu.memory_space<hbm>>
      tpu.wait_indirect_dma semaphore(%arg12 : memref<!tpu.dma_semaphore, #tpu.memory_space<semaphore_mem>>) src(%dma_wait3A_101 : memref<10240x128xf32, #tpu.memory_space<hbm>>) dst(%arg9 : memref<125x128xf32, #tpu.memory_space<vmem>>)
      "tpu.region"() ({
        %run_scoped3A_102 = tpu.sem_alloc : memref<!tpu.dma_semaphore, #tpu.memory_space<semaphore_mem>>
        %dma_start3A_103 = arith.constant 0 : i32
        %dma_start3A_104 = tpu.memref_slice %arg7[%add3A_82, %dma_start3A_103] : memref<40x125xi32, #tpu.memory_space<vmem>> -> memref<1x125xi32, #tpu.memory_space<vmem>>
        %dma_start3A_105 = tpu.memref_squeeze %dma_start3A_104 : memref<1x125xi32, #tpu.memory_space<vmem>> -> memref<125xi32, #tpu.memory_space<vmem>>
        %dma_start3A_106 = arith.constant 0 : i32
        %dma_start3A_107 = arith.constant 0 : i32
        %dma_start3A_108 = tpu.memref_slice %arg10[%dma_start3A_106, %dma_start3A_107] : memref<10240x128xf32, #tpu.memory_space<vmem_shared>> -> memref<10240x128xf32, #tpu.memory_space<vmem_shared>>
        tpu.enqueue_indirect_dma source(%arg9 : memref<125x128xf32, #tpu.memory_space<vmem>>) target(%dma_start3A_108 : memref<10240x128xf32, #tpu.memory_space<vmem_shared>>) offsets(%dma_start3A_105 : memref<125xi32, #tpu.memory_space<vmem>>) semaphore(%run_scoped3A_102 : memref<!tpu.dma_semaphore, #tpu.memory_space<semaphore_mem>>) {add = true}
        %dma_wait3A_109 = arith.constant 0 : i32
        %dma_wait3A_110 = tpu.memref_slice %arg7[%add3A_82, %dma_wait3A_109] : memref<40x125xi32, #tpu.memory_space<vmem>> -> memref<1x125xi32, #tpu.memory_space<vmem>>
        %dma_wait3A_111 = tpu.memref_squeeze %dma_wait3A_110 : memref<1x125xi32, #tpu.memory_space<vmem>> -> memref<125xi32, #tpu.memory_space<vmem>>
        %dma_wait3A_112 = arith.constant 0 : i32
        %dma_wait3A_113 = arith.constant 0 : i32
        %dma_wait3A_114 = tpu.memref_slice %arg10[%dma_wait3A_112, %dma_wait3A_113] : memref<10240x128xf32, #tpu.memory_space<vmem_shared>> -> memref<10240x128xf32, #tpu.memory_space<vmem_shared>>
        tpu.wait_indirect_dma semaphore(%run_scoped3A_102 : memref<!tpu.dma_semaphore, #tpu.memory_space<semaphore_mem>>) src(%arg9 : memref<125x128xf32, #tpu.memory_space<vmem>>) dst(%dma_wait3A_114 : memref<10240x128xf32, #tpu.memory_space<vmem_shared>>)
        tpu.yield
      }) : () -> ()
    }
    %run_scoped3A_53 = arith.constant 40 : i32
    "tpu.region"() ({
      %run_scoped3A_78 = tpu.sem_alloc : memref<!tpu.dma_semaphore, #tpu.memory_space<semaphore_mem>>
      %dma_start3A_79 = arith.constant 0 : i32
      %dma_start3A_80 = tpu.memref_slice %arg2[%add3A, %run_scoped3A_53, %dma_start3A_79] : memref<32x80x125xi32, #tpu.memory_space<hbm>> -> memref<1x40x125xi32, #tpu.memory_space<hbm>>
      %dma_start3A_81 = tpu.memref_squeeze %dma_start3A_80 : memref<1x40x125xi32, #tpu.memory_space<hbm>> -> memref<40x125xi32, #tpu.memory_space<hbm>>
      %dma_start3A_82 = arith.constant 0 : i32
      %dma_start3A_83 = tpu.memref_slice %arg2[%add3A, %run_scoped3A_53, %dma_start3A_82] : memref<32x80x125xi32, #tpu.memory_space<hbm>> -> memref<1x40x125xi32, #tpu.memory_space<hbm>>
      %dma_start3A_84 = tpu.memref_squeeze %dma_start3A_83 : memref<1x40x125xi32, #tpu.memory_space<hbm>> -> memref<40x125xi32, #tpu.memory_space<hbm>>
      tpu.enqueue_dma source(%dma_start3A_84 : memref<40x125xi32, #tpu.memory_space<hbm>>) target(%arg6 : memref<40x125xi32, #tpu.memory_space<vmem>>) target_semaphore(%run_scoped3A_78 : memref<!tpu.dma_semaphore, #tpu.memory_space<semaphore_mem>>)
      %dma_wait3A = arith.constant 0 : i32
      %dma_wait3A_85 = tpu.memref_slice %arg2[%add3A, %run_scoped3A_53, %dma_wait3A] : memref<32x80x125xi32, #tpu.memory_space<hbm>> -> memref<1x40x125xi32, #tpu.memory_space<hbm>>
      %dma_wait3A_86 = tpu.memref_squeeze %dma_wait3A_85 : memref<1x40x125xi32, #tpu.memory_space<hbm>> -> memref<40x125xi32, #tpu.memory_space<hbm>>
      %dma_wait3A_87 = arith.constant 0 : i32
      %dma_wait3A_88 = tpu.memref_slice %arg2[%add3A, %run_scoped3A_53, %dma_wait3A_87] : memref<32x80x125xi32, #tpu.memory_space<hbm>> -> memref<1x40x125xi32, #tpu.memory_space<hbm>>
      %dma_wait3A_89 = tpu.memref_squeeze %dma_wait3A_88 : memref<1x40x125xi32, #tpu.memory_space<hbm>> -> memref<40x125xi32, #tpu.memory_space<hbm>>
      tpu.wait_dma2 semaphore(%run_scoped3A_78 : memref<!tpu.dma_semaphore, #tpu.memory_space<semaphore_mem>>) src(%dma_wait3A_89 : memref<40x125xi32, #tpu.memory_space<hbm>>) dst(%arg6 : memref<40x125xi32, #tpu.memory_space<vmem>>)
      tpu.yield
    }) : () -> ()
    %run_scoped3A_54 = arith.constant 40 : i32
    "tpu.region"() ({
      %run_scoped3A_78 = tpu.sem_alloc : memref<!tpu.dma_semaphore, #tpu.memory_space<semaphore_mem>>
      %dma_start3A_79 = arith.constant 0 : i32
      %dma_start3A_80 = tpu.memref_slice %arg3[%add3A, %run_scoped3A_54, %dma_start3A_79] : memref<32x80x125xi32, #tpu.memory_space<hbm>> -> memref<1x40x125xi32, #tpu.memory_space<hbm>>
      %dma_start3A_81 = tpu.memref_squeeze %dma_start3A_80 : memref<1x40x125xi32, #tpu.memory_space<hbm>> -> memref<40x125xi32, #tpu.memory_space<hbm>>
      %dma_start3A_82 = arith.constant 0 : i32
      %dma_start3A_83 = tpu.memref_slice %arg3[%add3A, %run_scoped3A_54, %dma_start3A_82] : memref<32x80x125xi32, #tpu.memory_space<hbm>> -> memref<1x40x125xi32, #tpu.memory_space<hbm>>
      %dma_start3A_84 = tpu.memref_squeeze %dma_start3A_83 : memref<1x40x125xi32, #tpu.memory_space<hbm>> -> memref<40x125xi32, #tpu.memory_space<hbm>>
      tpu.enqueue_dma source(%dma_start3A_84 : memref<40x125xi32, #tpu.memory_space<hbm>>) target(%arg7 : memref<40x125xi32, #tpu.memory_space<vmem>>) target_semaphore(%run_scoped3A_78 : memref<!tpu.dma_semaphore, #tpu.memory_space<semaphore_mem>>)
      %dma_wait3A = arith.constant 0 : i32
      %dma_wait3A_85 = tpu.memref_slice %arg3[%add3A, %run_scoped3A_54, %dma_wait3A] : memref<32x80x125xi32, #tpu.memory_space<hbm>> -> memref<1x40x125xi32, #tpu.memory_space<hbm>>
      %dma_wait3A_86 = tpu.memref_squeeze %dma_wait3A_85 : memref<1x40x125xi32, #tpu.memory_space<hbm>> -> memref<40x125xi32, #tpu.memory_space<hbm>>
      %dma_wait3A_87 = arith.constant 0 : i32
      %dma_wait3A_88 = tpu.memref_slice %arg3[%add3A, %run_scoped3A_54, %dma_wait3A_87] : memref<32x80x125xi32, #tpu.memory_space<hbm>> -> memref<1x40x125xi32, #tpu.memory_space<hbm>>
      %dma_wait3A_89 = tpu.memref_squeeze %dma_wait3A_88 : memref<1x40x125xi32, #tpu.memory_space<hbm>> -> memref<40x125xi32, #tpu.memory_space<hbm>>
      tpu.wait_dma2 semaphore(%run_scoped3A_78 : memref<!tpu.dma_semaphore, #tpu.memory_space<semaphore_mem>>) src(%dma_wait3A_89 : memref<40x125xi32, #tpu.memory_space<hbm>>) dst(%arg7 : memref<40x125xi32, #tpu.memory_space<vmem>>)
      tpu.yield
    }) : () -> ()
    %dma_start3A_55 = arith.constant 0 : i32
    %dma_start3A_56 = arith.constant 0 : i32
    %dma_start3A_57 = tpu.memref_slice %arg6[%dma_start3A_55, %dma_start3A_56] : memref<40x125xi32, #tpu.memory_space<vmem>> -> memref<1x125xi32, #tpu.memory_space<vmem>>
    %dma_start3A_58 = tpu.memref_squeeze %dma_start3A_57 : memref<1x125xi32, #tpu.memory_space<vmem>> -> memref<125xi32, #tpu.memory_space<vmem>>
    %dma_start3A_59 = arith.constant 0 : i32
    %dma_start3A_60 = arith.constant 0 : i32
    %dma_start3A_61 = tpu.memref_slice %arg4[%dma_start3A_59, %dma_start3A_60] : memref<10240x128xf32, #tpu.memory_space<hbm>> -> memref<10240x128xf32, #tpu.memory_space<hbm>>
    tpu.enqueue_indirect_dma source(%dma_start3A_61 : memref<10240x128xf32, #tpu.memory_space<hbm>>) target(%arg8 : memref<125x128xf32, #tpu.memory_space<vmem>>) offsets(%dma_start3A_58 : memref<125xi32, #tpu.memory_space<vmem>>) semaphore(%arg11 : memref<!tpu.dma_semaphore, #tpu.memory_space<semaphore_mem>>)
    %while3A_62 = arith.constant 0 : i32
    %while3A_63 = arith.constant 0 : i32
    %while3A_64 = arith.constant 20 : i32
    %while3A_65 = arith.subi %while3A_64, %while3A_63 : i32
    %while3A_66 = arith.addi %while3A_63, %while3A_65 : i32
    %while3A_67 = arith.constant 1 : i32
    %while3A_68 = arith.divsi %while3A_65, %while3A_67 : i32
    %while3A_69 = arith.muli %while3A_68, %while3A_67 : i32
    %while3A_70 = arith.addi %while3A_63, %while3A_69 : i32
    %while3A_71 = arith.constant 1 : i32
    scf.for %while3A_78 = %while3A_63 to %while3A_70 step %while3A_71  : i32 {
      %mul3A_79 = arith.constant 2 : i32
      %mul3A_80 = arith.muli %while3A_78, %mul3A_79 : i32
      %add3A_81 = arith.constant 1 : i32
      %add3A_82 = arith.addi %mul3A_80, %add3A_81 : i32
      %dma_start3A_83 = arith.constant 0 : i32
      %dma_start3A_84 = tpu.memref_slice %arg6[%add3A_82, %dma_start3A_83] : memref<40x125xi32, #tpu.memory_space<vmem>> -> memref<1x125xi32, #tpu.memory_space<vmem>>
      %dma_start3A_85 = tpu.memref_squeeze %dma_start3A_84 : memref<1x125xi32, #tpu.memory_space<vmem>> -> memref<125xi32, #tpu.memory_space<vmem>>
      %dma_start3A_86 = arith.constant 0 : i32
      %dma_start3A_87 = arith.constant 0 : i32
      %dma_start3A_88 = tpu.memref_slice %arg4[%dma_start3A_86, %dma_start3A_87] : memref<10240x128xf32, #tpu.memory_space<hbm>> -> memref<10240x128xf32, #tpu.memory_space<hbm>>
      tpu.enqueue_indirect_dma source(%dma_start3A_88 : memref<10240x128xf32, #tpu.memory_space<hbm>>) target(%arg9 : memref<125x128xf32, #tpu.memory_space<vmem>>) offsets(%dma_start3A_85 : memref<125xi32, #tpu.memory_space<vmem>>) semaphore(%arg12 : memref<!tpu.dma_semaphore, #tpu.memory_space<semaphore_mem>>)
      %dma_wait3A = arith.constant 0 : i32
      %dma_wait3A_89 = tpu.memref_slice %arg6[%mul3A_80, %dma_wait3A] : memref<40x125xi32, #tpu.memory_space<vmem>> -> memref<1x125xi32, #tpu.memory_space<vmem>>
      %dma_wait3A_90 = tpu.memref_squeeze %dma_wait3A_89 : memref<1x125xi32, #tpu.memory_space<vmem>> -> memref<125xi32, #tpu.memory_space<vmem>>
      %dma_wait3A_91 = arith.constant 0 : i32
      %dma_wait3A_92 = arith.constant 0 : i32
      %dma_wait3A_93 = tpu.memref_slice %arg4[%dma_wait3A_91, %dma_wait3A_92] : memref<10240x128xf32, #tpu.memory_space<hbm>> -> memref<10240x128xf32, #tpu.memory_space<hbm>>
      tpu.wait_indirect_dma semaphore(%arg11 : memref<!tpu.dma_semaphore, #tpu.memory_space<semaphore_mem>>) src(%dma_wait3A_93 : memref<10240x128xf32, #tpu.memory_space<hbm>>) dst(%arg8 : memref<125x128xf32, #tpu.memory_space<vmem>>)
      "tpu.region"() ({
        %run_scoped3A_102 = tpu.sem_alloc : memref<!tpu.dma_semaphore, #tpu.memory_space<semaphore_mem>>
        %dma_start3A_103 = arith.constant 0 : i32
        %dma_start3A_104 = tpu.memref_slice %arg7[%mul3A_80, %dma_start3A_103] : memref<40x125xi32, #tpu.memory_space<vmem>> -> memref<1x125xi32, #tpu.memory_space<vmem>>
        %dma_start3A_105 = tpu.memref_squeeze %dma_start3A_104 : memref<1x125xi32, #tpu.memory_space<vmem>> -> memref<125xi32, #tpu.memory_space<vmem>>
        %dma_start3A_106 = arith.constant 0 : i32
        %dma_start3A_107 = arith.constant 0 : i32
        %dma_start3A_108 = tpu.memref_slice %arg10[%dma_start3A_106, %dma_start3A_107] : memref<10240x128xf32, #tpu.memory_space<vmem_shared>> -> memref<10240x128xf32, #tpu.memory_space<vmem_shared>>
        tpu.enqueue_indirect_dma source(%arg8 : memref<125x128xf32, #tpu.memory_space<vmem>>) target(%dma_start3A_108 : memref<10240x128xf32, #tpu.memory_space<vmem_shared>>) offsets(%dma_start3A_105 : memref<125xi32, #tpu.memory_space<vmem>>) semaphore(%run_scoped3A_102 : memref<!tpu.dma_semaphore, #tpu.memory_space<semaphore_mem>>) {add = true}
        %dma_wait3A_109 = arith.constant 0 : i32
        %dma_wait3A_110 = tpu.memref_slice %arg7[%mul3A_80, %dma_wait3A_109] : memref<40x125xi32, #tpu.memory_space<vmem>> -> memref<1x125xi32, #tpu.memory_space<vmem>>
        %dma_wait3A_111 = tpu.memref_squeeze %dma_wait3A_110 : memref<1x125xi32, #tpu.memory_space<vmem>> -> memref<125xi32, #tpu.memory_space<vmem>>
        %dma_wait3A_112 = arith.constant 0 : i32
        %dma_wait3A_113 = arith.constant 0 : i32
        %dma_wait3A_114 = tpu.memref_slice %arg10[%dma_wait3A_112, %dma_wait3A_113] : memref<10240x128xf32, #tpu.memory_space<vmem_shared>> -> memref<10240x128xf32, #tpu.memory_space<vmem_shared>>
        tpu.wait_indirect_dma semaphore(%run_scoped3A_102 : memref<!tpu.dma_semaphore, #tpu.memory_space<semaphore_mem>>) src(%arg8 : memref<125x128xf32, #tpu.memory_space<vmem>>) dst(%dma_wait3A_114 : memref<10240x128xf32, #tpu.memory_space<vmem_shared>>)
        tpu.yield
      }) : () -> ()
      %lt3A = arith.constant 19 : i32
      %lt3A_94 = arith.cmpi slt, %while3A_78, %lt3A : i32
      %convert_element_type3A = arith.extui %lt3A_94 : i1 to i32
      %cond3A = arith.constant 0 : i32
      %cond3A_95 = arith.cmpi ne, %convert_element_type3A, %cond3A : i32
      scf.if %cond3A_95 {
        %add3A_102 = arith.constant 2 : i32
        %add3A_103 = arith.addi %mul3A_80, %add3A_102 : i32
        %dma_start3A_104 = arith.constant 0 : i32
        %dma_start3A_105 = tpu.memref_slice %arg6[%add3A_103, %dma_start3A_104] : memref<40x125xi32, #tpu.memory_space<vmem>> -> memref<1x125xi32, #tpu.memory_space<vmem>>
        %dma_start3A_106 = tpu.memref_squeeze %dma_start3A_105 : memref<1x125xi32, #tpu.memory_space<vmem>> -> memref<125xi32, #tpu.memory_space<vmem>>
        %dma_start3A_107 = arith.constant 0 : i32
        %dma_start3A_108 = arith.constant 0 : i32
        %dma_start3A_109 = tpu.memref_slice %arg4[%dma_start3A_107, %dma_start3A_108] : memref<10240x128xf32, #tpu.memory_space<hbm>> -> memref<10240x128xf32, #tpu.memory_space<hbm>>
        tpu.enqueue_indirect_dma source(%dma_start3A_109 : memref<10240x128xf32, #tpu.memory_space<hbm>>) target(%arg8 : memref<125x128xf32, #tpu.memory_space<vmem>>) offsets(%dma_start3A_106 : memref<125xi32, #tpu.memory_space<vmem>>) semaphore(%arg11 : memref<!tpu.dma_semaphore, #tpu.memory_space<semaphore_mem>>)
      } else {
      }
      %dma_wait3A_96 = arith.constant 0 : i32
      %dma_wait3A_97 = tpu.memref_slice %arg6[%add3A_82, %dma_wait3A_96] : memref<40x125xi32, #tpu.memory_space<vmem>> -> memref<1x125xi32, #tpu.memory_space<vmem>>
      %dma_wait3A_98 = tpu.memref_squeeze %dma_wait3A_97 : memref<1x125xi32, #tpu.memory_space<vmem>> -> memref<125xi32, #tpu.memory_space<vmem>>
      %dma_wait3A_99 = arith.constant 0 : i32
      %dma_wait3A_100 = arith.constant 0 : i32
      %dma_wait3A_101 = tpu.memref_slice %arg4[%dma_wait3A_99, %dma_wait3A_100] : memref<10240x128xf32, #tpu.memory_space<hbm>> -> memref<10240x128xf32, #tpu.memory_space<hbm>>
      tpu.wait_indirect_dma semaphore(%arg12 : memref<!tpu.dma_semaphore, #tpu.memory_space<semaphore_mem>>) src(%dma_wait3A_101 : memref<10240x128xf32, #tpu.memory_space<hbm>>) dst(%arg9 : memref<125x128xf32, #tpu.memory_space<vmem>>)
      "tpu.region"() ({
        %run_scoped3A_102 = tpu.sem_alloc : memref<!tpu.dma_semaphore, #tpu.memory_space<semaphore_mem>>
        %dma_start3A_103 = arith.constant 0 : i32
        %dma_start3A_104 = tpu.memref_slice %arg7[%add3A_82, %dma_start3A_103] : memref<40x125xi32, #tpu.memory_space<vmem>> -> memref<1x125xi32, #tpu.memory_space<vmem>>
        %dma_start3A_105 = tpu.memref_squeeze %dma_start3A_104 : memref<1x125xi32, #tpu.memory_space<vmem>> -> memref<125xi32, #tpu.memory_space<vmem>>
        %dma_start3A_106 = arith.constant 0 : i32
        %dma_start3A_107 = arith.constant 0 : i32
        %dma_start3A_108 = tpu.memref_slice %arg10[%dma_start3A_106, %dma_start3A_107] : memref<10240x128xf32, #tpu.memory_space<vmem_shared>> -> memref<10240x128xf32, #tpu.memory_space<vmem_shared>>
        tpu.enqueue_indirect_dma source(%arg9 : memref<125x128xf32, #tpu.memory_space<vmem>>) target(%dma_start3A_108 : memref<10240x128xf32, #tpu.memory_space<vmem_shared>>) offsets(%dma_start3A_105 : memref<125xi32, #tpu.memory_space<vmem>>) semaphore(%run_scoped3A_102 : memref<!tpu.dma_semaphore, #tpu.memory_space<semaphore_mem>>) {add = true}
        %dma_wait3A_109 = arith.constant 0 : i32
        %dma_wait3A_110 = tpu.memref_slice %arg7[%add3A_82, %dma_wait3A_109] : memref<40x125xi32, #tpu.memory_space<vmem>> -> memref<1x125xi32, #tpu.memory_space<vmem>>
        %dma_wait3A_111 = tpu.memref_squeeze %dma_wait3A_110 : memref<1x125xi32, #tpu.memory_space<vmem>> -> memref<125xi32, #tpu.memory_space<vmem>>
        %dma_wait3A_112 = arith.constant 0 : i32
        %dma_wait3A_113 = arith.constant 0 : i32
        %dma_wait3A_114 = tpu.memref_slice %arg10[%dma_wait3A_112, %dma_wait3A_113] : memref<10240x128xf32, #tpu.memory_space<vmem_shared>> -> memref<10240x128xf32, #tpu.memory_space<vmem_shared>>
        tpu.wait_indirect_dma semaphore(%run_scoped3A_102 : memref<!tpu.dma_semaphore, #tpu.memory_space<semaphore_mem>>) src(%arg9 : memref<125x128xf32, #tpu.memory_space<vmem>>) dst(%dma_wait3A_114 : memref<10240x128xf32, #tpu.memory_space<vmem_shared>>)
        tpu.yield
      }) : () -> ()
    }
    %while3A_72 = arith.constant 1 : i32
    scf.for %while3A_78 = %while3A_70 to %while3A_66 step %while3A_72  : i32 {
      %mul3A_79 = arith.constant 2 : i32
      %mul3A_80 = arith.muli %while3A_78, %mul3A_79 : i32
      %add3A_81 = arith.constant 1 : i32
      %add3A_82 = arith.addi %mul3A_80, %add3A_81 : i32
      %dma_start3A_83 = arith.constant 0 : i32
      %dma_start3A_84 = tpu.memref_slice %arg6[%add3A_82, %dma_start3A_83] : memref<40x125xi32, #tpu.memory_space<vmem>> -> memref<1x125xi32, #tpu.memory_space<vmem>>
      %dma_start3A_85 = tpu.memref_squeeze %dma_start3A_84 : memref<1x125xi32, #tpu.memory_space<vmem>> -> memref<125xi32, #tpu.memory_space<vmem>>
      %dma_start3A_86 = arith.constant 0 : i32
      %dma_start3A_87 = arith.constant 0 : i32
      %dma_start3A_88 = tpu.memref_slice %arg4[%dma_start3A_86, %dma_start3A_87] : memref<10240x128xf32, #tpu.memory_space<hbm>> -> memref<10240x128xf32, #tpu.memory_space<hbm>>
      tpu.enqueue_indirect_dma source(%dma_start3A_88 : memref<10240x128xf32, #tpu.memory_space<hbm>>) target(%arg9 : memref<125x128xf32, #tpu.memory_space<vmem>>) offsets(%dma_start3A_85 : memref<125xi32, #tpu.memory_space<vmem>>) semaphore(%arg12 : memref<!tpu.dma_semaphore, #tpu.memory_space<semaphore_mem>>)
      %dma_wait3A = arith.constant 0 : i32
      %dma_wait3A_89 = tpu.memref_slice %arg6[%mul3A_80, %dma_wait3A] : memref<40x125xi32, #tpu.memory_space<vmem>> -> memref<1x125xi32, #tpu.memory_space<vmem>>
      %dma_wait3A_90 = tpu.memref_squeeze %dma_wait3A_89 : memref<1x125xi32, #tpu.memory_space<vmem>> -> memref<125xi32, #tpu.memory_space<vmem>>
      %dma_wait3A_91 = arith.constant 0 : i32
      %dma_wait3A_92 = arith.constant 0 : i32
      %dma_wait3A_93 = tpu.memref_slice %arg4[%dma_wait3A_91, %dma_wait3A_92] : memref<10240x128xf32, #tpu.memory_space<hbm>> -> memref<10240x128xf32, #tpu.memory_space<hbm>>
      tpu.wait_indirect_dma semaphore(%arg11 : memref<!tpu.dma_semaphore, #tpu.memory_space<semaphore_mem>>) src(%dma_wait3A_93 : memref<10240x128xf32, #tpu.memory_space<hbm>>) dst(%arg8 : memref<125x128xf32, #tpu.memory_space<vmem>>)
      "tpu.region"() ({
        %run_scoped3A_102 = tpu.sem_alloc : memref<!tpu.dma_semaphore, #tpu.memory_space<semaphore_mem>>
        %dma_start3A_103 = arith.constant 0 : i32
        %dma_start3A_104 = tpu.memref_slice %arg7[%mul3A_80, %dma_start3A_103] : memref<40x125xi32, #tpu.memory_space<vmem>> -> memref<1x125xi32, #tpu.memory_space<vmem>>
        %dma_start3A_105 = tpu.memref_squeeze %dma_start3A_104 : memref<1x125xi32, #tpu.memory_space<vmem>> -> memref<125xi32, #tpu.memory_space<vmem>>
        %dma_start3A_106 = arith.constant 0 : i32
        %dma_start3A_107 = arith.constant 0 : i32
        %dma_start3A_108 = tpu.memref_slice %arg10[%dma_start3A_106, %dma_start3A_107] : memref<10240x128xf32, #tpu.memory_space<vmem_shared>> -> memref<10240x128xf32, #tpu.memory_space<vmem_shared>>
        tpu.enqueue_indirect_dma source(%arg8 : memref<125x128xf32, #tpu.memory_space<vmem>>) target(%dma_start3A_108 : memref<10240x128xf32, #tpu.memory_space<vmem_shared>>) offsets(%dma_start3A_105 : memref<125xi32, #tpu.memory_space<vmem>>) semaphore(%run_scoped3A_102 : memref<!tpu.dma_semaphore, #tpu.memory_space<semaphore_mem>>) {add = true}
        %dma_wait3A_109 = arith.constant 0 : i32
        %dma_wait3A_110 = tpu.memref_slice %arg7[%mul3A_80, %dma_wait3A_109] : memref<40x125xi32, #tpu.memory_space<vmem>> -> memref<1x125xi32, #tpu.memory_space<vmem>>
        %dma_wait3A_111 = tpu.memref_squeeze %dma_wait3A_110 : memref<1x125xi32, #tpu.memory_space<vmem>> -> memref<125xi32, #tpu.memory_space<vmem>>
        %dma_wait3A_112 = arith.constant 0 : i32
        %dma_wait3A_113 = arith.constant 0 : i32
        %dma_wait3A_114 = tpu.memref_slice %arg10[%dma_wait3A_112, %dma_wait3A_113] : memref<10240x128xf32, #tpu.memory_space<vmem_shared>> -> memref<10240x128xf32, #tpu.memory_space<vmem_shared>>
        tpu.wait_indirect_dma semaphore(%run_scoped3A_102 : memref<!tpu.dma_semaphore, #tpu.memory_space<semaphore_mem>>) src(%arg8 : memref<125x128xf32, #tpu.memory_space<vmem>>) dst(%dma_wait3A_114 : memref<10240x128xf32, #tpu.memory_space<vmem_shared>>)
        tpu.yield
      }) : () -> ()
      %lt3A = arith.constant 19 : i32
      %lt3A_94 = arith.cmpi slt, %while3A_78, %lt3A : i32
      %convert_element_type3A = arith.extui %lt3A_94 : i1 to i32
      %cond3A = arith.constant 0 : i32
      %cond3A_95 = arith.cmpi ne, %convert_element_type3A, %cond3A : i32
      scf.if %cond3A_95 {
        %add3A_102 = arith.constant 2 : i32
        %add3A_103 = arith.addi %mul3A_80, %add3A_102 : i32
        %dma_start3A_104 = arith.constant 0 : i32
        %dma_start3A_105 = tpu.memref_slice %arg6[%add3A_103, %dma_start3A_104] : memref<40x125xi32, #tpu.memory_space<vmem>> -> memref<1x125xi32, #tpu.memory_space<vmem>>
        %dma_start3A_106 = tpu.memref_squeeze %dma_start3A_105 : memref<1x125xi32, #tpu.memory_space<vmem>> -> memref<125xi32, #tpu.memory_space<vmem>>
        %dma_start3A_107 = arith.constant 0 : i32
        %dma_start3A_108 = arith.constant 0 : i32
        %dma_start3A_109 = tpu.memref_slice %arg4[%dma_start3A_107, %dma_start3A_108] : memref<10240x128xf32, #tpu.memory_space<hbm>> -> memref<10240x128xf32, #tpu.memory_space<hbm>>
        tpu.enqueue_indirect_dma source(%dma_start3A_109 : memref<10240x128xf32, #tpu.memory_space<hbm>>) target(%arg8 : memref<125x128xf32, #tpu.memory_space<vmem>>) offsets(%dma_start3A_106 : memref<125xi32, #tpu.memory_space<vmem>>) semaphore(%arg11 : memref<!tpu.dma_semaphore, #tpu.memory_space<semaphore_mem>>)
      } else {
      }
      %dma_wait3A_96 = arith.constant 0 : i32
      %dma_wait3A_97 = tpu.memref_slice %arg6[%add3A_82, %dma_wait3A_96] : memref<40x125xi32, #tpu.memory_space<vmem>> -> memref<1x125xi32, #tpu.memory_space<vmem>>
      %dma_wait3A_98 = tpu.memref_squeeze %dma_wait3A_97 : memref<1x125xi32, #tpu.memory_space<vmem>> -> memref<125xi32, #tpu.memory_space<vmem>>
      %dma_wait3A_99 = arith.constant 0 : i32
      %dma_wait3A_100 = arith.constant 0 : i32
      %dma_wait3A_101 = tpu.memref_slice %arg4[%dma_wait3A_99, %dma_wait3A_100] : memref<10240x128xf32, #tpu.memory_space<hbm>> -> memref<10240x128xf32, #tpu.memory_space<hbm>>
      tpu.wait_indirect_dma semaphore(%arg12 : memref<!tpu.dma_semaphore, #tpu.memory_space<semaphore_mem>>) src(%dma_wait3A_101 : memref<10240x128xf32, #tpu.memory_space<hbm>>) dst(%arg9 : memref<125x128xf32, #tpu.memory_space<vmem>>)
      "tpu.region"() ({
        %run_scoped3A_102 = tpu.sem_alloc : memref<!tpu.dma_semaphore, #tpu.memory_space<semaphore_mem>>
        %dma_start3A_103 = arith.constant 0 : i32
        %dma_start3A_104 = tpu.memref_slice %arg7[%add3A_82, %dma_start3A_103] : memref<40x125xi32, #tpu.memory_space<vmem>> -> memref<1x125xi32, #tpu.memory_space<vmem>>
        %dma_start3A_105 = tpu.memref_squeeze %dma_start3A_104 : memref<1x125xi32, #tpu.memory_space<vmem>> -> memref<125xi32, #tpu.memory_space<vmem>>
        %dma_start3A_106 = arith.constant 0 : i32
        %dma_start3A_107 = arith.constant 0 : i32
        %dma_start3A_108 = tpu.memref_slice %arg10[%dma_start3A_106, %dma_start3A_107] : memref<10240x128xf32, #tpu.memory_space<vmem_shared>> -> memref<10240x128xf32, #tpu.memory_space<vmem_shared>>
        tpu.enqueue_indirect_dma source(%arg9 : memref<125x128xf32, #tpu.memory_space<vmem>>) target(%dma_start3A_108 : memref<10240x128xf32, #tpu.memory_space<vmem_shared>>) offsets(%dma_start3A_105 : memref<125xi32, #tpu.memory_space<vmem>>) semaphore(%run_scoped3A_102 : memref<!tpu.dma_semaphore, #tpu.memory_space<semaphore_mem>>) {add = true}
        %dma_wait3A_109 = arith.constant 0 : i32
        %dma_wait3A_110 = tpu.memref_slice %arg7[%add3A_82, %dma_wait3A_109] : memref<40x125xi32, #tpu.memory_space<vmem>> -> memref<1x125xi32, #tpu.memory_space<vmem>>
        %dma_wait3A_111 = tpu.memref_squeeze %dma_wait3A_110 : memref<1x125xi32, #tpu.memory_space<vmem>> -> memref<125xi32, #tpu.memory_space<vmem>>
        %dma_wait3A_112 = arith.constant 0 : i32
        %dma_wait3A_113 = arith.constant 0 : i32
        %dma_wait3A_114 = tpu.memref_slice %arg10[%dma_wait3A_112, %dma_wait3A_113] : memref<10240x128xf32, #tpu.memory_space<vmem_shared>> -> memref<10240x128xf32, #tpu.memory_space<vmem_shared>>
        tpu.wait_indirect_dma semaphore(%run_scoped3A_102 : memref<!tpu.dma_semaphore, #tpu.memory_space<semaphore_mem>>) src(%arg9 : memref<125x128xf32, #tpu.memory_space<vmem>>) dst(%dma_wait3A_114 : memref<10240x128xf32, #tpu.memory_space<vmem_shared>>)
        tpu.yield
      }) : () -> ()
    }
    %barrier3A_73 = arith.constant 0 : index
    tpu.barrier barrier_id(%barrier3A_73)
    %mul3A_74 = arith.constant 640 : i32
    %mul3A_75 = arith.muli %arg1, %mul3A_74 : i32
    %mul3A_76 = arith.constant 640 : i32
    %mul3A_77 = arith.muli %arg1, %mul3A_76 : i32
    "tpu.region"() ({
      %run_scoped3A_78 = tpu.sem_alloc : memref<!tpu.dma_semaphore, #tpu.memory_space<semaphore_mem>>
      %dma_start3A_79 = arith.constant 0 : i32
      %dma_start3A_80 = tpu.memref_slice %arg5[%arg0, %mul3A_77, %dma_start3A_79] : memref<2x10240x128xf32, #tpu.memory_space<hbm>> -> memref<1x640x128xf32, #tpu.memory_space<hbm>>
      %dma_start3A_81 = tpu.memref_squeeze %dma_start3A_80 : memref<1x640x128xf32, #tpu.memory_space<hbm>> -> memref<640x128xf32, #tpu.memory_space<hbm>>
      %dma_start3A_82 = arith.constant 0 : i32
      %dma_start3A_83 = tpu.memref_slice %arg10[%mul3A_75, %dma_start3A_82] : memref<10240x128xf32, #tpu.memory_space<vmem_shared>> -> memref<640x128xf32, #tpu.memory_space<vmem_shared>>
      tpu.enqueue_dma source(%dma_start3A_83 : memref<640x128xf32, #tpu.memory_space<vmem_shared>>) target(%dma_start3A_81 : memref<640x128xf32, #tpu.memory_space<hbm>>) target_semaphore(%run_scoped3A_78 : memref<!tpu.dma_semaphore, #tpu.memory_space<semaphore_mem>>)
      %dma_wait3A = arith.constant 0 : i32
      %dma_wait3A_84 = tpu.memref_slice %arg5[%arg0, %mul3A_77, %dma_wait3A] : memref<2x10240x128xf32, #tpu.memory_space<hbm>> -> memref<1x640x128xf32, #tpu.memory_space<hbm>>
      %dma_wait3A_85 = tpu.memref_squeeze %dma_wait3A_84 : memref<1x640x128xf32, #tpu.memory_space<hbm>> -> memref<640x128xf32, #tpu.memory_space<hbm>>
      %dma_wait3A_86 = arith.constant 0 : i32
      %dma_wait3A_87 = tpu.memref_slice %arg10[%mul3A_75, %dma_wait3A_86] : memref<10240x128xf32, #tpu.memory_space<vmem_shared>> -> memref<640x128xf32, #tpu.memory_space<vmem_shared>>
      tpu.wait_dma2 semaphore(%run_scoped3A_78 : memref<!tpu.dma_semaphore, #tpu.memory_space<semaphore_mem>>) src(%dma_wait3A_87 : memref<640x128xf32, #tpu.memory_space<vmem_shared>>) dst(%dma_wait3A_85 : memref<640x128xf32, #tpu.memory_space<hbm>>)
      tpu.yield
    }) : () -> ()
    return
  }
}

#map = affine_map<(d0, d1) -> (0, 0, 0)>
module attributes {stable_mosaic.version = 14 : i64} {
  func.func @_deg_body(%arg0: i32, %arg1: i32, %arg2: memref<32x125x80xi32, #tpu.memory_space<hbm>>, %arg3: memref<2x16x10240xf32, #tpu.memory_space<hbm>>, %arg4: memref<125x80xi32, #tpu.memory_space<vmem>>, %arg5: memref<10240xf32, #tpu.memory_space<vmem>>) attributes {dimension_semantics = [#tpu.dimension_semantics<core_parallel>, #tpu.dimension_semantics<subcore_parallel>], iteration_bounds = array<i64: 2, 16>, scalar_prefetch = 0 : i64, scratch_operands = 2 : i64, tpu.core_type = #tpu.core_type<sc_vector_subcore>, window_params = [{transform_indices = #map}, {transform_indices = #map}]} {
    %mul3A = arith.constant 16 : i32
    %mul3A_0 = arith.muli %arg0, %mul3A : i32
    %add3A = arith.addi %mul3A_0, %arg1 : i32
    "tpu.region"() ({
      %run_scoped3A = tpu.sem_alloc : memref<!tpu.dma_semaphore, #tpu.memory_space<semaphore_mem>>
      %dma_start3A = arith.constant 0 : i32
      %dma_start3A_22 = arith.constant 0 : i32
      %dma_start3A_23 = tpu.memref_slice %arg2[%add3A, %dma_start3A, %dma_start3A_22] : memref<32x125x80xi32, #tpu.memory_space<hbm>> -> memref<1x125x80xi32, #tpu.memory_space<hbm>>
      %dma_start3A_24 = tpu.memref_squeeze %dma_start3A_23 : memref<1x125x80xi32, #tpu.memory_space<hbm>> -> memref<125x80xi32, #tpu.memory_space<hbm>>
      %dma_start3A_25 = arith.constant 0 : i32
      %dma_start3A_26 = arith.constant 0 : i32
      %dma_start3A_27 = tpu.memref_slice %arg2[%add3A, %dma_start3A_25, %dma_start3A_26] : memref<32x125x80xi32, #tpu.memory_space<hbm>> -> memref<1x125x80xi32, #tpu.memory_space<hbm>>
      %dma_start3A_28 = tpu.memref_squeeze %dma_start3A_27 : memref<1x125x80xi32, #tpu.memory_space<hbm>> -> memref<125x80xi32, #tpu.memory_space<hbm>>
      tpu.enqueue_dma source(%dma_start3A_28 : memref<125x80xi32, #tpu.memory_space<hbm>>) target(%arg4 : memref<125x80xi32, #tpu.memory_space<vmem>>) target_semaphore(%run_scoped3A : memref<!tpu.dma_semaphore, #tpu.memory_space<semaphore_mem>>)
      %dma_wait3A = arith.constant 0 : i32
      %dma_wait3A_29 = arith.constant 0 : i32
      %dma_wait3A_30 = tpu.memref_slice %arg2[%add3A, %dma_wait3A, %dma_wait3A_29] : memref<32x125x80xi32, #tpu.memory_space<hbm>> -> memref<1x125x80xi32, #tpu.memory_space<hbm>>
      %dma_wait3A_31 = tpu.memref_squeeze %dma_wait3A_30 : memref<1x125x80xi32, #tpu.memory_space<hbm>> -> memref<125x80xi32, #tpu.memory_space<hbm>>
      %dma_wait3A_32 = arith.constant 0 : i32
      %dma_wait3A_33 = arith.constant 0 : i32
      %dma_wait3A_34 = tpu.memref_slice %arg2[%add3A, %dma_wait3A_32, %dma_wait3A_33] : memref<32x125x80xi32, #tpu.memory_space<hbm>> -> memref<1x125x80xi32, #tpu.memory_space<hbm>>
      %dma_wait3A_35 = tpu.memref_squeeze %dma_wait3A_34 : memref<1x125x80xi32, #tpu.memory_space<hbm>> -> memref<125x80xi32, #tpu.memory_space<hbm>>
      tpu.wait_dma2 semaphore(%run_scoped3A : memref<!tpu.dma_semaphore, #tpu.memory_space<semaphore_mem>>) src(%dma_wait3A_35 : memref<125x80xi32, #tpu.memory_space<hbm>>) dst(%arg4 : memref<125x80xi32, #tpu.memory_space<vmem>>)
      tpu.yield
    }) : () -> ()
    %while3A = arith.constant 0 : i32
    %while3A_1 = arith.constant 0 : i32
    %while3A_2 = arith.constant 640 : i32
    %while3A_3 = arith.subi %while3A_2, %while3A_1 : i32
    %while3A_4 = arith.addi %while3A_1, %while3A_3 : i32
    %while3A_5 = arith.constant 1 : i32
    %while3A_6 = arith.divsi %while3A_3, %while3A_5 : i32
    %while3A_7 = arith.muli %while3A_6, %while3A_5 : i32
    %while3A_8 = arith.addi %while3A_1, %while3A_7 : i32
    %while3A_9 = arith.constant 1 : i32
    scf.for %while3A_22 = %while3A_1 to %while3A_8 step %while3A_9  : i32 {
      %broadcast_in_dim3A = arith.constant 0.000000e+00 : f32
      %broadcast_in_dim3A_23 = vector.broadcast %broadcast_in_dim3A : f32 to vector<16xf32>
      %mul3A_24 = arith.constant 16 : i32
      %mul3A_25 = arith.muli %while3A_22, %mul3A_24 : i32
      %swap3A = arith.index_cast %mul3A_25 : i32 to index
      %swap3A_26 = tpu.vector_load %arg5[%swap3A] {strides = array<i32>} : memref<10240xf32, #tpu.memory_space<vmem>>, vector<16xf32>,
      tpu.vector_store %arg5[%swap3A], %broadcast_in_dim3A_23 {strides = array<i32>} : memref<10240xf32, #tpu.memory_space<vmem>>, vector<16xf32>,
    }
    %while3A_10 = arith.constant 1 : i32
    scf.for %while3A_22 = %while3A_8 to %while3A_4 step %while3A_10  : i32 {
      %broadcast_in_dim3A = arith.constant 0.000000e+00 : f32
      %broadcast_in_dim3A_23 = vector.broadcast %broadcast_in_dim3A : f32 to vector<16xf32>
      %mul3A_24 = arith.constant 16 : i32
      %mul3A_25 = arith.muli %while3A_22, %mul3A_24 : i32
      %swap3A = arith.index_cast %mul3A_25 : i32 to index
      %swap3A_26 = tpu.vector_load %arg5[%swap3A] {strides = array<i32>} : memref<10240xf32, #tpu.memory_space<vmem>>, vector<16xf32>,
      tpu.vector_store %arg5[%swap3A], %broadcast_in_dim3A_23 {strides = array<i32>} : memref<10240xf32, #tpu.memory_space<vmem>>, vector<16xf32>,
    }
    %while3A_11 = arith.constant 0 : i32
    %while3A_12 = arith.constant 0 : i32
    %while3A_13 = arith.constant 125 : i32
    %while3A_14 = arith.subi %while3A_13, %while3A_12 : i32
    %while3A_15 = arith.addi %while3A_12, %while3A_14 : i32
    %while3A_16 = arith.constant 1 : i32
    %while3A_17 = arith.divsi %while3A_14, %while3A_16 : i32
    %while3A_18 = arith.muli %while3A_17, %while3A_16 : i32
    %while3A_19 = arith.addi %while3A_12, %while3A_18 : i32
    %while3A_20 = arith.constant 1 : i32
    scf.for %while3A_22 = %while3A_12 to %while3A_19 step %while3A_20  : i32 {
      %get3A = arith.constant 0 : i32
      %get3A_23 = arith.index_cast %while3A_22 : i32 to index
      %get3A_24 = arith.index_cast %get3A : i32 to index
      %get3A_25 = tpu.vector_load %arg4[%get3A_23, %get3A_24] {strides = array<i32>} : memref<125x80xi32, #tpu.memory_space<vmem>>, vector<16xi32>,
      %broadcast_in_dim3A = arith.constant 1.000000e+00 : f32
      %broadcast_in_dim3A_26 = vector.broadcast %broadcast_in_dim3A : f32 to vector<16xf32>
      tpu.vector_store_idx %arg5[%get3A_25], %broadcast_in_dim3A_26 {add = true} : memref<10240xf32, #tpu.memory_space<vmem>>[vector<16xi32>], vector<16xf32>,
      %get3A_27 = arith.constant 16 : i32
      %get3A_28 = arith.index_cast %while3A_22 : i32 to index
      %get3A_29 = arith.index_cast %get3A_27 : i32 to index
      %get3A_30 = tpu.vector_load %arg4[%get3A_28, %get3A_29] {strides = array<i32>} : memref<125x80xi32, #tpu.memory_space<vmem>>, vector<16xi32>,
      %broadcast_in_dim3A_31 = arith.constant 1.000000e+00 : f32
      %broadcast_in_dim3A_32 = vector.broadcast %broadcast_in_dim3A_31 : f32 to vector<16xf32>
      tpu.vector_store_idx %arg5[%get3A_30], %broadcast_in_dim3A_32 {add = true} : memref<10240xf32, #tpu.memory_space<vmem>>[vector<16xi32>], vector<16xf32>,
      %get3A_33 = arith.constant 32 : i32
      %get3A_34 = arith.index_cast %while3A_22 : i32 to index
      %get3A_35 = arith.index_cast %get3A_33 : i32 to index
      %get3A_36 = tpu.vector_load %arg4[%get3A_34, %get3A_35] {strides = array<i32>} : memref<125x80xi32, #tpu.memory_space<vmem>>, vector<16xi32>,
      %broadcast_in_dim3A_37 = arith.constant 1.000000e+00 : f32
      %broadcast_in_dim3A_38 = vector.broadcast %broadcast_in_dim3A_37 : f32 to vector<16xf32>
      tpu.vector_store_idx %arg5[%get3A_36], %broadcast_in_dim3A_38 {add = true} : memref<10240xf32, #tpu.memory_space<vmem>>[vector<16xi32>], vector<16xf32>,
      %get3A_39 = arith.constant 48 : i32
      %get3A_40 = arith.index_cast %while3A_22 : i32 to index
      %get3A_41 = arith.index_cast %get3A_39 : i32 to index
      %get3A_42 = tpu.vector_load %arg4[%get3A_40, %get3A_41] {strides = array<i32>} : memref<125x80xi32, #tpu.memory_space<vmem>>, vector<16xi32>,
      %broadcast_in_dim3A_43 = arith.constant 1.000000e+00 : f32
      %broadcast_in_dim3A_44 = vector.broadcast %broadcast_in_dim3A_43 : f32 to vector<16xf32>
      tpu.vector_store_idx %arg5[%get3A_42], %broadcast_in_dim3A_44 {add = true} : memref<10240xf32, #tpu.memory_space<vmem>>[vector<16xi32>], vector<16xf32>,
      %get3A_45 = arith.constant 64 : i32
      %get3A_46 = arith.index_cast %while3A_22 : i32 to index
      %get3A_47 = arith.index_cast %get3A_45 : i32 to index
      %get3A_48 = tpu.vector_load %arg4[%get3A_46, %get3A_47] {strides = array<i32>} : memref<125x80xi32, #tpu.memory_space<vmem>>, vector<16xi32>,
      %broadcast_in_dim3A_49 = arith.constant 1.000000e+00 : f32
      %broadcast_in_dim3A_50 = vector.broadcast %broadcast_in_dim3A_49 : f32 to vector<16xf32>
      tpu.vector_store_idx %arg5[%get3A_48], %broadcast_in_dim3A_50 {add = true} : memref<10240xf32, #tpu.memory_space<vmem>>[vector<16xi32>], vector<16xf32>,
    }
    %while3A_21 = arith.constant 1 : i32
    scf.for %while3A_22 = %while3A_19 to %while3A_15 step %while3A_21  : i32 {
      %get3A = arith.constant 0 : i32
      %get3A_23 = arith.index_cast %while3A_22 : i32 to index
      %get3A_24 = arith.index_cast %get3A : i32 to index
      %get3A_25 = tpu.vector_load %arg4[%get3A_23, %get3A_24] {strides = array<i32>} : memref<125x80xi32, #tpu.memory_space<vmem>>, vector<16xi32>,
      %broadcast_in_dim3A = arith.constant 1.000000e+00 : f32
      %broadcast_in_dim3A_26 = vector.broadcast %broadcast_in_dim3A : f32 to vector<16xf32>
      tpu.vector_store_idx %arg5[%get3A_25], %broadcast_in_dim3A_26 {add = true} : memref<10240xf32, #tpu.memory_space<vmem>>[vector<16xi32>], vector<16xf32>,
      %get3A_27 = arith.constant 16 : i32
      %get3A_28 = arith.index_cast %while3A_22 : i32 to index
      %get3A_29 = arith.index_cast %get3A_27 : i32 to index
      %get3A_30 = tpu.vector_load %arg4[%get3A_28, %get3A_29] {strides = array<i32>} : memref<125x80xi32, #tpu.memory_space<vmem>>, vector<16xi32>,
      %broadcast_in_dim3A_31 = arith.constant 1.000000e+00 : f32
      %broadcast_in_dim3A_32 = vector.broadcast %broadcast_in_dim3A_31 : f32 to vector<16xf32>
      tpu.vector_store_idx %arg5[%get3A_30], %broadcast_in_dim3A_32 {add = true} : memref<10240xf32, #tpu.memory_space<vmem>>[vector<16xi32>], vector<16xf32>,
      %get3A_33 = arith.constant 32 : i32
      %get3A_34 = arith.index_cast %while3A_22 : i32 to index
      %get3A_35 = arith.index_cast %get3A_33 : i32 to index
      %get3A_36 = tpu.vector_load %arg4[%get3A_34, %get3A_35] {strides = array<i32>} : memref<125x80xi32, #tpu.memory_space<vmem>>, vector<16xi32>,
      %broadcast_in_dim3A_37 = arith.constant 1.000000e+00 : f32
      %broadcast_in_dim3A_38 = vector.broadcast %broadcast_in_dim3A_37 : f32 to vector<16xf32>
      tpu.vector_store_idx %arg5[%get3A_36], %broadcast_in_dim3A_38 {add = true} : memref<10240xf32, #tpu.memory_space<vmem>>[vector<16xi32>], vector<16xf32>,
      %get3A_39 = arith.constant 48 : i32
      %get3A_40 = arith.index_cast %while3A_22 : i32 to index
      %get3A_41 = arith.index_cast %get3A_39 : i32 to index
      %get3A_42 = tpu.vector_load %arg4[%get3A_40, %get3A_41] {strides = array<i32>} : memref<125x80xi32, #tpu.memory_space<vmem>>, vector<16xi32>,
      %broadcast_in_dim3A_43 = arith.constant 1.000000e+00 : f32
      %broadcast_in_dim3A_44 = vector.broadcast %broadcast_in_dim3A_43 : f32 to vector<16xf32>
      tpu.vector_store_idx %arg5[%get3A_42], %broadcast_in_dim3A_44 {add = true} : memref<10240xf32, #tpu.memory_space<vmem>>[vector<16xi32>], vector<16xf32>,
      %get3A_45 = arith.constant 64 : i32
      %get3A_46 = arith.index_cast %while3A_22 : i32 to index
      %get3A_47 = arith.index_cast %get3A_45 : i32 to index
      %get3A_48 = tpu.vector_load %arg4[%get3A_46, %get3A_47] {strides = array<i32>} : memref<125x80xi32, #tpu.memory_space<vmem>>, vector<16xi32>,
      %broadcast_in_dim3A_49 = arith.constant 1.000000e+00 : f32
      %broadcast_in_dim3A_50 = vector.broadcast %broadcast_in_dim3A_49 : f32 to vector<16xf32>
      tpu.vector_store_idx %arg5[%get3A_48], %broadcast_in_dim3A_50 {add = true} : memref<10240xf32, #tpu.memory_space<vmem>>[vector<16xi32>], vector<16xf32>,
    }
    "tpu.region"() ({
      %run_scoped3A = tpu.sem_alloc : memref<!tpu.dma_semaphore, #tpu.memory_space<semaphore_mem>>
      %dma_start3A = arith.constant 0 : i32
      %dma_start3A_22 = tpu.memref_slice %arg3[%arg0, %arg1, %dma_start3A] : memref<2x16x10240xf32, #tpu.memory_space<hbm>> -> memref<1x1x10240xf32, #tpu.memory_space<hbm>>
      %dma_start3A_23 = tpu.memref_squeeze %dma_start3A_22 : memref<1x1x10240xf32, #tpu.memory_space<hbm>> -> memref<10240xf32, #tpu.memory_space<hbm>>
      %dma_start3A_24 = arith.constant 0 : i32
      %dma_start3A_25 = tpu.memref_slice %arg3[%arg0, %arg1, %dma_start3A_24] : memref<2x16x10240xf32, #tpu.memory_space<hbm>> -> memref<1x1x10240xf32, #tpu.memory_space<hbm>>
      %dma_start3A_26 = tpu.memref_squeeze %dma_start3A_25 : memref<1x1x10240xf32, #tpu.memory_space<hbm>> -> memref<10240xf32, #tpu.memory_space<hbm>>
      tpu.enqueue_dma source(%arg5 : memref<10240xf32, #tpu.memory_space<vmem>>) target(%dma_start3A_26 : memref<10240xf32, #tpu.memory_space<hbm>>) target_semaphore(%run_scoped3A : memref<!tpu.dma_semaphore, #tpu.memory_space<semaphore_mem>>)
      %dma_wait3A = arith.constant 0 : i32
      %dma_wait3A_27 = tpu.memref_slice %arg3[%arg0, %arg1, %dma_wait3A] : memref<2x16x10240xf32, #tpu.memory_space<hbm>> -> memref<1x1x10240xf32, #tpu.memory_space<hbm>>
      %dma_wait3A_28 = tpu.memref_squeeze %dma_wait3A_27 : memref<1x1x10240xf32, #tpu.memory_space<hbm>> -> memref<10240xf32, #tpu.memory_space<hbm>>
      %dma_wait3A_29 = arith.constant 0 : i32
      %dma_wait3A_30 = tpu.memref_slice %arg3[%arg0, %arg1, %dma_wait3A_29] : memref<2x16x10240xf32, #tpu.memory_space<hbm>> -> memref<1x1x10240xf32, #tpu.memory_space<hbm>>
      %dma_wait3A_31 = tpu.memref_squeeze %dma_wait3A_30 : memref<1x1x10240xf32, #tpu.memory_space<hbm>> -> memref<10240xf32, #tpu.memory_space<hbm>>
      tpu.wait_dma2 semaphore(%run_scoped3A : memref<!tpu.dma_semaphore, #tpu.memory_space<semaphore_mem>>) src(%arg5 : memref<10240xf32, #tpu.memory_space<vmem>>) dst(%dma_wait3A_31 : memref<10240xf32, #tpu.memory_space<hbm>>)
      tpu.yield
    }) : () -> ()
    return
  }
}

#map = affine_map<(d0, d1) -> (0, 0, 0)>
#map1 = affine_map<(d0, d1) -> (0, 0)>
module attributes {stable_mosaic.version = 14 : i64} {
  func.func @_agg_body(%arg0: i32, %arg1: i32, %arg2: memref<32x80x125xi32, #tpu.memory_space<hbm>>, %arg3: memref<32x80x125xi32, #tpu.memory_space<hbm>>, %arg4: memref<10240x128xf32, #tpu.memory_space<hbm>>, %arg5: memref<2x10240x128xf32, #tpu.memory_space<hbm>>, %arg6: memref<40x125xi32, #tpu.memory_space<vmem>>, %arg7: memref<40x125xi32, #tpu.memory_space<vmem>>, %arg8: memref<125x128xf32, #tpu.memory_space<vmem>>, %arg9: memref<125x128xf32, #tpu.memory_space<vmem>>, %arg10: memref<10240x128xf32, #tpu.memory_space<vmem_shared>>, %arg11: memref<!tpu.dma_semaphore, #tpu.memory_space<semaphore_mem>>, %arg12: memref<!tpu.dma_semaphore, #tpu.memory_space<semaphore_mem>>) attributes {dimension_semantics = [#tpu.dimension_semantics<core_parallel>, #tpu.dimension_semantics<subcore_parallel>], iteration_bounds = array<i64: 2, 16>, scalar_prefetch = 0 : i64, scratch_operands = 7 : i64, tpu.core_type = #tpu.core_type<sc_vector_subcore>, window_params = [{transform_indices = #map}, {transform_indices = #map}, {transform_indices = #map1}, {transform_indices = #map}]} {
    %mul3A = arith.constant 16 : i32
    %mul3A_0 = arith.muli %arg0, %mul3A : i32
    %add3A = arith.addi %mul3A_0, %arg1 : i32
    %while3A = arith.constant 0 : i32
    %while3A_1 = arith.constant 0 : i32
    %while3A_2 = arith.constant 125 : i32
    %while3A_3 = arith.subi %while3A_2, %while3A_1 : i32
    %while3A_4 = arith.addi %while3A_1, %while3A_3 : i32
    %while3A_5 = arith.constant 1 : i32
    %while3A_6 = arith.divsi %while3A_3, %while3A_5 : i32
    %while3A_7 = arith.muli %while3A_6, %while3A_5 : i32
    %while3A_8 = arith.addi %while3A_1, %while3A_7 : i32
    %while3A_9 = arith.constant 1 : i32
    scf.for %while3A_78 = %while3A_1 to %while3A_8 step %while3A_9  : i32 {
      %broadcast_in_dim3A = arith.constant 0.000000e+00 : f32
      %broadcast_in_dim3A_79 = vector.broadcast %broadcast_in_dim3A : f32 to vector<16xf32>
      %swap3A = arith.constant 0 : i32
      %swap3A_80 = arith.index_cast %while3A_78 : i32 to index
      %swap3A_81 = arith.index_cast %swap3A : i32 to index
      %swap3A_82 = tpu.vector_load %arg8[%swap3A_80, %swap3A_81] {strides = array<i32>} : memref<125x128xf32, #tpu.memory_space<vmem>>, vector<16xf32>,
      tpu.vector_store %arg8[%swap3A_80, %swap3A_81], %broadcast_in_dim3A_79 {strides = array<i32>} : memref<125x128xf32, #tpu.memory_space<vmem>>, vector<16xf32>,
      %broadcast_in_dim3A_83 = arith.constant 0.000000e+00 : f32
      %broadcast_in_dim3A_84 = vector.broadcast %broadcast_in_dim3A_83 : f32 to vector<16xf32>
      %swap3A_85 = arith.constant 16 : i32
      %swap3A_86 = arith.index_cast %while3A_78 : i32 to index
      %swap3A_87 = arith.index_cast %swap3A_85 : i32 to index
      %swap3A_88 = tpu.vector_load %arg8[%swap3A_86, %swap3A_87] {strides = array<i32>} : memref<125x128xf32, #tpu.memory_space<vmem>>, vector<16xf32>,
      tpu.vector_store %arg8[%swap3A_86, %swap3A_87], %broadcast_in_dim3A_84 {strides = array<i32>} : memref<125x128xf32, #tpu.memory_space<vmem>>, vector<16xf32>,
      %broadcast_in_dim3A_89 = arith.constant 0.000000e+00 : f32
      %broadcast_in_dim3A_90 = vector.broadcast %broadcast_in_dim3A_89 : f32 to vector<16xf32>
      %swap3A_91 = arith.constant 32 : i32
      %swap3A_92 = arith.index_cast %while3A_78 : i32 to index
      %swap3A_93 = arith.index_cast %swap3A_91 : i32 to index
      %swap3A_94 = tpu.vector_load %arg8[%swap3A_92, %swap3A_93] {strides = array<i32>} : memref<125x128xf32, #tpu.memory_space<vmem>>, vector<16xf32>,
      tpu.vector_store %arg8[%swap3A_92, %swap3A_93], %broadcast_in_dim3A_90 {strides = array<i32>} : memref<125x128xf32, #tpu.memory_space<vmem>>, vector<16xf32>,
      %broadcast_in_dim3A_95 = arith.constant 0.000000e+00 : f32
      %broadcast_in_dim3A_96 = vector.broadcast %broadcast_in_dim3A_95 : f32 to vector<16xf32>
      %swap3A_97 = arith.constant 48 : i32
      %swap3A_98 = arith.index_cast %while3A_78 : i32 to index
      %swap3A_99 = arith.index_cast %swap3A_97 : i32 to index
      %swap3A_100 = tpu.vector_load %arg8[%swap3A_98, %swap3A_99] {strides = array<i32>} : memref<125x128xf32, #tpu.memory_space<vmem>>, vector<16xf32>,
      tpu.vector_store %arg8[%swap3A_98, %swap3A_99], %broadcast_in_dim3A_96 {strides = array<i32>} : memref<125x128xf32, #tpu.memory_space<vmem>>, vector<16xf32>,
      %broadcast_in_dim3A_101 = arith.constant 0.000000e+00 : f32
      %broadcast_in_dim3A_102 = vector.broadcast %broadcast_in_dim3A_101 : f32 to vector<16xf32>
      %swap3A_103 = arith.constant 64 : i32
      %swap3A_104 = arith.index_cast %while3A_78 : i32 to index
      %swap3A_105 = arith.index_cast %swap3A_103 : i32 to index
      %swap3A_106 = tpu.vector_load %arg8[%swap3A_104, %swap3A_105] {strides = array<i32>} : memref<125x128xf32, #tpu.memory_space<vmem>>, vector<16xf32>,
      tpu.vector_store %arg8[%swap3A_104, %swap3A_105], %broadcast_in_dim3A_102 {strides = array<i32>} : memref<125x128xf32, #tpu.memory_space<vmem>>, vector<16xf32>,
      %broadcast_in_dim3A_107 = arith.constant 0.000000e+00 : f32
      %broadcast_in_dim3A_108 = vector.broadcast %broadcast_in_dim3A_107 : f32 to vector<16xf32>
      %swap3A_109 = arith.constant 80 : i32
      %swap3A_110 = arith.index_cast %while3A_78 : i32 to index
      %swap3A_111 = arith.index_cast %swap3A_109 : i32 to index
      %swap3A_112 = tpu.vector_load %arg8[%swap3A_110, %swap3A_111] {strides = array<i32>} : memref<125x128xf32, #tpu.memory_space<vmem>>, vector<16xf32>,
      tpu.vector_store %arg8[%swap3A_110, %swap3A_111], %broadcast_in_dim3A_108 {strides = array<i32>} : memref<125x128xf32, #tpu.memory_space<vmem>>, vector<16xf32>,
      %broadcast_in_dim3A_113 = arith.constant 0.000000e+00 : f32
      %broadcast_in_dim3A_114 = vector.broadcast %broadcast_in_dim3A_113 : f32 to vector<16xf32>
      %swap3A_115 = arith.constant 96 : i32
      %swap3A_116 = arith.index_cast %while3A_78 : i32 to index
      %swap3A_117 = arith.index_cast %swap3A_115 : i32 to index
      %swap3A_118 = tpu.vector_load %arg8[%swap3A_116, %swap3A_117] {strides = array<i32>} : memref<125x128xf32, #tpu.memory_space<vmem>>, vector<16xf32>,
      tpu.vector_store %arg8[%swap3A_116, %swap3A_117], %broadcast_in_dim3A_114 {strides = array<i32>} : memref<125x128xf32, #tpu.memory_space<vmem>>, vector<16xf32>,
      %broadcast_in_dim3A_119 = arith.constant 0.000000e+00 : f32
      %broadcast_in_dim3A_120 = vector.broadcast %broadcast_in_dim3A_119 : f32 to vector<16xf32>
      %swap3A_121 = arith.constant 112 : i32
      %swap3A_122 = arith.index_cast %while3A_78 : i32 to index
      %swap3A_123 = arith.index_cast %swap3A_121 : i32 to index
      %swap3A_124 = tpu.vector_load %arg8[%swap3A_122, %swap3A_123] {strides = array<i32>} : memref<125x128xf32, #tpu.memory_space<vmem>>, vector<16xf32>,
      tpu.vector_store %arg8[%swap3A_122, %swap3A_123], %broadcast_in_dim3A_120 {strides = array<i32>} : memref<125x128xf32, #tpu.memory_space<vmem>>, vector<16xf32>,
    }
    %while3A_10 = arith.constant 1 : i32
    scf.for %while3A_78 = %while3A_8 to %while3A_4 step %while3A_10  : i32 {
      %broadcast_in_dim3A = arith.constant 0.000000e+00 : f32
      %broadcast_in_dim3A_79 = vector.broadcast %broadcast_in_dim3A : f32 to vector<16xf32>
      %swap3A = arith.constant 0 : i32
      %swap3A_80 = arith.index_cast %while3A_78 : i32 to index
      %swap3A_81 = arith.index_cast %swap3A : i32 to index
      %swap3A_82 = tpu.vector_load %arg8[%swap3A_80, %swap3A_81] {strides = array<i32>} : memref<125x128xf32, #tpu.memory_space<vmem>>, vector<16xf32>,
      tpu.vector_store %arg8[%swap3A_80, %swap3A_81], %broadcast_in_dim3A_79 {strides = array<i32>} : memref<125x128xf32, #tpu.memory_space<vmem>>, vector<16xf32>,
      %broadcast_in_dim3A_83 = arith.constant 0.000000e+00 : f32
      %broadcast_in_dim3A_84 = vector.broadcast %broadcast_in_dim3A_83 : f32 to vector<16xf32>
      %swap3A_85 = arith.constant 16 : i32
      %swap3A_86 = arith.index_cast %while3A_78 : i32 to index
      %swap3A_87 = arith.index_cast %swap3A_85 : i32 to index
      %swap3A_88 = tpu.vector_load %arg8[%swap3A_86, %swap3A_87] {strides = array<i32>} : memref<125x128xf32, #tpu.memory_space<vmem>>, vector<16xf32>,
      tpu.vector_store %arg8[%swap3A_86, %swap3A_87], %broadcast_in_dim3A_84 {strides = array<i32>} : memref<125x128xf32, #tpu.memory_space<vmem>>, vector<16xf32>,
      %broadcast_in_dim3A_89 = arith.constant 0.000000e+00 : f32
      %broadcast_in_dim3A_90 = vector.broadcast %broadcast_in_dim3A_89 : f32 to vector<16xf32>
      %swap3A_91 = arith.constant 32 : i32
      %swap3A_92 = arith.index_cast %while3A_78 : i32 to index
      %swap3A_93 = arith.index_cast %swap3A_91 : i32 to index
      %swap3A_94 = tpu.vector_load %arg8[%swap3A_92, %swap3A_93] {strides = array<i32>} : memref<125x128xf32, #tpu.memory_space<vmem>>, vector<16xf32>,
      tpu.vector_store %arg8[%swap3A_92, %swap3A_93], %broadcast_in_dim3A_90 {strides = array<i32>} : memref<125x128xf32, #tpu.memory_space<vmem>>, vector<16xf32>,
      %broadcast_in_dim3A_95 = arith.constant 0.000000e+00 : f32
      %broadcast_in_dim3A_96 = vector.broadcast %broadcast_in_dim3A_95 : f32 to vector<16xf32>
      %swap3A_97 = arith.constant 48 : i32
      %swap3A_98 = arith.index_cast %while3A_78 : i32 to index
      %swap3A_99 = arith.index_cast %swap3A_97 : i32 to index
      %swap3A_100 = tpu.vector_load %arg8[%swap3A_98, %swap3A_99] {strides = array<i32>} : memref<125x128xf32, #tpu.memory_space<vmem>>, vector<16xf32>,
      tpu.vector_store %arg8[%swap3A_98, %swap3A_99], %broadcast_in_dim3A_96 {strides = array<i32>} : memref<125x128xf32, #tpu.memory_space<vmem>>, vector<16xf32>,
      %broadcast_in_dim3A_101 = arith.constant 0.000000e+00 : f32
      %broadcast_in_dim3A_102 = vector.broadcast %broadcast_in_dim3A_101 : f32 to vector<16xf32>
      %swap3A_103 = arith.constant 64 : i32
      %swap3A_104 = arith.index_cast %while3A_78 : i32 to index
      %swap3A_105 = arith.index_cast %swap3A_103 : i32 to index
      %swap3A_106 = tpu.vector_load %arg8[%swap3A_104, %swap3A_105] {strides = array<i32>} : memref<125x128xf32, #tpu.memory_space<vmem>>, vector<16xf32>,
      tpu.vector_store %arg8[%swap3A_104, %swap3A_105], %broadcast_in_dim3A_102 {strides = array<i32>} : memref<125x128xf32, #tpu.memory_space<vmem>>, vector<16xf32>,
      %broadcast_in_dim3A_107 = arith.constant 0.000000e+00 : f32
      %broadcast_in_dim3A_108 = vector.broadcast %broadcast_in_dim3A_107 : f32 to vector<16xf32>
      %swap3A_109 = arith.constant 80 : i32
      %swap3A_110 = arith.index_cast %while3A_78 : i32 to index
      %swap3A_111 = arith.index_cast %swap3A_109 : i32 to index
      %swap3A_112 = tpu.vector_load %arg8[%swap3A_110, %swap3A_111] {strides = array<i32>} : memref<125x128xf32, #tpu.memory_space<vmem>>, vector<16xf32>,
      tpu.vector_store %arg8[%swap3A_110, %swap3A_111], %broadcast_in_dim3A_108 {strides = array<i32>} : memref<125x128xf32, #tpu.memory_space<vmem>>, vector<16xf32>,
      %broadcast_in_dim3A_113 = arith.constant 0.000000e+00 : f32
      %broadcast_in_dim3A_114 = vector.broadcast %broadcast_in_dim3A_113 : f32 to vector<16xf32>
      %swap3A_115 = arith.constant 96 : i32
      %swap3A_116 = arith.index_cast %while3A_78 : i32 to index
      %swap3A_117 = arith.index_cast %swap3A_115 : i32 to index
      %swap3A_118 = tpu.vector_load %arg8[%swap3A_116, %swap3A_117] {strides = array<i32>} : memref<125x128xf32, #tpu.memory_space<vmem>>, vector<16xf32>,
      tpu.vector_store %arg8[%swap3A_116, %swap3A_117], %broadcast_in_dim3A_114 {strides = array<i32>} : memref<125x128xf32, #tpu.memory_space<vmem>>, vector<16xf32>,
      %broadcast_in_dim3A_119 = arith.constant 0.000000e+00 : f32
      %broadcast_in_dim3A_120 = vector.broadcast %broadcast_in_dim3A_119 : f32 to vector<16xf32>
      %swap3A_121 = arith.constant 112 : i32
      %swap3A_122 = arith.index_cast %while3A_78 : i32 to index
      %swap3A_123 = arith.index_cast %swap3A_121 : i32 to index
      %swap3A_124 = tpu.vector_load %arg8[%swap3A_122, %swap3A_123] {strides = array<i32>} : memref<125x128xf32, #tpu.memory_space<vmem>>, vector<16xf32>,
      tpu.vector_store %arg8[%swap3A_122, %swap3A_123], %broadcast_in_dim3A_120 {strides = array<i32>} : memref<125x128xf32, #tpu.memory_space<vmem>>, vector<16xf32>,
    }
    %mul3A_11 = arith.constant 640 : i32
    %mul3A_12 = arith.muli %arg1, %mul3A_11 : i32
    %add3A_13 = arith.constant 0 : i32
    %add3A_14 = arith.addi %mul3A_12, %add3A_13 : i32
    "tpu.region"() ({
      %run_scoped3A_78 = tpu.sem_alloc : memref<!tpu.dma_semaphore, #tpu.memory_space<semaphore_mem>>
      %dma_start3A_79 = arith.constant 0 : i32
      %dma_start3A_80 = tpu.memref_slice %arg10[%add3A_14, %dma_start3A_79] : memref<10240x128xf32, #tpu.memory_space<vmem_shared>> -> memref<125x128xf32, #tpu.memory_space<vmem_shared>>
      %dma_start3A_81 = arith.constant 0 : i32
      %dma_start3A_82 = tpu.memref_slice %arg10[%add3A_14, %dma_start3A_81] : memref<10240x128xf32, #tpu.memory_space<vmem_shared>> -> memref<125x128xf32, #tpu.memory_space<vmem_shared>>
      tpu.enqueue_dma source(%arg8 : memref<125x128xf32, #tpu.memory_space<vmem>>) target(%dma_start3A_82 : memref<125x128xf32, #tpu.memory_space<vmem_shared>>) target_semaphore(%run_scoped3A_78 : memref<!tpu.dma_semaphore, #tpu.memory_space<semaphore_mem>>)
      %dma_wait3A = arith.constant 0 : i32
      %dma_wait3A_83 = tpu.memref_slice %arg10[%add3A_14, %dma_wait3A] : memref<10240x128xf32, #tpu.memory_space<vmem_shared>> -> memref<125x128xf32, #tpu.memory_space<vmem_shared>>
      %dma_wait3A_84 = arith.constant 0 : i32
      %dma_wait3A_85 = tpu.memref_slice %arg10[%add3A_14, %dma_wait3A_84] : memref<10240x128xf32, #tpu.memory_space<vmem_shared>> -> memref<125x128xf32, #tpu.memory_space<vmem_shared>>
      tpu.wait_dma2 semaphore(%run_scoped3A_78 : memref<!tpu.dma_semaphore, #tpu.memory_space<semaphore_mem>>) src(%arg8 : memref<125x128xf32, #tpu.memory_space<vmem>>) dst(%dma_wait3A_85 : memref<125x128xf32, #tpu.memory_space<vmem_shared>>)
      tpu.yield
    }) : () -> ()
    %mul3A_15 = arith.constant 640 : i32
    %mul3A_16 = arith.muli %arg1, %mul3A_15 : i32
    %add3A_17 = arith.constant 125 : i32
    %add3A_18 = arith.addi %mul3A_16, %add3A_17 : i32
    "tpu.region"() ({
      %run_scoped3A_78 = tpu.sem_alloc : memref<!tpu.dma_semaphore, #tpu.memory_space<semaphore_mem>>
      %dma_start3A_79 = arith.constant 0 : i32
      %dma_start3A_80 = tpu.memref_slice %arg10[%add3A_18, %dma_start3A_79] : memref<10240x128xf32, #tpu.memory_space<vmem_shared>> -> memref<125x128xf32, #tpu.memory_space<vmem_shared>>
      %dma_start3A_81 = arith.constant 0 : i32
      %dma_start3A_82 = tpu.memref_slice %arg10[%add3A_18, %dma_start3A_81] : memref<10240x128xf32, #tpu.memory_space<vmem_shared>> -> memref<125x128xf32, #tpu.memory_space<vmem_shared>>
      tpu.enqueue_dma source(%arg8 : memref<125x128xf32, #tpu.memory_space<vmem>>) target(%dma_start3A_82 : memref<125x128xf32, #tpu.memory_space<vmem_shared>>) target_semaphore(%run_scoped3A_78 : memref<!tpu.dma_semaphore, #tpu.memory_space<semaphore_mem>>)
      %dma_wait3A = arith.constant 0 : i32
      %dma_wait3A_83 = tpu.memref_slice %arg10[%add3A_18, %dma_wait3A] : memref<10240x128xf32, #tpu.memory_space<vmem_shared>> -> memref<125x128xf32, #tpu.memory_space<vmem_shared>>
      %dma_wait3A_84 = arith.constant 0 : i32
      %dma_wait3A_85 = tpu.memref_slice %arg10[%add3A_18, %dma_wait3A_84] : memref<10240x128xf32, #tpu.memory_space<vmem_shared>> -> memref<125x128xf32, #tpu.memory_space<vmem_shared>>
      tpu.wait_dma2 semaphore(%run_scoped3A_78 : memref<!tpu.dma_semaphore, #tpu.memory_space<semaphore_mem>>) src(%arg8 : memref<125x128xf32, #tpu.memory_space<vmem>>) dst(%dma_wait3A_85 : memref<125x128xf32, #tpu.memory_space<vmem_shared>>)
      tpu.yield
    }) : () -> ()
    %mul3A_19 = arith.constant 640 : i32
    %mul3A_20 = arith.muli %arg1, %mul3A_19 : i32
    %add3A_21 = arith.constant 250 : i32
    %add3A_22 = arith.addi %mul3A_20, %add3A_21 : i32
    "tpu.region"() ({
      %run_scoped3A_78 = tpu.sem_alloc : memref<!tpu.dma_semaphore, #tpu.memory_space<semaphore_mem>>
      %dma_start3A_79 = arith.constant 0 : i32
      %dma_start3A_80 = tpu.memref_slice %arg10[%add3A_22, %dma_start3A_79] : memref<10240x128xf32, #tpu.memory_space<vmem_shared>> -> memref<125x128xf32, #tpu.memory_space<vmem_shared>>
      %dma_start3A_81 = arith.constant 0 : i32
      %dma_start3A_82 = tpu.memref_slice %arg10[%add3A_22, %dma_start3A_81] : memref<10240x128xf32, #tpu.memory_space<vmem_shared>> -> memref<125x128xf32, #tpu.memory_space<vmem_shared>>
      tpu.enqueue_dma source(%arg8 : memref<125x128xf32, #tpu.memory_space<vmem>>) target(%dma_start3A_82 : memref<125x128xf32, #tpu.memory_space<vmem_shared>>) target_semaphore(%run_scoped3A_78 : memref<!tpu.dma_semaphore, #tpu.memory_space<semaphore_mem>>)
      %dma_wait3A = arith.constant 0 : i32
      %dma_wait3A_83 = tpu.memref_slice %arg10[%add3A_22, %dma_wait3A] : memref<10240x128xf32, #tpu.memory_space<vmem_shared>> -> memref<125x128xf32, #tpu.memory_space<vmem_shared>>
      %dma_wait3A_84 = arith.constant 0 : i32
      %dma_wait3A_85 = tpu.memref_slice %arg10[%add3A_22, %dma_wait3A_84] : memref<10240x128xf32, #tpu.memory_space<vmem_shared>> -> memref<125x128xf32, #tpu.memory_space<vmem_shared>>
      tpu.wait_dma2 semaphore(%run_scoped3A_78 : memref<!tpu.dma_semaphore, #tpu.memory_space<semaphore_mem>>) src(%arg8 : memref<125x128xf32, #tpu.memory_space<vmem>>) dst(%dma_wait3A_85 : memref<125x128xf32, #tpu.memory_space<vmem_shared>>)
      tpu.yield
    }) : () -> ()
    %mul3A_23 = arith.constant 640 : i32
    %mul3A_24 = arith.muli %arg1, %mul3A_23 : i32
    %add3A_25 = arith.constant 375 : i32
    %add3A_26 = arith.addi %mul3A_24, %add3A_25 : i32
    "tpu.region"() ({
      %run_scoped3A_78 = tpu.sem_alloc : memref<!tpu.dma_semaphore, #tpu.memory_space<semaphore_mem>>
      %dma_start3A_79 = arith.constant 0 : i32
      %dma_start3A_80 = tpu.memref_slice %arg10[%add3A_26, %dma_start3A_79] : memref<10240x128xf32, #tpu.memory_space<vmem_shared>> -> memref<125x128xf32, #tpu.memory_space<vmem_shared>>
      %dma_start3A_81 = arith.constant 0 : i32
      %dma_start3A_82 = tpu.memref_slice %arg10[%add3A_26, %dma_start3A_81] : memref<10240x128xf32, #tpu.memory_space<vmem_shared>> -> memref<125x128xf32, #tpu.memory_space<vmem_shared>>
      tpu.enqueue_dma source(%arg8 : memref<125x128xf32, #tpu.memory_space<vmem>>) target(%dma_start3A_82 : memref<125x128xf32, #tpu.memory_space<vmem_shared>>) target_semaphore(%run_scoped3A_78 : memref<!tpu.dma_semaphore, #tpu.memory_space<semaphore_mem>>)
      %dma_wait3A = arith.constant 0 : i32
      %dma_wait3A_83 = tpu.memref_slice %arg10[%add3A_26, %dma_wait3A] : memref<10240x128xf32, #tpu.memory_space<vmem_shared>> -> memref<125x128xf32, #tpu.memory_space<vmem_shared>>
      %dma_wait3A_84 = arith.constant 0 : i32
      %dma_wait3A_85 = tpu.memref_slice %arg10[%add3A_26, %dma_wait3A_84] : memref<10240x128xf32, #tpu.memory_space<vmem_shared>> -> memref<125x128xf32, #tpu.memory_space<vmem_shared>>
      tpu.wait_dma2 semaphore(%run_scoped3A_78 : memref<!tpu.dma_semaphore, #tpu.memory_space<semaphore_mem>>) src(%arg8 : memref<125x128xf32, #tpu.memory_space<vmem>>) dst(%dma_wait3A_85 : memref<125x128xf32, #tpu.memory_space<vmem_shared>>)
      tpu.yield
    }) : () -> ()
    %mul3A_27 = arith.constant 640 : i32
    %mul3A_28 = arith.muli %arg1, %mul3A_27 : i32
    %add3A_29 = arith.constant 500 : i32
    %add3A_30 = arith.addi %mul3A_28, %add3A_29 : i32
    "tpu.region"() ({
      %run_scoped3A_78 = tpu.sem_alloc : memref<!tpu.dma_semaphore, #tpu.memory_space<semaphore_mem>>
      %dma_start3A_79 = arith.constant 0 : i32
      %dma_start3A_80 = tpu.memref_slice %arg10[%add3A_30, %dma_start3A_79] : memref<10240x128xf32, #tpu.memory_space<vmem_shared>> -> memref<125x128xf32, #tpu.memory_space<vmem_shared>>
      %dma_start3A_81 = arith.constant 0 : i32
      %dma_start3A_82 = tpu.memref_slice %arg10[%add3A_30, %dma_start3A_81] : memref<10240x128xf32, #tpu.memory_space<vmem_shared>> -> memref<125x128xf32, #tpu.memory_space<vmem_shared>>
      tpu.enqueue_dma source(%arg8 : memref<125x128xf32, #tpu.memory_space<vmem>>) target(%dma_start3A_82 : memref<125x128xf32, #tpu.memory_space<vmem_shared>>) target_semaphore(%run_scoped3A_78 : memref<!tpu.dma_semaphore, #tpu.memory_space<semaphore_mem>>)
      %dma_wait3A = arith.constant 0 : i32
      %dma_wait3A_83 = tpu.memref_slice %arg10[%add3A_30, %dma_wait3A] : memref<10240x128xf32, #tpu.memory_space<vmem_shared>> -> memref<125x128xf32, #tpu.memory_space<vmem_shared>>
      %dma_wait3A_84 = arith.constant 0 : i32
      %dma_wait3A_85 = tpu.memref_slice %arg10[%add3A_30, %dma_wait3A_84] : memref<10240x128xf32, #tpu.memory_space<vmem_shared>> -> memref<125x128xf32, #tpu.memory_space<vmem_shared>>
      tpu.wait_dma2 semaphore(%run_scoped3A_78 : memref<!tpu.dma_semaphore, #tpu.memory_space<semaphore_mem>>) src(%arg8 : memref<125x128xf32, #tpu.memory_space<vmem>>) dst(%dma_wait3A_85 : memref<125x128xf32, #tpu.memory_space<vmem_shared>>)
      tpu.yield
    }) : () -> ()
    %mul3A_31 = arith.constant 640 : i32
    %mul3A_32 = arith.muli %arg1, %mul3A_31 : i32
    %add3A_33 = arith.constant 625 : i32
    %add3A_34 = arith.addi %mul3A_32, %add3A_33 : i32
    "tpu.region"() ({
      %run_scoped3A_78 = tpu.sem_alloc : memref<!tpu.dma_semaphore, #tpu.memory_space<semaphore_mem>>
      %dma_start3A_79 = arith.constant 0 : i32
      %dma_start3A_80 = arith.constant 0 : i32
      %dma_start3A_81 = tpu.memref_slice %arg8[%dma_start3A_79, %dma_start3A_80] : memref<125x128xf32, #tpu.memory_space<vmem>> -> memref<15x128xf32, #tpu.memory_space<vmem>>
      %dma_start3A_82 = arith.constant 0 : i32
      %dma_start3A_83 = tpu.memref_slice %arg10[%add3A_34, %dma_start3A_82] : memref<10240x128xf32, #tpu.memory_space<vmem_shared>> -> memref<15x128xf32, #tpu.memory_space<vmem_shared>>
      %dma_start3A_84 = arith.constant 0 : i32
      %dma_start3A_85 = tpu.memref_slice %arg10[%add3A_34, %dma_start3A_84] : memref<10240x128xf32, #tpu.memory_space<vmem_shared>> -> memref<15x128xf32, #tpu.memory_space<vmem_shared>>
      %dma_start3A_86 = arith.constant 0 : i32
      %dma_start3A_87 = arith.constant 0 : i32
      %dma_start3A_88 = tpu.memref_slice %arg8[%dma_start3A_86, %dma_start3A_87] : memref<125x128xf32, #tpu.memory_space<vmem>> -> memref<15x128xf32, #tpu.memory_space<vmem>>
      tpu.enqueue_dma source(%dma_start3A_88 : memref<15x128xf32, #tpu.memory_space<vmem>>) target(%dma_start3A_85 : memref<15x128xf32, #tpu.memory_space<vmem_shared>>) target_semaphore(%run_scoped3A_78 : memref<!tpu.dma_semaphore, #tpu.memory_space<semaphore_mem>>)
      %dma_wait3A = arith.constant 0 : i32
      %dma_wait3A_89 = arith.constant 0 : i32
      %dma_wait3A_90 = tpu.memref_slice %arg8[%dma_wait3A, %dma_wait3A_89] : memref<125x128xf32, #tpu.memory_space<vmem>> -> memref<15x128xf32, #tpu.memory_space<vmem>>
      %dma_wait3A_91 = arith.constant 0 : i32
      %dma_wait3A_92 = tpu.memref_slice %arg10[%add3A_34, %dma_wait3A_91] : memref<10240x128xf32, #tpu.memory_space<vmem_shared>> -> memref<15x128xf32, #tpu.memory_space<vmem_shared>>
      %dma_wait3A_93 = arith.constant 0 : i32
      %dma_wait3A_94 = tpu.memref_slice %arg10[%add3A_34, %dma_wait3A_93] : memref<10240x128xf32, #tpu.memory_space<vmem_shared>> -> memref<15x128xf32, #tpu.memory_space<vmem_shared>>
      %dma_wait3A_95 = arith.constant 0 : i32
      %dma_wait3A_96 = arith.constant 0 : i32
      %dma_wait3A_97 = tpu.memref_slice %arg8[%dma_wait3A_95, %dma_wait3A_96] : memref<125x128xf32, #tpu.memory_space<vmem>> -> memref<15x128xf32, #tpu.memory_space<vmem>>
      tpu.wait_dma2 semaphore(%run_scoped3A_78 : memref<!tpu.dma_semaphore, #tpu.memory_space<semaphore_mem>>) src(%dma_wait3A_97 : memref<15x128xf32, #tpu.memory_space<vmem>>) dst(%dma_wait3A_94 : memref<15x128xf32, #tpu.memory_space<vmem_shared>>)
      tpu.yield
    }) : () -> ()
    %barrier3A = arith.constant 0 : index
    tpu.barrier barrier_id(%barrier3A)
    %run_scoped3A = arith.constant 0 : i32
    "tpu.region"() ({
      %run_scoped3A_78 = tpu.sem_alloc : memref<!tpu.dma_semaphore, #tpu.memory_space<semaphore_mem>>
      %dma_start3A_79 = arith.constant 0 : i32
      %dma_start3A_80 = tpu.memref_slice %arg2[%add3A, %run_scoped3A, %dma_start3A_79] : memref<32x80x125xi32, #tpu.memory_space<hbm>> -> memref<1x40x125xi32, #tpu.memory_space<hbm>>
      %dma_start3A_81 = tpu.memref_squeeze %dma_start3A_80 : memref<1x40x125xi32, #tpu.memory_space<hbm>> -> memref<40x125xi32, #tpu.memory_space<hbm>>
      %dma_start3A_82 = arith.constant 0 : i32
      %dma_start3A_83 = tpu.memref_slice %arg2[%add3A, %run_scoped3A, %dma_start3A_82] : memref<32x80x125xi32, #tpu.memory_space<hbm>> -> memref<1x40x125xi32, #tpu.memory_space<hbm>>
      %dma_start3A_84 = tpu.memref_squeeze %dma_start3A_83 : memref<1x40x125xi32, #tpu.memory_space<hbm>> -> memref<40x125xi32, #tpu.memory_space<hbm>>
      tpu.enqueue_dma source(%dma_start3A_84 : memref<40x125xi32, #tpu.memory_space<hbm>>) target(%arg6 : memref<40x125xi32, #tpu.memory_space<vmem>>) target_semaphore(%run_scoped3A_78 : memref<!tpu.dma_semaphore, #tpu.memory_space<semaphore_mem>>)
      %dma_wait3A = arith.constant 0 : i32
      %dma_wait3A_85 = tpu.memref_slice %arg2[%add3A, %run_scoped3A, %dma_wait3A] : memref<32x80x125xi32, #tpu.memory_space<hbm>> -> memref<1x40x125xi32, #tpu.memory_space<hbm>>
      %dma_wait3A_86 = tpu.memref_squeeze %dma_wait3A_85 : memref<1x40x125xi32, #tpu.memory_space<hbm>> -> memref<40x125xi32, #tpu.memory_space<hbm>>
      %dma_wait3A_87 = arith.constant 0 : i32
      %dma_wait3A_88 = tpu.memref_slice %arg2[%add3A, %run_scoped3A, %dma_wait3A_87] : memref<32x80x125xi32, #tpu.memory_space<hbm>> -> memref<1x40x125xi32, #tpu.memory_space<hbm>>
      %dma_wait3A_89 = tpu.memref_squeeze %dma_wait3A_88 : memref<1x40x125xi32, #tpu.memory_space<hbm>> -> memref<40x125xi32, #tpu.memory_space<hbm>>
      tpu.wait_dma2 semaphore(%run_scoped3A_78 : memref<!tpu.dma_semaphore, #tpu.memory_space<semaphore_mem>>) src(%dma_wait3A_89 : memref<40x125xi32, #tpu.memory_space<hbm>>) dst(%arg6 : memref<40x125xi32, #tpu.memory_space<vmem>>)
      tpu.yield
    }) : () -> ()
    %run_scoped3A_35 = arith.constant 0 : i32
    "tpu.region"() ({
      %run_scoped3A_78 = tpu.sem_alloc : memref<!tpu.dma_semaphore, #tpu.memory_space<semaphore_mem>>
      %dma_start3A_79 = arith.constant 0 : i32
      %dma_start3A_80 = tpu.memref_slice %arg3[%add3A, %run_scoped3A_35, %dma_start3A_79] : memref<32x80x125xi32, #tpu.memory_space<hbm>> -> memref<1x40x125xi32, #tpu.memory_space<hbm>>
      %dma_start3A_81 = tpu.memref_squeeze %dma_start3A_80 : memref<1x40x125xi32, #tpu.memory_space<hbm>> -> memref<40x125xi32, #tpu.memory_space<hbm>>
      %dma_start3A_82 = arith.constant 0 : i32
      %dma_start3A_83 = tpu.memref_slice %arg3[%add3A, %run_scoped3A_35, %dma_start3A_82] : memref<32x80x125xi32, #tpu.memory_space<hbm>> -> memref<1x40x125xi32, #tpu.memory_space<hbm>>
      %dma_start3A_84 = tpu.memref_squeeze %dma_start3A_83 : memref<1x40x125xi32, #tpu.memory_space<hbm>> -> memref<40x125xi32, #tpu.memory_space<hbm>>
      tpu.enqueue_dma source(%dma_start3A_84 : memref<40x125xi32, #tpu.memory_space<hbm>>) target(%arg7 : memref<40x125xi32, #tpu.memory_space<vmem>>) target_semaphore(%run_scoped3A_78 : memref<!tpu.dma_semaphore, #tpu.memory_space<semaphore_mem>>)
      %dma_wait3A = arith.constant 0 : i32
      %dma_wait3A_85 = tpu.memref_slice %arg3[%add3A, %run_scoped3A_35, %dma_wait3A] : memref<32x80x125xi32, #tpu.memory_space<hbm>> -> memref<1x40x125xi32, #tpu.memory_space<hbm>>
      %dma_wait3A_86 = tpu.memref_squeeze %dma_wait3A_85 : memref<1x40x125xi32, #tpu.memory_space<hbm>> -> memref<40x125xi32, #tpu.memory_space<hbm>>
      %dma_wait3A_87 = arith.constant 0 : i32
      %dma_wait3A_88 = tpu.memref_slice %arg3[%add3A, %run_scoped3A_35, %dma_wait3A_87] : memref<32x80x125xi32, #tpu.memory_space<hbm>> -> memref<1x40x125xi32, #tpu.memory_space<hbm>>
      %dma_wait3A_89 = tpu.memref_squeeze %dma_wait3A_88 : memref<1x40x125xi32, #tpu.memory_space<hbm>> -> memref<40x125xi32, #tpu.memory_space<hbm>>
      tpu.wait_dma2 semaphore(%run_scoped3A_78 : memref<!tpu.dma_semaphore, #tpu.memory_space<semaphore_mem>>) src(%dma_wait3A_89 : memref<40x125xi32, #tpu.memory_space<hbm>>) dst(%arg7 : memref<40x125xi32, #tpu.memory_space<vmem>>)
      tpu.yield
    }) : () -> ()
    %dma_start3A = arith.constant 0 : i32
    %dma_start3A_36 = arith.constant 0 : i32
    %dma_start3A_37 = tpu.memref_slice %arg6[%dma_start3A, %dma_start3A_36] : memref<40x125xi32, #tpu.memory_space<vmem>> -> memref<1x125xi32, #tpu.memory_space<vmem>>
    %dma_start3A_38 = tpu.memref_squeeze %dma_start3A_37 : memref<1x125xi32, #tpu.memory_space<vmem>> -> memref<125xi32, #tpu.memory_space<vmem>>
    %dma_start3A_39 = arith.constant 0 : i32
    %dma_start3A_40 = arith.constant 0 : i32
    %dma_start3A_41 = tpu.memref_slice %arg4[%dma_start3A_39, %dma_start3A_40] : memref<10240x128xf32, #tpu.memory_space<hbm>> -> memref<10240x128xf32, #tpu.memory_space<hbm>>
    tpu.enqueue_indirect_dma source(%dma_start3A_41 : memref<10240x128xf32, #tpu.memory_space<hbm>>) target(%arg8 : memref<125x128xf32, #tpu.memory_space<vmem>>) offsets(%dma_start3A_38 : memref<125xi32, #tpu.memory_space<vmem>>) semaphore(%arg11 : memref<!tpu.dma_semaphore, #tpu.memory_space<semaphore_mem>>)
    %while3A_42 = arith.constant 0 : i32
    %while3A_43 = arith.constant 0 : i32
    %while3A_44 = arith.constant 20 : i32
    %while3A_45 = arith.subi %while3A_44, %while3A_43 : i32
    %while3A_46 = arith.addi %while3A_43, %while3A_45 : i32
    %while3A_47 = arith.constant 1 : i32
    %while3A_48 = arith.divsi %while3A_45, %while3A_47 : i32
    %while3A_49 = arith.muli %while3A_48, %while3A_47 : i32
    %while3A_50 = arith.addi %while3A_43, %while3A_49 : i32
    %while3A_51 = arith.constant 1 : i32
    scf.for %while3A_78 = %while3A_43 to %while3A_50 step %while3A_51  : i32 {
      %mul3A_79 = arith.constant 2 : i32
      %mul3A_80 = arith.muli %while3A_78, %mul3A_79 : i32
      %add3A_81 = arith.constant 1 : i32
      %add3A_82 = arith.addi %mul3A_80, %add3A_81 : i32
      %dma_start3A_83 = arith.constant 0 : i32
      %dma_start3A_84 = tpu.memref_slice %arg6[%add3A_82, %dma_start3A_83] : memref<40x125xi32, #tpu.memory_space<vmem>> -> memref<1x125xi32, #tpu.memory_space<vmem>>
      %dma_start3A_85 = tpu.memref_squeeze %dma_start3A_84 : memref<1x125xi32, #tpu.memory_space<vmem>> -> memref<125xi32, #tpu.memory_space<vmem>>
      %dma_start3A_86 = arith.constant 0 : i32
      %dma_start3A_87 = arith.constant 0 : i32
      %dma_start3A_88 = tpu.memref_slice %arg4[%dma_start3A_86, %dma_start3A_87] : memref<10240x128xf32, #tpu.memory_space<hbm>> -> memref<10240x128xf32, #tpu.memory_space<hbm>>
      tpu.enqueue_indirect_dma source(%dma_start3A_88 : memref<10240x128xf32, #tpu.memory_space<hbm>>) target(%arg9 : memref<125x128xf32, #tpu.memory_space<vmem>>) offsets(%dma_start3A_85 : memref<125xi32, #tpu.memory_space<vmem>>) semaphore(%arg12 : memref<!tpu.dma_semaphore, #tpu.memory_space<semaphore_mem>>)
      %dma_wait3A = arith.constant 0 : i32
      %dma_wait3A_89 = tpu.memref_slice %arg6[%mul3A_80, %dma_wait3A] : memref<40x125xi32, #tpu.memory_space<vmem>> -> memref<1x125xi32, #tpu.memory_space<vmem>>
      %dma_wait3A_90 = tpu.memref_squeeze %dma_wait3A_89 : memref<1x125xi32, #tpu.memory_space<vmem>> -> memref<125xi32, #tpu.memory_space<vmem>>
      %dma_wait3A_91 = arith.constant 0 : i32
      %dma_wait3A_92 = arith.constant 0 : i32
      %dma_wait3A_93 = tpu.memref_slice %arg4[%dma_wait3A_91, %dma_wait3A_92] : memref<10240x128xf32, #tpu.memory_space<hbm>> -> memref<10240x128xf32, #tpu.memory_space<hbm>>
      tpu.wait_indirect_dma semaphore(%arg11 : memref<!tpu.dma_semaphore, #tpu.memory_space<semaphore_mem>>) src(%dma_wait3A_93 : memref<10240x128xf32, #tpu.memory_space<hbm>>) dst(%arg8 : memref<125x128xf32, #tpu.memory_space<vmem>>)
      "tpu.region"() ({
        %run_scoped3A_102 = tpu.sem_alloc : memref<!tpu.dma_semaphore, #tpu.memory_space<semaphore_mem>>
        %dma_start3A_103 = arith.constant 0 : i32
        %dma_start3A_104 = tpu.memref_slice %arg7[%mul3A_80, %dma_start3A_103] : memref<40x125xi32, #tpu.memory_space<vmem>> -> memref<1x125xi32, #tpu.memory_space<vmem>>
        %dma_start3A_105 = tpu.memref_squeeze %dma_start3A_104 : memref<1x125xi32, #tpu.memory_space<vmem>> -> memref<125xi32, #tpu.memory_space<vmem>>
        %dma_start3A_106 = arith.constant 0 : i32
        %dma_start3A_107 = arith.constant 0 : i32
        %dma_start3A_108 = tpu.memref_slice %arg10[%dma_start3A_106, %dma_start3A_107] : memref<10240x128xf32, #tpu.memory_space<vmem_shared>> -> memref<10240x128xf32, #tpu.memory_space<vmem_shared>>
        tpu.enqueue_indirect_dma source(%arg8 : memref<125x128xf32, #tpu.memory_space<vmem>>) target(%dma_start3A_108 : memref<10240x128xf32, #tpu.memory_space<vmem_shared>>) offsets(%dma_start3A_105 : memref<125xi32, #tpu.memory_space<vmem>>) semaphore(%run_scoped3A_102 : memref<!tpu.dma_semaphore, #tpu.memory_space<semaphore_mem>>) {add = true}
        %dma_wait3A_109 = arith.constant 0 : i32
        %dma_wait3A_110 = tpu.memref_slice %arg7[%mul3A_80, %dma_wait3A_109] : memref<40x125xi32, #tpu.memory_space<vmem>> -> memref<1x125xi32, #tpu.memory_space<vmem>>
        %dma_wait3A_111 = tpu.memref_squeeze %dma_wait3A_110 : memref<1x125xi32, #tpu.memory_space<vmem>> -> memref<125xi32, #tpu.memory_space<vmem>>
        %dma_wait3A_112 = arith.constant 0 : i32
        %dma_wait3A_113 = arith.constant 0 : i32
        %dma_wait3A_114 = tpu.memref_slice %arg10[%dma_wait3A_112, %dma_wait3A_113] : memref<10240x128xf32, #tpu.memory_space<vmem_shared>> -> memref<10240x128xf32, #tpu.memory_space<vmem_shared>>
        tpu.wait_indirect_dma semaphore(%run_scoped3A_102 : memref<!tpu.dma_semaphore, #tpu.memory_space<semaphore_mem>>) src(%arg8 : memref<125x128xf32, #tpu.memory_space<vmem>>) dst(%dma_wait3A_114 : memref<10240x128xf32, #tpu.memory_space<vmem_shared>>)
        tpu.yield
      }) : () -> ()
      %lt3A = arith.constant 19 : i32
      %lt3A_94 = arith.cmpi slt, %while3A_78, %lt3A : i32
      %convert_element_type3A = arith.extui %lt3A_94 : i1 to i32
      %cond3A = arith.constant 0 : i32
      %cond3A_95 = arith.cmpi ne, %convert_element_type3A, %cond3A : i32
      scf.if %cond3A_95 {
        %add3A_102 = arith.constant 2 : i32
        %add3A_103 = arith.addi %mul3A_80, %add3A_102 : i32
        %dma_start3A_104 = arith.constant 0 : i32
        %dma_start3A_105 = tpu.memref_slice %arg6[%add3A_103, %dma_start3A_104] : memref<40x125xi32, #tpu.memory_space<vmem>> -> memref<1x125xi32, #tpu.memory_space<vmem>>
        %dma_start3A_106 = tpu.memref_squeeze %dma_start3A_105 : memref<1x125xi32, #tpu.memory_space<vmem>> -> memref<125xi32, #tpu.memory_space<vmem>>
        %dma_start3A_107 = arith.constant 0 : i32
        %dma_start3A_108 = arith.constant 0 : i32
        %dma_start3A_109 = tpu.memref_slice %arg4[%dma_start3A_107, %dma_start3A_108] : memref<10240x128xf32, #tpu.memory_space<hbm>> -> memref<10240x128xf32, #tpu.memory_space<hbm>>
        tpu.enqueue_indirect_dma source(%dma_start3A_109 : memref<10240x128xf32, #tpu.memory_space<hbm>>) target(%arg8 : memref<125x128xf32, #tpu.memory_space<vmem>>) offsets(%dma_start3A_106 : memref<125xi32, #tpu.memory_space<vmem>>) semaphore(%arg11 : memref<!tpu.dma_semaphore, #tpu.memory_space<semaphore_mem>>)
      } else {
      }
      %dma_wait3A_96 = arith.constant 0 : i32
      %dma_wait3A_97 = tpu.memref_slice %arg6[%add3A_82, %dma_wait3A_96] : memref<40x125xi32, #tpu.memory_space<vmem>> -> memref<1x125xi32, #tpu.memory_space<vmem>>
      %dma_wait3A_98 = tpu.memref_squeeze %dma_wait3A_97 : memref<1x125xi32, #tpu.memory_space<vmem>> -> memref<125xi32, #tpu.memory_space<vmem>>
      %dma_wait3A_99 = arith.constant 0 : i32
      %dma_wait3A_100 = arith.constant 0 : i32
      %dma_wait3A_101 = tpu.memref_slice %arg4[%dma_wait3A_99, %dma_wait3A_100] : memref<10240x128xf32, #tpu.memory_space<hbm>> -> memref<10240x128xf32, #tpu.memory_space<hbm>>
      tpu.wait_indirect_dma semaphore(%arg12 : memref<!tpu.dma_semaphore, #tpu.memory_space<semaphore_mem>>) src(%dma_wait3A_101 : memref<10240x128xf32, #tpu.memory_space<hbm>>) dst(%arg9 : memref<125x128xf32, #tpu.memory_space<vmem>>)
      "tpu.region"() ({
        %run_scoped3A_102 = tpu.sem_alloc : memref<!tpu.dma_semaphore, #tpu.memory_space<semaphore_mem>>
        %dma_start3A_103 = arith.constant 0 : i32
        %dma_start3A_104 = tpu.memref_slice %arg7[%add3A_82, %dma_start3A_103] : memref<40x125xi32, #tpu.memory_space<vmem>> -> memref<1x125xi32, #tpu.memory_space<vmem>>
        %dma_start3A_105 = tpu.memref_squeeze %dma_start3A_104 : memref<1x125xi32, #tpu.memory_space<vmem>> -> memref<125xi32, #tpu.memory_space<vmem>>
        %dma_start3A_106 = arith.constant 0 : i32
        %dma_start3A_107 = arith.constant 0 : i32
        %dma_start3A_108 = tpu.memref_slice %arg10[%dma_start3A_106, %dma_start3A_107] : memref<10240x128xf32, #tpu.memory_space<vmem_shared>> -> memref<10240x128xf32, #tpu.memory_space<vmem_shared>>
        tpu.enqueue_indirect_dma source(%arg9 : memref<125x128xf32, #tpu.memory_space<vmem>>) target(%dma_start3A_108 : memref<10240x128xf32, #tpu.memory_space<vmem_shared>>) offsets(%dma_start3A_105 : memref<125xi32, #tpu.memory_space<vmem>>) semaphore(%run_scoped3A_102 : memref<!tpu.dma_semaphore, #tpu.memory_space<semaphore_mem>>) {add = true}
        %dma_wait3A_109 = arith.constant 0 : i32
        %dma_wait3A_110 = tpu.memref_slice %arg7[%add3A_82, %dma_wait3A_109] : memref<40x125xi32, #tpu.memory_space<vmem>> -> memref<1x125xi32, #tpu.memory_space<vmem>>
        %dma_wait3A_111 = tpu.memref_squeeze %dma_wait3A_110 : memref<1x125xi32, #tpu.memory_space<vmem>> -> memref<125xi32, #tpu.memory_space<vmem>>
        %dma_wait3A_112 = arith.constant 0 : i32
        %dma_wait3A_113 = arith.constant 0 : i32
        %dma_wait3A_114 = tpu.memref_slice %arg10[%dma_wait3A_112, %dma_wait3A_113] : memref<10240x128xf32, #tpu.memory_space<vmem_shared>> -> memref<10240x128xf32, #tpu.memory_space<vmem_shared>>
        tpu.wait_indirect_dma semaphore(%run_scoped3A_102 : memref<!tpu.dma_semaphore, #tpu.memory_space<semaphore_mem>>) src(%arg9 : memref<125x128xf32, #tpu.memory_space<vmem>>) dst(%dma_wait3A_114 : memref<10240x128xf32, #tpu.memory_space<vmem_shared>>)
        tpu.yield
      }) : () -> ()
    }
    %while3A_52 = arith.constant 1 : i32
    scf.for %while3A_78 = %while3A_50 to %while3A_46 step %while3A_52  : i32 {
      %mul3A_79 = arith.constant 2 : i32
      %mul3A_80 = arith.muli %while3A_78, %mul3A_79 : i32
      %add3A_81 = arith.constant 1 : i32
      %add3A_82 = arith.addi %mul3A_80, %add3A_81 : i32
      %dma_start3A_83 = arith.constant 0 : i32
      %dma_start3A_84 = tpu.memref_slice %arg6[%add3A_82, %dma_start3A_83] : memref<40x125xi32, #tpu.memory_space<vmem>> -> memref<1x125xi32, #tpu.memory_space<vmem>>
      %dma_start3A_85 = tpu.memref_squeeze %dma_start3A_84 : memref<1x125xi32, #tpu.memory_space<vmem>> -> memref<125xi32, #tpu.memory_space<vmem>>
      %dma_start3A_86 = arith.constant 0 : i32
      %dma_start3A_87 = arith.constant 0 : i32
      %dma_start3A_88 = tpu.memref_slice %arg4[%dma_start3A_86, %dma_start3A_87] : memref<10240x128xf32, #tpu.memory_space<hbm>> -> memref<10240x128xf32, #tpu.memory_space<hbm>>
      tpu.enqueue_indirect_dma source(%dma_start3A_88 : memref<10240x128xf32, #tpu.memory_space<hbm>>) target(%arg9 : memref<125x128xf32, #tpu.memory_space<vmem>>) offsets(%dma_start3A_85 : memref<125xi32, #tpu.memory_space<vmem>>) semaphore(%arg12 : memref<!tpu.dma_semaphore, #tpu.memory_space<semaphore_mem>>)
      %dma_wait3A = arith.constant 0 : i32
      %dma_wait3A_89 = tpu.memref_slice %arg6[%mul3A_80, %dma_wait3A] : memref<40x125xi32, #tpu.memory_space<vmem>> -> memref<1x125xi32, #tpu.memory_space<vmem>>
      %dma_wait3A_90 = tpu.memref_squeeze %dma_wait3A_89 : memref<1x125xi32, #tpu.memory_space<vmem>> -> memref<125xi32, #tpu.memory_space<vmem>>
      %dma_wait3A_91 = arith.constant 0 : i32
      %dma_wait3A_92 = arith.constant 0 : i32
      %dma_wait3A_93 = tpu.memref_slice %arg4[%dma_wait3A_91, %dma_wait3A_92] : memref<10240x128xf32, #tpu.memory_space<hbm>> -> memref<10240x128xf32, #tpu.memory_space<hbm>>
      tpu.wait_indirect_dma semaphore(%arg11 : memref<!tpu.dma_semaphore, #tpu.memory_space<semaphore_mem>>) src(%dma_wait3A_93 : memref<10240x128xf32, #tpu.memory_space<hbm>>) dst(%arg8 : memref<125x128xf32, #tpu.memory_space<vmem>>)
      "tpu.region"() ({
        %run_scoped3A_102 = tpu.sem_alloc : memref<!tpu.dma_semaphore, #tpu.memory_space<semaphore_mem>>
        %dma_start3A_103 = arith.constant 0 : i32
        %dma_start3A_104 = tpu.memref_slice %arg7[%mul3A_80, %dma_start3A_103] : memref<40x125xi32, #tpu.memory_space<vmem>> -> memref<1x125xi32, #tpu.memory_space<vmem>>
        %dma_start3A_105 = tpu.memref_squeeze %dma_start3A_104 : memref<1x125xi32, #tpu.memory_space<vmem>> -> memref<125xi32, #tpu.memory_space<vmem>>
        %dma_start3A_106 = arith.constant 0 : i32
        %dma_start3A_107 = arith.constant 0 : i32
        %dma_start3A_108 = tpu.memref_slice %arg10[%dma_start3A_106, %dma_start3A_107] : memref<10240x128xf32, #tpu.memory_space<vmem_shared>> -> memref<10240x128xf32, #tpu.memory_space<vmem_shared>>
        tpu.enqueue_indirect_dma source(%arg8 : memref<125x128xf32, #tpu.memory_space<vmem>>) target(%dma_start3A_108 : memref<10240x128xf32, #tpu.memory_space<vmem_shared>>) offsets(%dma_start3A_105 : memref<125xi32, #tpu.memory_space<vmem>>) semaphore(%run_scoped3A_102 : memref<!tpu.dma_semaphore, #tpu.memory_space<semaphore_mem>>) {add = true}
        %dma_wait3A_109 = arith.constant 0 : i32
        %dma_wait3A_110 = tpu.memref_slice %arg7[%mul3A_80, %dma_wait3A_109] : memref<40x125xi32, #tpu.memory_space<vmem>> -> memref<1x125xi32, #tpu.memory_space<vmem>>
        %dma_wait3A_111 = tpu.memref_squeeze %dma_wait3A_110 : memref<1x125xi32, #tpu.memory_space<vmem>> -> memref<125xi32, #tpu.memory_space<vmem>>
        %dma_wait3A_112 = arith.constant 0 : i32
        %dma_wait3A_113 = arith.constant 0 : i32
        %dma_wait3A_114 = tpu.memref_slice %arg10[%dma_wait3A_112, %dma_wait3A_113] : memref<10240x128xf32, #tpu.memory_space<vmem_shared>> -> memref<10240x128xf32, #tpu.memory_space<vmem_shared>>
        tpu.wait_indirect_dma semaphore(%run_scoped3A_102 : memref<!tpu.dma_semaphore, #tpu.memory_space<semaphore_mem>>) src(%arg8 : memref<125x128xf32, #tpu.memory_space<vmem>>) dst(%dma_wait3A_114 : memref<10240x128xf32, #tpu.memory_space<vmem_shared>>)
        tpu.yield
      }) : () -> ()
      %lt3A = arith.constant 19 : i32
      %lt3A_94 = arith.cmpi slt, %while3A_78, %lt3A : i32
      %convert_element_type3A = arith.extui %lt3A_94 : i1 to i32
      %cond3A = arith.constant 0 : i32
      %cond3A_95 = arith.cmpi ne, %convert_element_type3A, %cond3A : i32
      scf.if %cond3A_95 {
        %add3A_102 = arith.constant 2 : i32
        %add3A_103 = arith.addi %mul3A_80, %add3A_102 : i32
        %dma_start3A_104 = arith.constant 0 : i32
        %dma_start3A_105 = tpu.memref_slice %arg6[%add3A_103, %dma_start3A_104] : memref<40x125xi32, #tpu.memory_space<vmem>> -> memref<1x125xi32, #tpu.memory_space<vmem>>
        %dma_start3A_106 = tpu.memref_squeeze %dma_start3A_105 : memref<1x125xi32, #tpu.memory_space<vmem>> -> memref<125xi32, #tpu.memory_space<vmem>>
        %dma_start3A_107 = arith.constant 0 : i32
        %dma_start3A_108 = arith.constant 0 : i32
        %dma_start3A_109 = tpu.memref_slice %arg4[%dma_start3A_107, %dma_start3A_108] : memref<10240x128xf32, #tpu.memory_space<hbm>> -> memref<10240x128xf32, #tpu.memory_space<hbm>>
        tpu.enqueue_indirect_dma source(%dma_start3A_109 : memref<10240x128xf32, #tpu.memory_space<hbm>>) target(%arg8 : memref<125x128xf32, #tpu.memory_space<vmem>>) offsets(%dma_start3A_106 : memref<125xi32, #tpu.memory_space<vmem>>) semaphore(%arg11 : memref<!tpu.dma_semaphore, #tpu.memory_space<semaphore_mem>>)
      } else {
      }
      %dma_wait3A_96 = arith.constant 0 : i32
      %dma_wait3A_97 = tpu.memref_slice %arg6[%add3A_82, %dma_wait3A_96] : memref<40x125xi32, #tpu.memory_space<vmem>> -> memref<1x125xi32, #tpu.memory_space<vmem>>
      %dma_wait3A_98 = tpu.memref_squeeze %dma_wait3A_97 : memref<1x125xi32, #tpu.memory_space<vmem>> -> memref<125xi32, #tpu.memory_space<vmem>>
      %dma_wait3A_99 = arith.constant 0 : i32
      %dma_wait3A_100 = arith.constant 0 : i32
      %dma_wait3A_101 = tpu.memref_slice %arg4[%dma_wait3A_99, %dma_wait3A_100] : memref<10240x128xf32, #tpu.memory_space<hbm>> -> memref<10240x128xf32, #tpu.memory_space<hbm>>
      tpu.wait_indirect_dma semaphore(%arg12 : memref<!tpu.dma_semaphore, #tpu.memory_space<semaphore_mem>>) src(%dma_wait3A_101 : memref<10240x128xf32, #tpu.memory_space<hbm>>) dst(%arg9 : memref<125x128xf32, #tpu.memory_space<vmem>>)
      "tpu.region"() ({
        %run_scoped3A_102 = tpu.sem_alloc : memref<!tpu.dma_semaphore, #tpu.memory_space<semaphore_mem>>
        %dma_start3A_103 = arith.constant 0 : i32
        %dma_start3A_104 = tpu.memref_slice %arg7[%add3A_82, %dma_start3A_103] : memref<40x125xi32, #tpu.memory_space<vmem>> -> memref<1x125xi32, #tpu.memory_space<vmem>>
        %dma_start3A_105 = tpu.memref_squeeze %dma_start3A_104 : memref<1x125xi32, #tpu.memory_space<vmem>> -> memref<125xi32, #tpu.memory_space<vmem>>
        %dma_start3A_106 = arith.constant 0 : i32
        %dma_start3A_107 = arith.constant 0 : i32
        %dma_start3A_108 = tpu.memref_slice %arg10[%dma_start3A_106, %dma_start3A_107] : memref<10240x128xf32, #tpu.memory_space<vmem_shared>> -> memref<10240x128xf32, #tpu.memory_space<vmem_shared>>
        tpu.enqueue_indirect_dma source(%arg9 : memref<125x128xf32, #tpu.memory_space<vmem>>) target(%dma_start3A_108 : memref<10240x128xf32, #tpu.memory_space<vmem_shared>>) offsets(%dma_start3A_105 : memref<125xi32, #tpu.memory_space<vmem>>) semaphore(%run_scoped3A_102 : memref<!tpu.dma_semaphore, #tpu.memory_space<semaphore_mem>>) {add = true}
        %dma_wait3A_109 = arith.constant 0 : i32
        %dma_wait3A_110 = tpu.memref_slice %arg7[%add3A_82, %dma_wait3A_109] : memref<40x125xi32, #tpu.memory_space<vmem>> -> memref<1x125xi32, #tpu.memory_space<vmem>>
        %dma_wait3A_111 = tpu.memref_squeeze %dma_wait3A_110 : memref<1x125xi32, #tpu.memory_space<vmem>> -> memref<125xi32, #tpu.memory_space<vmem>>
        %dma_wait3A_112 = arith.constant 0 : i32
        %dma_wait3A_113 = arith.constant 0 : i32
        %dma_wait3A_114 = tpu.memref_slice %arg10[%dma_wait3A_112, %dma_wait3A_113] : memref<10240x128xf32, #tpu.memory_space<vmem_shared>> -> memref<10240x128xf32, #tpu.memory_space<vmem_shared>>
        tpu.wait_indirect_dma semaphore(%run_scoped3A_102 : memref<!tpu.dma_semaphore, #tpu.memory_space<semaphore_mem>>) src(%arg9 : memref<125x128xf32, #tpu.memory_space<vmem>>) dst(%dma_wait3A_114 : memref<10240x128xf32, #tpu.memory_space<vmem_shared>>)
        tpu.yield
      }) : () -> ()
    }
    %run_scoped3A_53 = arith.constant 40 : i32
    "tpu.region"() ({
      %run_scoped3A_78 = tpu.sem_alloc : memref<!tpu.dma_semaphore, #tpu.memory_space<semaphore_mem>>
      %dma_start3A_79 = arith.constant 0 : i32
      %dma_start3A_80 = tpu.memref_slice %arg2[%add3A, %run_scoped3A_53, %dma_start3A_79] : memref<32x80x125xi32, #tpu.memory_space<hbm>> -> memref<1x40x125xi32, #tpu.memory_space<hbm>>
      %dma_start3A_81 = tpu.memref_squeeze %dma_start3A_80 : memref<1x40x125xi32, #tpu.memory_space<hbm>> -> memref<40x125xi32, #tpu.memory_space<hbm>>
      %dma_start3A_82 = arith.constant 0 : i32
      %dma_start3A_83 = tpu.memref_slice %arg2[%add3A, %run_scoped3A_53, %dma_start3A_82] : memref<32x80x125xi32, #tpu.memory_space<hbm>> -> memref<1x40x125xi32, #tpu.memory_space<hbm>>
      %dma_start3A_84 = tpu.memref_squeeze %dma_start3A_83 : memref<1x40x125xi32, #tpu.memory_space<hbm>> -> memref<40x125xi32, #tpu.memory_space<hbm>>
      tpu.enqueue_dma source(%dma_start3A_84 : memref<40x125xi32, #tpu.memory_space<hbm>>) target(%arg6 : memref<40x125xi32, #tpu.memory_space<vmem>>) target_semaphore(%run_scoped3A_78 : memref<!tpu.dma_semaphore, #tpu.memory_space<semaphore_mem>>)
      %dma_wait3A = arith.constant 0 : i32
      %dma_wait3A_85 = tpu.memref_slice %arg2[%add3A, %run_scoped3A_53, %dma_wait3A] : memref<32x80x125xi32, #tpu.memory_space<hbm>> -> memref<1x40x125xi32, #tpu.memory_space<hbm>>
      %dma_wait3A_86 = tpu.memref_squeeze %dma_wait3A_85 : memref<1x40x125xi32, #tpu.memory_space<hbm>> -> memref<40x125xi32, #tpu.memory_space<hbm>>
      %dma_wait3A_87 = arith.constant 0 : i32
      %dma_wait3A_88 = tpu.memref_slice %arg2[%add3A, %run_scoped3A_53, %dma_wait3A_87] : memref<32x80x125xi32, #tpu.memory_space<hbm>> -> memref<1x40x125xi32, #tpu.memory_space<hbm>>
      %dma_wait3A_89 = tpu.memref_squeeze %dma_wait3A_88 : memref<1x40x125xi32, #tpu.memory_space<hbm>> -> memref<40x125xi32, #tpu.memory_space<hbm>>
      tpu.wait_dma2 semaphore(%run_scoped3A_78 : memref<!tpu.dma_semaphore, #tpu.memory_space<semaphore_mem>>) src(%dma_wait3A_89 : memref<40x125xi32, #tpu.memory_space<hbm>>) dst(%arg6 : memref<40x125xi32, #tpu.memory_space<vmem>>)
      tpu.yield
    }) : () -> ()
    %run_scoped3A_54 = arith.constant 40 : i32
    "tpu.region"() ({
      %run_scoped3A_78 = tpu.sem_alloc : memref<!tpu.dma_semaphore, #tpu.memory_space<semaphore_mem>>
      %dma_start3A_79 = arith.constant 0 : i32
      %dma_start3A_80 = tpu.memref_slice %arg3[%add3A, %run_scoped3A_54, %dma_start3A_79] : memref<32x80x125xi32, #tpu.memory_space<hbm>> -> memref<1x40x125xi32, #tpu.memory_space<hbm>>
      %dma_start3A_81 = tpu.memref_squeeze %dma_start3A_80 : memref<1x40x125xi32, #tpu.memory_space<hbm>> -> memref<40x125xi32, #tpu.memory_space<hbm>>
      %dma_start3A_82 = arith.constant 0 : i32
      %dma_start3A_83 = tpu.memref_slice %arg3[%add3A, %run_scoped3A_54, %dma_start3A_82] : memref<32x80x125xi32, #tpu.memory_space<hbm>> -> memref<1x40x125xi32, #tpu.memory_space<hbm>>
      %dma_start3A_84 = tpu.memref_squeeze %dma_start3A_83 : memref<1x40x125xi32, #tpu.memory_space<hbm>> -> memref<40x125xi32, #tpu.memory_space<hbm>>
      tpu.enqueue_dma source(%dma_start3A_84 : memref<40x125xi32, #tpu.memory_space<hbm>>) target(%arg7 : memref<40x125xi32, #tpu.memory_space<vmem>>) target_semaphore(%run_scoped3A_78 : memref<!tpu.dma_semaphore, #tpu.memory_space<semaphore_mem>>)
      %dma_wait3A = arith.constant 0 : i32
      %dma_wait3A_85 = tpu.memref_slice %arg3[%add3A, %run_scoped3A_54, %dma_wait3A] : memref<32x80x125xi32, #tpu.memory_space<hbm>> -> memref<1x40x125xi32, #tpu.memory_space<hbm>>
      %dma_wait3A_86 = tpu.memref_squeeze %dma_wait3A_85 : memref<1x40x125xi32, #tpu.memory_space<hbm>> -> memref<40x125xi32, #tpu.memory_space<hbm>>
      %dma_wait3A_87 = arith.constant 0 : i32
      %dma_wait3A_88 = tpu.memref_slice %arg3[%add3A, %run_scoped3A_54, %dma_wait3A_87] : memref<32x80x125xi32, #tpu.memory_space<hbm>> -> memref<1x40x125xi32, #tpu.memory_space<hbm>>
      %dma_wait3A_89 = tpu.memref_squeeze %dma_wait3A_88 : memref<1x40x125xi32, #tpu.memory_space<hbm>> -> memref<40x125xi32, #tpu.memory_space<hbm>>
      tpu.wait_dma2 semaphore(%run_scoped3A_78 : memref<!tpu.dma_semaphore, #tpu.memory_space<semaphore_mem>>) src(%dma_wait3A_89 : memref<40x125xi32, #tpu.memory_space<hbm>>) dst(%arg7 : memref<40x125xi32, #tpu.memory_space<vmem>>)
      tpu.yield
    }) : () -> ()
    %dma_start3A_55 = arith.constant 0 : i32
    %dma_start3A_56 = arith.constant 0 : i32
    %dma_start3A_57 = tpu.memref_slice %arg6[%dma_start3A_55, %dma_start3A_56] : memref<40x125xi32, #tpu.memory_space<vmem>> -> memref<1x125xi32, #tpu.memory_space<vmem>>
    %dma_start3A_58 = tpu.memref_squeeze %dma_start3A_57 : memref<1x125xi32, #tpu.memory_space<vmem>> -> memref<125xi32, #tpu.memory_space<vmem>>
    %dma_start3A_59 = arith.constant 0 : i32
    %dma_start3A_60 = arith.constant 0 : i32
    %dma_start3A_61 = tpu.memref_slice %arg4[%dma_start3A_59, %dma_start3A_60] : memref<10240x128xf32, #tpu.memory_space<hbm>> -> memref<10240x128xf32, #tpu.memory_space<hbm>>
    tpu.enqueue_indirect_dma source(%dma_start3A_61 : memref<10240x128xf32, #tpu.memory_space<hbm>>) target(%arg8 : memref<125x128xf32, #tpu.memory_space<vmem>>) offsets(%dma_start3A_58 : memref<125xi32, #tpu.memory_space<vmem>>) semaphore(%arg11 : memref<!tpu.dma_semaphore, #tpu.memory_space<semaphore_mem>>)
    %while3A_62 = arith.constant 0 : i32
    %while3A_63 = arith.constant 0 : i32
    %while3A_64 = arith.constant 20 : i32
    %while3A_65 = arith.subi %while3A_64, %while3A_63 : i32
    %while3A_66 = arith.addi %while3A_63, %while3A_65 : i32
    %while3A_67 = arith.constant 1 : i32
    %while3A_68 = arith.divsi %while3A_65, %while3A_67 : i32
    %while3A_69 = arith.muli %while3A_68, %while3A_67 : i32
    %while3A_70 = arith.addi %while3A_63, %while3A_69 : i32
    %while3A_71 = arith.constant 1 : i32
    scf.for %while3A_78 = %while3A_63 to %while3A_70 step %while3A_71  : i32 {
      %mul3A_79 = arith.constant 2 : i32
      %mul3A_80 = arith.muli %while3A_78, %mul3A_79 : i32
      %add3A_81 = arith.constant 1 : i32
      %add3A_82 = arith.addi %mul3A_80, %add3A_81 : i32
      %dma_start3A_83 = arith.constant 0 : i32
      %dma_start3A_84 = tpu.memref_slice %arg6[%add3A_82, %dma_start3A_83] : memref<40x125xi32, #tpu.memory_space<vmem>> -> memref<1x125xi32, #tpu.memory_space<vmem>>
      %dma_start3A_85 = tpu.memref_squeeze %dma_start3A_84 : memref<1x125xi32, #tpu.memory_space<vmem>> -> memref<125xi32, #tpu.memory_space<vmem>>
      %dma_start3A_86 = arith.constant 0 : i32
      %dma_start3A_87 = arith.constant 0 : i32
      %dma_start3A_88 = tpu.memref_slice %arg4[%dma_start3A_86, %dma_start3A_87] : memref<10240x128xf32, #tpu.memory_space<hbm>> -> memref<10240x128xf32, #tpu.memory_space<hbm>>
      tpu.enqueue_indirect_dma source(%dma_start3A_88 : memref<10240x128xf32, #tpu.memory_space<hbm>>) target(%arg9 : memref<125x128xf32, #tpu.memory_space<vmem>>) offsets(%dma_start3A_85 : memref<125xi32, #tpu.memory_space<vmem>>) semaphore(%arg12 : memref<!tpu.dma_semaphore, #tpu.memory_space<semaphore_mem>>)
      %dma_wait3A = arith.constant 0 : i32
      %dma_wait3A_89 = tpu.memref_slice %arg6[%mul3A_80, %dma_wait3A] : memref<40x125xi32, #tpu.memory_space<vmem>> -> memref<1x125xi32, #tpu.memory_space<vmem>>
      %dma_wait3A_90 = tpu.memref_squeeze %dma_wait3A_89 : memref<1x125xi32, #tpu.memory_space<vmem>> -> memref<125xi32, #tpu.memory_space<vmem>>
      %dma_wait3A_91 = arith.constant 0 : i32
      %dma_wait3A_92 = arith.constant 0 : i32
      %dma_wait3A_93 = tpu.memref_slice %arg4[%dma_wait3A_91, %dma_wait3A_92] : memref<10240x128xf32, #tpu.memory_space<hbm>> -> memref<10240x128xf32, #tpu.memory_space<hbm>>
      tpu.wait_indirect_dma semaphore(%arg11 : memref<!tpu.dma_semaphore, #tpu.memory_space<semaphore_mem>>) src(%dma_wait3A_93 : memref<10240x128xf32, #tpu.memory_space<hbm>>) dst(%arg8 : memref<125x128xf32, #tpu.memory_space<vmem>>)
      "tpu.region"() ({
        %run_scoped3A_102 = tpu.sem_alloc : memref<!tpu.dma_semaphore, #tpu.memory_space<semaphore_mem>>
        %dma_start3A_103 = arith.constant 0 : i32
        %dma_start3A_104 = tpu.memref_slice %arg7[%mul3A_80, %dma_start3A_103] : memref<40x125xi32, #tpu.memory_space<vmem>> -> memref<1x125xi32, #tpu.memory_space<vmem>>
        %dma_start3A_105 = tpu.memref_squeeze %dma_start3A_104 : memref<1x125xi32, #tpu.memory_space<vmem>> -> memref<125xi32, #tpu.memory_space<vmem>>
        %dma_start3A_106 = arith.constant 0 : i32
        %dma_start3A_107 = arith.constant 0 : i32
        %dma_start3A_108 = tpu.memref_slice %arg10[%dma_start3A_106, %dma_start3A_107] : memref<10240x128xf32, #tpu.memory_space<vmem_shared>> -> memref<10240x128xf32, #tpu.memory_space<vmem_shared>>
        tpu.enqueue_indirect_dma source(%arg8 : memref<125x128xf32, #tpu.memory_space<vmem>>) target(%dma_start3A_108 : memref<10240x128xf32, #tpu.memory_space<vmem_shared>>) offsets(%dma_start3A_105 : memref<125xi32, #tpu.memory_space<vmem>>) semaphore(%run_scoped3A_102 : memref<!tpu.dma_semaphore, #tpu.memory_space<semaphore_mem>>) {add = true}
        %dma_wait3A_109 = arith.constant 0 : i32
        %dma_wait3A_110 = tpu.memref_slice %arg7[%mul3A_80, %dma_wait3A_109] : memref<40x125xi32, #tpu.memory_space<vmem>> -> memref<1x125xi32, #tpu.memory_space<vmem>>
        %dma_wait3A_111 = tpu.memref_squeeze %dma_wait3A_110 : memref<1x125xi32, #tpu.memory_space<vmem>> -> memref<125xi32, #tpu.memory_space<vmem>>
        %dma_wait3A_112 = arith.constant 0 : i32
        %dma_wait3A_113 = arith.constant 0 : i32
        %dma_wait3A_114 = tpu.memref_slice %arg10[%dma_wait3A_112, %dma_wait3A_113] : memref<10240x128xf32, #tpu.memory_space<vmem_shared>> -> memref<10240x128xf32, #tpu.memory_space<vmem_shared>>
        tpu.wait_indirect_dma semaphore(%run_scoped3A_102 : memref<!tpu.dma_semaphore, #tpu.memory_space<semaphore_mem>>) src(%arg8 : memref<125x128xf32, #tpu.memory_space<vmem>>) dst(%dma_wait3A_114 : memref<10240x128xf32, #tpu.memory_space<vmem_shared>>)
        tpu.yield
      }) : () -> ()
      %lt3A = arith.constant 19 : i32
      %lt3A_94 = arith.cmpi slt, %while3A_78, %lt3A : i32
      %convert_element_type3A = arith.extui %lt3A_94 : i1 to i32
      %cond3A = arith.constant 0 : i32
      %cond3A_95 = arith.cmpi ne, %convert_element_type3A, %cond3A : i32
      scf.if %cond3A_95 {
        %add3A_102 = arith.constant 2 : i32
        %add3A_103 = arith.addi %mul3A_80, %add3A_102 : i32
        %dma_start3A_104 = arith.constant 0 : i32
        %dma_start3A_105 = tpu.memref_slice %arg6[%add3A_103, %dma_start3A_104] : memref<40x125xi32, #tpu.memory_space<vmem>> -> memref<1x125xi32, #tpu.memory_space<vmem>>
        %dma_start3A_106 = tpu.memref_squeeze %dma_start3A_105 : memref<1x125xi32, #tpu.memory_space<vmem>> -> memref<125xi32, #tpu.memory_space<vmem>>
        %dma_start3A_107 = arith.constant 0 : i32
        %dma_start3A_108 = arith.constant 0 : i32
        %dma_start3A_109 = tpu.memref_slice %arg4[%dma_start3A_107, %dma_start3A_108] : memref<10240x128xf32, #tpu.memory_space<hbm>> -> memref<10240x128xf32, #tpu.memory_space<hbm>>
        tpu.enqueue_indirect_dma source(%dma_start3A_109 : memref<10240x128xf32, #tpu.memory_space<hbm>>) target(%arg8 : memref<125x128xf32, #tpu.memory_space<vmem>>) offsets(%dma_start3A_106 : memref<125xi32, #tpu.memory_space<vmem>>) semaphore(%arg11 : memref<!tpu.dma_semaphore, #tpu.memory_space<semaphore_mem>>)
      } else {
      }
      %dma_wait3A_96 = arith.constant 0 : i32
      %dma_wait3A_97 = tpu.memref_slice %arg6[%add3A_82, %dma_wait3A_96] : memref<40x125xi32, #tpu.memory_space<vmem>> -> memref<1x125xi32, #tpu.memory_space<vmem>>
      %dma_wait3A_98 = tpu.memref_squeeze %dma_wait3A_97 : memref<1x125xi32, #tpu.memory_space<vmem>> -> memref<125xi32, #tpu.memory_space<vmem>>
      %dma_wait3A_99 = arith.constant 0 : i32
      %dma_wait3A_100 = arith.constant 0 : i32
      %dma_wait3A_101 = tpu.memref_slice %arg4[%dma_wait3A_99, %dma_wait3A_100] : memref<10240x128xf32, #tpu.memory_space<hbm>> -> memref<10240x128xf32, #tpu.memory_space<hbm>>
      tpu.wait_indirect_dma semaphore(%arg12 : memref<!tpu.dma_semaphore, #tpu.memory_space<semaphore_mem>>) src(%dma_wait3A_101 : memref<10240x128xf32, #tpu.memory_space<hbm>>) dst(%arg9 : memref<125x128xf32, #tpu.memory_space<vmem>>)
      "tpu.region"() ({
        %run_scoped3A_102 = tpu.sem_alloc : memref<!tpu.dma_semaphore, #tpu.memory_space<semaphore_mem>>
        %dma_start3A_103 = arith.constant 0 : i32
        %dma_start3A_104 = tpu.memref_slice %arg7[%add3A_82, %dma_start3A_103] : memref<40x125xi32, #tpu.memory_space<vmem>> -> memref<1x125xi32, #tpu.memory_space<vmem>>
        %dma_start3A_105 = tpu.memref_squeeze %dma_start3A_104 : memref<1x125xi32, #tpu.memory_space<vmem>> -> memref<125xi32, #tpu.memory_space<vmem>>
        %dma_start3A_106 = arith.constant 0 : i32
        %dma_start3A_107 = arith.constant 0 : i32
        %dma_start3A_108 = tpu.memref_slice %arg10[%dma_start3A_106, %dma_start3A_107] : memref<10240x128xf32, #tpu.memory_space<vmem_shared>> -> memref<10240x128xf32, #tpu.memory_space<vmem_shared>>
        tpu.enqueue_indirect_dma source(%arg9 : memref<125x128xf32, #tpu.memory_space<vmem>>) target(%dma_start3A_108 : memref<10240x128xf32, #tpu.memory_space<vmem_shared>>) offsets(%dma_start3A_105 : memref<125xi32, #tpu.memory_space<vmem>>) semaphore(%run_scoped3A_102 : memref<!tpu.dma_semaphore, #tpu.memory_space<semaphore_mem>>) {add = true}
        %dma_wait3A_109 = arith.constant 0 : i32
        %dma_wait3A_110 = tpu.memref_slice %arg7[%add3A_82, %dma_wait3A_109] : memref<40x125xi32, #tpu.memory_space<vmem>> -> memref<1x125xi32, #tpu.memory_space<vmem>>
        %dma_wait3A_111 = tpu.memref_squeeze %dma_wait3A_110 : memref<1x125xi32, #tpu.memory_space<vmem>> -> memref<125xi32, #tpu.memory_space<vmem>>
        %dma_wait3A_112 = arith.constant 0 : i32
        %dma_wait3A_113 = arith.constant 0 : i32
        %dma_wait3A_114 = tpu.memref_slice %arg10[%dma_wait3A_112, %dma_wait3A_113] : memref<10240x128xf32, #tpu.memory_space<vmem_shared>> -> memref<10240x128xf32, #tpu.memory_space<vmem_shared>>
        tpu.wait_indirect_dma semaphore(%run_scoped3A_102 : memref<!tpu.dma_semaphore, #tpu.memory_space<semaphore_mem>>) src(%arg9 : memref<125x128xf32, #tpu.memory_space<vmem>>) dst(%dma_wait3A_114 : memref<10240x128xf32, #tpu.memory_space<vmem_shared>>)
        tpu.yield
      }) : () -> ()
    }
    %while3A_72 = arith.constant 1 : i32
    scf.for %while3A_78 = %while3A_70 to %while3A_66 step %while3A_72  : i32 {
      %mul3A_79 = arith.constant 2 : i32
      %mul3A_80 = arith.muli %while3A_78, %mul3A_79 : i32
      %add3A_81 = arith.constant 1 : i32
      %add3A_82 = arith.addi %mul3A_80, %add3A_81 : i32
      %dma_start3A_83 = arith.constant 0 : i32
      %dma_start3A_84 = tpu.memref_slice %arg6[%add3A_82, %dma_start3A_83] : memref<40x125xi32, #tpu.memory_space<vmem>> -> memref<1x125xi32, #tpu.memory_space<vmem>>
      %dma_start3A_85 = tpu.memref_squeeze %dma_start3A_84 : memref<1x125xi32, #tpu.memory_space<vmem>> -> memref<125xi32, #tpu.memory_space<vmem>>
      %dma_start3A_86 = arith.constant 0 : i32
      %dma_start3A_87 = arith.constant 0 : i32
      %dma_start3A_88 = tpu.memref_slice %arg4[%dma_start3A_86, %dma_start3A_87] : memref<10240x128xf32, #tpu.memory_space<hbm>> -> memref<10240x128xf32, #tpu.memory_space<hbm>>
      tpu.enqueue_indirect_dma source(%dma_start3A_88 : memref<10240x128xf32, #tpu.memory_space<hbm>>) target(%arg9 : memref<125x128xf32, #tpu.memory_space<vmem>>) offsets(%dma_start3A_85 : memref<125xi32, #tpu.memory_space<vmem>>) semaphore(%arg12 : memref<!tpu.dma_semaphore, #tpu.memory_space<semaphore_mem>>)
      %dma_wait3A = arith.constant 0 : i32
      %dma_wait3A_89 = tpu.memref_slice %arg6[%mul3A_80, %dma_wait3A] : memref<40x125xi32, #tpu.memory_space<vmem>> -> memref<1x125xi32, #tpu.memory_space<vmem>>
      %dma_wait3A_90 = tpu.memref_squeeze %dma_wait3A_89 : memref<1x125xi32, #tpu.memory_space<vmem>> -> memref<125xi32, #tpu.memory_space<vmem>>
      %dma_wait3A_91 = arith.constant 0 : i32
      %dma_wait3A_92 = arith.constant 0 : i32
      %dma_wait3A_93 = tpu.memref_slice %arg4[%dma_wait3A_91, %dma_wait3A_92] : memref<10240x128xf32, #tpu.memory_space<hbm>> -> memref<10240x128xf32, #tpu.memory_space<hbm>>
      tpu.wait_indirect_dma semaphore(%arg11 : memref<!tpu.dma_semaphore, #tpu.memory_space<semaphore_mem>>) src(%dma_wait3A_93 : memref<10240x128xf32, #tpu.memory_space<hbm>>) dst(%arg8 : memref<125x128xf32, #tpu.memory_space<vmem>>)
      "tpu.region"() ({
        %run_scoped3A_102 = tpu.sem_alloc : memref<!tpu.dma_semaphore, #tpu.memory_space<semaphore_mem>>
        %dma_start3A_103 = arith.constant 0 : i32
        %dma_start3A_104 = tpu.memref_slice %arg7[%mul3A_80, %dma_start3A_103] : memref<40x125xi32, #tpu.memory_space<vmem>> -> memref<1x125xi32, #tpu.memory_space<vmem>>
        %dma_start3A_105 = tpu.memref_squeeze %dma_start3A_104 : memref<1x125xi32, #tpu.memory_space<vmem>> -> memref<125xi32, #tpu.memory_space<vmem>>
        %dma_start3A_106 = arith.constant 0 : i32
        %dma_start3A_107 = arith.constant 0 : i32
        %dma_start3A_108 = tpu.memref_slice %arg10[%dma_start3A_106, %dma_start3A_107] : memref<10240x128xf32, #tpu.memory_space<vmem_shared>> -> memref<10240x128xf32, #tpu.memory_space<vmem_shared>>
        tpu.enqueue_indirect_dma source(%arg8 : memref<125x128xf32, #tpu.memory_space<vmem>>) target(%dma_start3A_108 : memref<10240x128xf32, #tpu.memory_space<vmem_shared>>) offsets(%dma_start3A_105 : memref<125xi32, #tpu.memory_space<vmem>>) semaphore(%run_scoped3A_102 : memref<!tpu.dma_semaphore, #tpu.memory_space<semaphore_mem>>) {add = true}
        %dma_wait3A_109 = arith.constant 0 : i32
        %dma_wait3A_110 = tpu.memref_slice %arg7[%mul3A_80, %dma_wait3A_109] : memref<40x125xi32, #tpu.memory_space<vmem>> -> memref<1x125xi32, #tpu.memory_space<vmem>>
        %dma_wait3A_111 = tpu.memref_squeeze %dma_wait3A_110 : memref<1x125xi32, #tpu.memory_space<vmem>> -> memref<125xi32, #tpu.memory_space<vmem>>
        %dma_wait3A_112 = arith.constant 0 : i32
        %dma_wait3A_113 = arith.constant 0 : i32
        %dma_wait3A_114 = tpu.memref_slice %arg10[%dma_wait3A_112, %dma_wait3A_113] : memref<10240x128xf32, #tpu.memory_space<vmem_shared>> -> memref<10240x128xf32, #tpu.memory_space<vmem_shared>>
        tpu.wait_indirect_dma semaphore(%run_scoped3A_102 : memref<!tpu.dma_semaphore, #tpu.memory_space<semaphore_mem>>) src(%arg8 : memref<125x128xf32, #tpu.memory_space<vmem>>) dst(%dma_wait3A_114 : memref<10240x128xf32, #tpu.memory_space<vmem_shared>>)
        tpu.yield
      }) : () -> ()
      %lt3A = arith.constant 19 : i32
      %lt3A_94 = arith.cmpi slt, %while3A_78, %lt3A : i32
      %convert_element_type3A = arith.extui %lt3A_94 : i1 to i32
      %cond3A = arith.constant 0 : i32
      %cond3A_95 = arith.cmpi ne, %convert_element_type3A, %cond3A : i32
      scf.if %cond3A_95 {
        %add3A_102 = arith.constant 2 : i32
        %add3A_103 = arith.addi %mul3A_80, %add3A_102 : i32
        %dma_start3A_104 = arith.constant 0 : i32
        %dma_start3A_105 = tpu.memref_slice %arg6[%add3A_103, %dma_start3A_104] : memref<40x125xi32, #tpu.memory_space<vmem>> -> memref<1x125xi32, #tpu.memory_space<vmem>>
        %dma_start3A_106 = tpu.memref_squeeze %dma_start3A_105 : memref<1x125xi32, #tpu.memory_space<vmem>> -> memref<125xi32, #tpu.memory_space<vmem>>
        %dma_start3A_107 = arith.constant 0 : i32
        %dma_start3A_108 = arith.constant 0 : i32
        %dma_start3A_109 = tpu.memref_slice %arg4[%dma_start3A_107, %dma_start3A_108] : memref<10240x128xf32, #tpu.memory_space<hbm>> -> memref<10240x128xf32, #tpu.memory_space<hbm>>
        tpu.enqueue_indirect_dma source(%dma_start3A_109 : memref<10240x128xf32, #tpu.memory_space<hbm>>) target(%arg8 : memref<125x128xf32, #tpu.memory_space<vmem>>) offsets(%dma_start3A_106 : memref<125xi32, #tpu.memory_space<vmem>>) semaphore(%arg11 : memref<!tpu.dma_semaphore, #tpu.memory_space<semaphore_mem>>)
      } else {
      }
      %dma_wait3A_96 = arith.constant 0 : i32
      %dma_wait3A_97 = tpu.memref_slice %arg6[%add3A_82, %dma_wait3A_96] : memref<40x125xi32, #tpu.memory_space<vmem>> -> memref<1x125xi32, #tpu.memory_space<vmem>>
      %dma_wait3A_98 = tpu.memref_squeeze %dma_wait3A_97 : memref<1x125xi32, #tpu.memory_space<vmem>> -> memref<125xi32, #tpu.memory_space<vmem>>
      %dma_wait3A_99 = arith.constant 0 : i32
      %dma_wait3A_100 = arith.constant 0 : i32
      %dma_wait3A_101 = tpu.memref_slice %arg4[%dma_wait3A_99, %dma_wait3A_100] : memref<10240x128xf32, #tpu.memory_space<hbm>> -> memref<10240x128xf32, #tpu.memory_space<hbm>>
      tpu.wait_indirect_dma semaphore(%arg12 : memref<!tpu.dma_semaphore, #tpu.memory_space<semaphore_mem>>) src(%dma_wait3A_101 : memref<10240x128xf32, #tpu.memory_space<hbm>>) dst(%arg9 : memref<125x128xf32, #tpu.memory_space<vmem>>)
      "tpu.region"() ({
        %run_scoped3A_102 = tpu.sem_alloc : memref<!tpu.dma_semaphore, #tpu.memory_space<semaphore_mem>>
        %dma_start3A_103 = arith.constant 0 : i32
        %dma_start3A_104 = tpu.memref_slice %arg7[%add3A_82, %dma_start3A_103] : memref<40x125xi32, #tpu.memory_space<vmem>> -> memref<1x125xi32, #tpu.memory_space<vmem>>
        %dma_start3A_105 = tpu.memref_squeeze %dma_start3A_104 : memref<1x125xi32, #tpu.memory_space<vmem>> -> memref<125xi32, #tpu.memory_space<vmem>>
        %dma_start3A_106 = arith.constant 0 : i32
        %dma_start3A_107 = arith.constant 0 : i32
        %dma_start3A_108 = tpu.memref_slice %arg10[%dma_start3A_106, %dma_start3A_107] : memref<10240x128xf32, #tpu.memory_space<vmem_shared>> -> memref<10240x128xf32, #tpu.memory_space<vmem_shared>>
        tpu.enqueue_indirect_dma source(%arg9 : memref<125x128xf32, #tpu.memory_space<vmem>>) target(%dma_start3A_108 : memref<10240x128xf32, #tpu.memory_space<vmem_shared>>) offsets(%dma_start3A_105 : memref<125xi32, #tpu.memory_space<vmem>>) semaphore(%run_scoped3A_102 : memref<!tpu.dma_semaphore, #tpu.memory_space<semaphore_mem>>) {add = true}
        %dma_wait3A_109 = arith.constant 0 : i32
        %dma_wait3A_110 = tpu.memref_slice %arg7[%add3A_82, %dma_wait3A_109] : memref<40x125xi32, #tpu.memory_space<vmem>> -> memref<1x125xi32, #tpu.memory_space<vmem>>
        %dma_wait3A_111 = tpu.memref_squeeze %dma_wait3A_110 : memref<1x125xi32, #tpu.memory_space<vmem>> -> memref<125xi32, #tpu.memory_space<vmem>>
        %dma_wait3A_112 = arith.constant 0 : i32
        %dma_wait3A_113 = arith.constant 0 : i32
        %dma_wait3A_114 = tpu.memref_slice %arg10[%dma_wait3A_112, %dma_wait3A_113] : memref<10240x128xf32, #tpu.memory_space<vmem_shared>> -> memref<10240x128xf32, #tpu.memory_space<vmem_shared>>
        tpu.wait_indirect_dma semaphore(%run_scoped3A_102 : memref<!tpu.dma_semaphore, #tpu.memory_space<semaphore_mem>>) src(%arg9 : memref<125x128xf32, #tpu.memory_space<vmem>>) dst(%dma_wait3A_114 : memref<10240x128xf32, #tpu.memory_space<vmem_shared>>)
        tpu.yield
      }) : () -> ()
    }
    %barrier3A_73 = arith.constant 0 : index
    tpu.barrier barrier_id(%barrier3A_73)
    %mul3A_74 = arith.constant 640 : i32
    %mul3A_75 = arith.muli %arg1, %mul3A_74 : i32
    %mul3A_76 = arith.constant 640 : i32
    %mul3A_77 = arith.muli %arg1, %mul3A_76 : i32
    "tpu.region"() ({
      %run_scoped3A_78 = tpu.sem_alloc : memref<!tpu.dma_semaphore, #tpu.memory_space<semaphore_mem>>
      %dma_start3A_79 = arith.constant 0 : i32
      %dma_start3A_80 = tpu.memref_slice %arg5[%arg0, %mul3A_77, %dma_start3A_79] : memref<2x10240x128xf32, #tpu.memory_space<hbm>> -> memref<1x640x128xf32, #tpu.memory_space<hbm>>
      %dma_start3A_81 = tpu.memref_squeeze %dma_start3A_80 : memref<1x640x128xf32, #tpu.memory_space<hbm>> -> memref<640x128xf32, #tpu.memory_space<hbm>>
      %dma_start3A_82 = arith.constant 0 : i32
      %dma_start3A_83 = tpu.memref_slice %arg10[%mul3A_75, %dma_start3A_82] : memref<10240x128xf32, #tpu.memory_space<vmem_shared>> -> memref<640x128xf32, #tpu.memory_space<vmem_shared>>
      tpu.enqueue_dma source(%dma_start3A_83 : memref<640x128xf32, #tpu.memory_space<vmem_shared>>) target(%dma_start3A_81 : memref<640x128xf32, #tpu.memory_space<hbm>>) target_semaphore(%run_scoped3A_78 : memref<!tpu.dma_semaphore, #tpu.memory_space<semaphore_mem>>)
      %dma_wait3A = arith.constant 0 : i32
      %dma_wait3A_84 = tpu.memref_slice %arg5[%arg0, %mul3A_77, %dma_wait3A] : memref<2x10240x128xf32, #tpu.memory_space<hbm>> -> memref<1x640x128xf32, #tpu.memory_space<hbm>>
      %dma_wait3A_85 = tpu.memref_squeeze %dma_wait3A_84 : memref<1x640x128xf32, #tpu.memory_space<hbm>> -> memref<640x128xf32, #tpu.memory_space<hbm>>
      %dma_wait3A_86 = arith.constant 0 : i32
      %dma_wait3A_87 = tpu.memref_slice %arg10[%mul3A_75, %dma_wait3A_86] : memref<10240x128xf32, #tpu.memory_space<vmem_shared>> -> memref<640x128xf32, #tpu.memory_space<vmem_shared>>
      tpu.wait_dma2 semaphore(%run_scoped3A_78 : memref<!tpu.dma_semaphore, #tpu.memory_space<semaphore_mem>>) src(%dma_wait3A_87 : memref<640x128xf32, #tpu.memory_space<vmem_shared>>) dst(%dma_wait3A_85 : memref<640x128xf32, #tpu.memory_space<hbm>>)
      tpu.yield
    }) : () -> ()
    return
  }
}

module attributes {stable_mosaic.version = 14 : i64} {
  func.func @_mm_scale_kernel(%arg0: i32, %arg1: memref<1024x128xf32, #tpu.memory_space<vmem>>, %arg2: memref<128x128xf32, #tpu.memory_space<vmem>>, %arg3: memref<32x1024xf32, #tpu.memory_space<vmem>>, %arg4: memref<1024x128xf32, #tpu.memory_space<vmem>>) attributes {dimension_semantics = [#tpu.dimension_semantics<arbitrary>], iteration_bounds = array<i64: 10>, scalar_prefetch = 0 : i64, scratch_operands = 0 : i64, tpu.core_type = #tpu.core_type<tc>, window_params = [{transform_indices = @transform_0, window_bounds = array<i64: 1024, 128>}, {pipeline_mode = #tpu.pipeline_mode<synchronous>, transform_indices = @transform_1, window_bounds = array<i64: 128, 128>}, {transform_indices = @transform_2, window_bounds = array<i64: 32, 1024>}, {transform_indices = @transform_3, window_bounds = array<i64: 1024, 128>}]} {
    %get3A = arith.constant 0 : index
    %get3A_0 = arith.constant 0 : index
    %get3A_1 = vector.load %arg3[%get3A, %get3A_0] : memref<32x1024xf32, #tpu.memory_space<vmem>>, vector<32x1024xf32>
    %reduce_sum3A = arith.constant dense<0.000000e+00> : vector<1024xf32>
    %reduce_sum3A_2 = vector.multi_reduction <add>, %get3A_1, %reduce_sum3A [0] : vector<32x1024xf32> to vector<1024xf32>
    %add3A = arith.constant 1.000000e+00 : f32
    %add3A_3 = vector.broadcast %add3A : f32 to vector<1024xf32>
    %add3A_4 = arith.addf %reduce_sum3A_2, %add3A_3 : vector<1024xf32>
    %rsqrt3A = math.rsqrt %add3A_4 : vector<1024xf32>
    %broadcast_in_dim3A = vector.shape_cast %rsqrt3A : vector<1024xf32> to vector<1024x1xf32>
    %get3A_5 = arith.constant 0 : index
    %get3A_6 = arith.constant 0 : index
    %get3A_7 = vector.load %arg1[%get3A_5, %get3A_6] : memref<1024x128xf32, #tpu.memory_space<vmem>>, vector<1024x128xf32>
    %get3A_8 = arith.constant 0 : index
    %get3A_9 = arith.constant 0 : index
    %get3A_10 = vector.load %arg2[%get3A_8, %get3A_9] : memref<128x128xf32, #tpu.memory_space<vmem>>, vector<128x128xf32>
    %dot_general3A = arith.constant dense<0.000000e+00> : vector<1024x128xf32>
    %dot_general3A_11 = tpu.matmul %get3A_7, %get3A_10, %dot_general3A {dimension_numbers = #tpu.dot_dimension_numbers<[1], [0], [0], [1], [0, 0, 1, 1], [], []>, precision = #tpu.contract_precision<fp32>, transpose_lhs_hint = false} : vector<1024x128xf32>, vector<128x128xf32>, vector<1024x128xf32> -> vector<1024x128xf32>
    %mul3A = vector.broadcast %broadcast_in_dim3A : vector<1024x1xf32> to vector<1024x128xf32>
    %mul3A_12 = arith.mulf %dot_general3A_11, %mul3A : vector<1024x128xf32>
    %swap3A = arith.constant 0 : index
    %swap3A_13 = arith.constant 0 : index
    %swap3A_14 = vector.load %arg4[%swap3A, %swap3A_13] : memref<1024x128xf32, #tpu.memory_space<vmem>>, vector<1024x128xf32>
    tpu.vector_store %arg4[%swap3A, %swap3A_13], %mul3A_12 {strides = array<i32>} : memref<1024x128xf32, #tpu.memory_space<vmem>>, vector<1024x128xf32>,
    return
  }
  func.func @transform_0(%arg0: i32) -> (i32, i32) {
    %c0_i32 = arith.constant 0 : i32
    %c0_i32_0 = arith.constant 0 : i32
    return %arg0, %c0_i32 : i32, i32
  }
  func.func @transform_1(%arg0: i32) -> (i32, i32) {
    %c0_i32 = arith.constant 0 : i32
    %c0_i32_0 = arith.constant 0 : i32
    %c0_i32_1 = arith.constant 0 : i32
    return %c0_i32, %c0_i32_0 : i32, i32
  }
  func.func @transform_2(%arg0: i32) -> (i32, i32) {
    %c0_i32 = arith.constant 0 : i32
    %c0_i32_0 = arith.constant 0 : i32
    return %c0_i32, %arg0 : i32, i32
  }
  func.func @transform_3(%arg0: i32) -> (i32, i32) {
    %c0_i32 = arith.constant 0 : i32
    %c0_i32_0 = arith.constant 0 : i32
    return %arg0, %c0_i32 : i32, i32
  }
}

module attributes {stable_mosaic.version = 14 : i64} {
  func.func @_combine_kernel(%arg0: i32, %arg1: memref<2x1024x128xf32, #tpu.memory_space<vmem>>, %arg2: memref<1024x128xf32, #tpu.memory_space<vmem>>, %arg3: memref<32x1024xf32, #tpu.memory_space<vmem>>, %arg4: memref<1x128xf32, #tpu.memory_space<vmem>>, %arg5: memref<128x128xf32, #tpu.memory_space<vmem>>, %arg6: memref<1024x128xf32, #tpu.memory_space<vmem>>) attributes {dimension_semantics = [#tpu.dimension_semantics<arbitrary>], iteration_bounds = array<i64: 10>, scalar_prefetch = 0 : i64, scratch_operands = 0 : i64, tpu.core_type = #tpu.core_type<tc>, window_params = [{transform_indices = @transform_0, window_bounds = array<i64: 2, 1024, 128>}, {transform_indices = @transform_1, window_bounds = array<i64: 1024, 128>}, {transform_indices = @transform_2, window_bounds = array<i64: 32, 1024>}, {pipeline_mode = #tpu.pipeline_mode<synchronous>, transform_indices = @transform_3, window_bounds = array<i64: 1, 128>}, {pipeline_mode = #tpu.pipeline_mode<synchronous>, transform_indices = @transform_4, window_bounds = array<i64: 128, 128>}, {transform_indices = @transform_5, window_bounds = array<i64: 1024, 128>}]} {
    %get3A = arith.constant 0 : index
    %get3A_0 = arith.constant 0 : index
    %get3A_1 = vector.load %arg3[%get3A, %get3A_0] : memref<32x1024xf32, #tpu.memory_space<vmem>>, vector<32x1024xf32>
    %reduce_sum3A = arith.constant dense<0.000000e+00> : vector<1024xf32>
    %reduce_sum3A_2 = vector.multi_reduction <add>, %get3A_1, %reduce_sum3A [0] : vector<32x1024xf32> to vector<1024xf32>
    %add3A = arith.constant 1.000000e+00 : f32
    %add3A_3 = vector.broadcast %add3A : f32 to vector<1024xf32>
    %add3A_4 = arith.addf %reduce_sum3A_2, %add3A_3 : vector<1024xf32>
    %rsqrt3A = math.rsqrt %add3A_4 : vector<1024xf32>
    %broadcast_in_dim3A = vector.shape_cast %rsqrt3A : vector<1024xf32> to vector<1024x1xf32>
    %get3A_5 = arith.constant 0 : index
    %get3A_6 = arith.constant 0 : index
    %get3A_7 = arith.constant 0 : index
    %get3A_8 = vector.load %arg1[%get3A_5, %get3A_6, %get3A_7] : memref<2x1024x128xf32, #tpu.memory_space<vmem>>, vector<1x1024x128xf32>
    %get3A_9 = vector.shape_cast %get3A_8 : vector<1x1024x128xf32> to vector<1024x128xf32>
    %get3A_10 = arith.constant 1 : index
    %get3A_11 = arith.constant 0 : index
    %get3A_12 = arith.constant 0 : index
    %get3A_13 = vector.load %arg1[%get3A_10, %get3A_11, %get3A_12] : memref<2x1024x128xf32, #tpu.memory_space<vmem>>, vector<1x1024x128xf32>
    %get3A_14 = vector.shape_cast %get3A_13 : vector<1x1024x128xf32> to vector<1024x128xf32>
    %add3A_15 = arith.addf %get3A_9, %get3A_14 : vector<1024x128xf32>
    %get3A_16 = arith.constant 0 : index
    %get3A_17 = arith.constant 0 : index
    %get3A_18 = vector.load %arg2[%get3A_16, %get3A_17] : memref<1024x128xf32, #tpu.memory_space<vmem>>, vector<1024x128xf32>
    %add3A_19 = arith.addf %add3A_15, %get3A_18 : vector<1024x128xf32>
    %mul3A = vector.broadcast %broadcast_in_dim3A : vector<1024x1xf32> to vector<1024x128xf32>
    %mul3A_20 = arith.mulf %add3A_19, %mul3A : vector<1024x128xf32>
    %get3A_21 = arith.constant 0 : index
    %get3A_22 = arith.constant 0 : index
    %get3A_23 = vector.load %arg4[%get3A_21, %get3A_22] : memref<1x128xf32, #tpu.memory_space<vmem>>, vector<1x128xf32>
    %add3A_24 = vector.broadcast %get3A_23 : vector<1x128xf32> to vector<1024x128xf32>
    %add3A_25 = arith.addf %mul3A_20, %add3A_24 : vector<1024x128xf32>
    %max3A = arith.constant 0.000000e+00 : f32
    %max3A_26 = vector.broadcast %max3A : f32 to vector<1024x128xf32>
    %max3A_27 = arith.maximumf %add3A_25, %max3A_26 : vector<1024x128xf32>
    %get3A_28 = arith.constant 0 : index
    %get3A_29 = arith.constant 0 : index
    %get3A_30 = vector.load %arg5[%get3A_28, %get3A_29] : memref<128x128xf32, #tpu.memory_space<vmem>>, vector<128x128xf32>
    %dot_general3A = arith.constant dense<0.000000e+00> : vector<1024x128xf32>
    %dot_general3A_31 = tpu.matmul %max3A_27, %get3A_30, %dot_general3A {dimension_numbers = #tpu.dot_dimension_numbers<[1], [0], [0], [1], [0, 0, 1, 1], [], []>, precision = #tpu.contract_precision<fp32>, transpose_lhs_hint = false} : vector<1024x128xf32>, vector<128x128xf32>, vector<1024x128xf32> -> vector<1024x128xf32>
    %mul3A_32 = vector.broadcast %broadcast_in_dim3A : vector<1024x1xf32> to vector<1024x128xf32>
    %mul3A_33 = arith.mulf %dot_general3A_31, %mul3A_32 : vector<1024x128xf32>
    %swap3A = arith.constant 0 : index
    %swap3A_34 = arith.constant 0 : index
    %swap3A_35 = vector.load %arg6[%swap3A, %swap3A_34] : memref<1024x128xf32, #tpu.memory_space<vmem>>, vector<1024x128xf32>
    tpu.vector_store %arg6[%swap3A, %swap3A_34], %mul3A_33 {strides = array<i32>} : memref<1024x128xf32, #tpu.memory_space<vmem>>, vector<1024x128xf32>,
    return
  }
  func.func @transform_0(%arg0: i32) -> (i32, i32, i32) {
    %c0_i32 = arith.constant 0 : i32
    %c0_i32_0 = arith.constant 0 : i32
    %c0_i32_1 = arith.constant 0 : i32
    return %c0_i32, %arg0, %c0_i32_0 : i32, i32, i32
  }
  func.func @transform_1(%arg0: i32) -> (i32, i32) {
    %c0_i32 = arith.constant 0 : i32
    %c0_i32_0 = arith.constant 0 : i32
    return %arg0, %c0_i32 : i32, i32
  }
  func.func @transform_2(%arg0: i32) -> (i32, i32) {
    %c0_i32 = arith.constant 0 : i32
    %c0_i32_0 = arith.constant 0 : i32
    return %c0_i32, %arg0 : i32, i32
  }
  func.func @transform_3(%arg0: i32) -> (i32, i32) {
    %c0_i32 = arith.constant 0 : i32
    %c0_i32_0 = arith.constant 0 : i32
    %c0_i32_1 = arith.constant 0 : i32
    return %c0_i32, %c0_i32_0 : i32, i32
  }
  func.func @transform_4(%arg0: i32) -> (i32, i32) {
    %c0_i32 = arith.constant 0 : i32
    %c0_i32_0 = arith.constant 0 : i32
    %c0_i32_1 = arith.constant 0 : i32
    return %c0_i32, %c0_i32_0 : i32, i32
  }
  func.func @transform_5(%arg0: i32) -> (i32, i32) {
    %c0_i32 = arith.constant 0 : i32
    %c0_i32_0 = arith.constant 0 : i32
    return %arg0, %c0_i32 : i32, i32
  }
}

module attributes {stable_mosaic.version = 14 : i64} {
  func.func @_final_kernel(%arg0: i32, %arg1: memref<2x1024x128xf32, #tpu.memory_space<vmem>>, %arg2: memref<1024x128xf32, #tpu.memory_space<vmem>>, %arg3: memref<32x1024xf32, #tpu.memory_space<vmem>>, %arg4: memref<1x128xf32, #tpu.memory_space<vmem>>, %arg5: memref<1024x1xi32, #tpu.memory_space<vmem>>, %arg6: memref<128x1xf32, #tpu.memory_space<vmem>>, %arg7: memref<1x1xf32, #tpu.memory_space<vmem>>, %arg8: memref<64x1xf32, #tpu.memory_space<vmem>>, %arg9: memref<64x128xf32, #tpu.memory_space<vmem>>, %arg10: memref<64x128xf32, #tpu.memory_space<vmem>>) attributes {dimension_semantics = [#tpu.dimension_semantics<arbitrary>], iteration_bounds = array<i64: 10>, scalar_prefetch = 0 : i64, scratch_operands = 2 : i64, tpu.core_type = #tpu.core_type<tc>, window_params = [{transform_indices = @transform_0, window_bounds = array<i64: 2, 1024, 128>}, {transform_indices = @transform_1, window_bounds = array<i64: 1024, 128>}, {transform_indices = @transform_2, window_bounds = array<i64: 32, 1024>}, {pipeline_mode = #tpu.pipeline_mode<synchronous>, transform_indices = @transform_3, window_bounds = array<i64: 1, 128>}, {transform_indices = @transform_4, window_bounds = array<i64: 1024, 1>}, {pipeline_mode = #tpu.pipeline_mode<synchronous>, transform_indices = @transform_5, window_bounds = array<i64: 128, 1>}, {pipeline_mode = #tpu.pipeline_mode<synchronous>, transform_indices = @transform_6, window_bounds = array<i64: 1, 1>}, {pipeline_mode = #tpu.pipeline_mode<synchronous>, transform_indices = @transform_7, window_bounds = array<i64: 64, 1>}]} {
    %eq3A = arith.constant 0 : i32
    %eq3A_0 = arith.cmpi eq, %arg0, %eq3A : i32
    %convert_element_type3A = arith.extui %eq3A_0 : i1 to i32
    %cond3A = arith.constant 0 : i32
    %cond3A_1 = arith.cmpi ne, %convert_element_type3A, %cond3A : i32
    scf.if %cond3A_1 {
      %broadcast_in_dim3A_61 = arith.constant 0.000000e+00 : f32
      %broadcast_in_dim3A_62 = vector.broadcast %broadcast_in_dim3A_61 : f32 to vector<64x128xf32>
      %swap3A_63 = arith.constant 0 : index
      %swap3A_64 = arith.constant 0 : index
      %swap3A_65 = vector.load %arg9[%swap3A_63, %swap3A_64] : memref<64x128xf32, #tpu.memory_space<vmem>>, vector<64x128xf32>
      tpu.vector_store %arg9[%swap3A_63, %swap3A_64], %broadcast_in_dim3A_62 {strides = array<i32>} : memref<64x128xf32, #tpu.memory_space<vmem>>, vector<64x128xf32>,
      %broadcast_in_dim3A_66 = arith.constant 0.000000e+00 : f32
      %broadcast_in_dim3A_67 = vector.broadcast %broadcast_in_dim3A_66 : f32 to vector<64x128xf32>
      %swap3A_68 = arith.constant 0 : index
      %swap3A_69 = arith.constant 0 : index
      %swap3A_70 = vector.load %arg10[%swap3A_68, %swap3A_69] : memref<64x128xf32, #tpu.memory_space<vmem>>, vector<64x128xf32>
      tpu.vector_store %arg10[%swap3A_68, %swap3A_69], %broadcast_in_dim3A_67 {strides = array<i32>} : memref<64x128xf32, #tpu.memory_space<vmem>>, vector<64x128xf32>,
    } else {
    }
    %get3A = arith.constant 0 : index
    %get3A_2 = arith.constant 0 : index
    %get3A_3 = vector.load %arg3[%get3A, %get3A_2] : memref<32x1024xf32, #tpu.memory_space<vmem>>, vector<32x1024xf32>
    %reduce_sum3A = arith.constant dense<0.000000e+00> : vector<1024xf32>
    %reduce_sum3A_4 = vector.multi_reduction <add>, %get3A_3, %reduce_sum3A [0] : vector<32x1024xf32> to vector<1024xf32>
    %add3A = arith.constant 1.000000e+00 : f32
    %add3A_5 = vector.broadcast %add3A : f32 to vector<1024xf32>
    %add3A_6 = arith.addf %reduce_sum3A_4, %add3A_5 : vector<1024xf32>
    %rsqrt3A = math.rsqrt %add3A_6 : vector<1024xf32>
    %broadcast_in_dim3A = vector.shape_cast %rsqrt3A : vector<1024xf32> to vector<1024x1xf32>
    %get3A_7 = arith.constant 0 : index
    %get3A_8 = arith.constant 0 : index
    %get3A_9 = arith.constant 0 : index
    %get3A_10 = vector.load %arg1[%get3A_7, %get3A_8, %get3A_9] : memref<2x1024x128xf32, #tpu.memory_space<vmem>>, vector<1x1024x128xf32>
    %get3A_11 = vector.shape_cast %get3A_10 : vector<1x1024x128xf32> to vector<1024x128xf32>
    %get3A_12 = arith.constant 1 : index
    %get3A_13 = arith.constant 0 : index
    %get3A_14 = arith.constant 0 : index
    %get3A_15 = vector.load %arg1[%get3A_12, %get3A_13, %get3A_14] : memref<2x1024x128xf32, #tpu.memory_space<vmem>>, vector<1x1024x128xf32>
    %get3A_16 = vector.shape_cast %get3A_15 : vector<1x1024x128xf32> to vector<1024x128xf32>
    %add3A_17 = arith.addf %get3A_11, %get3A_16 : vector<1024x128xf32>
    %get3A_18 = arith.constant 0 : index
    %get3A_19 = arith.constant 0 : index
    %get3A_20 = vector.load %arg2[%get3A_18, %get3A_19] : memref<1024x128xf32, #tpu.memory_space<vmem>>, vector<1024x128xf32>
    %add3A_21 = arith.addf %add3A_17, %get3A_20 : vector<1024x128xf32>
    %mul3A = vector.broadcast %broadcast_in_dim3A : vector<1024x1xf32> to vector<1024x128xf32>
    %mul3A_22 = arith.mulf %add3A_21, %mul3A : vector<1024x128xf32>
    %get3A_23 = arith.constant 0 : index
    %get3A_24 = arith.constant 0 : index
    %get3A_25 = vector.load %arg4[%get3A_23, %get3A_24] : memref<1x128xf32, #tpu.memory_space<vmem>>, vector<1x128xf32>
    %add3A_26 = vector.broadcast %get3A_25 : vector<1x128xf32> to vector<1024x128xf32>
    %add3A_27 = arith.addf %mul3A_22, %add3A_26 : vector<1024x128xf32>
    %max3A = arith.constant 0.000000e+00 : f32
    %max3A_28 = vector.broadcast %max3A : f32 to vector<1024x128xf32>
    %max3A_29 = arith.maximumf %add3A_27, %max3A_28 : vector<1024x128xf32>
    %get3A_30 = arith.constant 0 : index
    %get3A_31 = arith.constant 0 : index
    %get3A_32 = vector.load %arg5[%get3A_30, %get3A_31] : memref<1024x1xi32, #tpu.memory_space<vmem>>, vector<1024x1xi32>
    %iota3A = tpu.iota {dimensions = array<i32: 1>} : vector<1x64xi32>
    %eq3A_33 = vector.broadcast %get3A_32 : vector<1024x1xi32> to vector<1024x64xi32>
    %eq3A_34 = vector.broadcast %iota3A : vector<1x64xi32> to vector<1024x64xi32>
    %eq3A_35 = arith.cmpi eq, %eq3A_33, %eq3A_34 : vector<1024x64xi32>
    %convert_element_type3A_36 = arith.extui %eq3A_35 : vector<1024x64xi1> to vector<1024x64xi32>
    %convert_element_type3A_37 = arith.sitofp %convert_element_type3A_36 : vector<1024x64xi32> to vector<1024x64xf32>
    %get3A_38 = arith.constant 0 : index
    %get3A_39 = arith.constant 0 : index
    %get3A_40 = vector.load %arg9[%get3A_38, %get3A_39] : memref<64x128xf32, #tpu.memory_space<vmem>>, vector<64x128xf32>
    %dot_general3A = arith.constant dense<0.000000e+00> : vector<64x128xf32>
    %dot_general3A_41 = tpu.matmul %convert_element_type3A_37, %max3A_29, %dot_general3A {dimension_numbers = #tpu.dot_dimension_numbers<[0], [0], [1], [1], [0, 1, 1, 1], [], []>, precision = #tpu.contract_precision<fp32>, transpose_lhs_hint = false} : vector<1024x64xf32>, vector<1024x128xf32>, vector<64x128xf32> -> vector<64x128xf32>
    %add3A_42 = arith.addf %get3A_40, %dot_general3A_41 : vector<64x128xf32>
    %swap3A = arith.constant 0 : index
    %swap3A_43 = arith.constant 0 : index
    %swap3A_44 = vector.load %arg9[%swap3A, %swap3A_43] : memref<64x128xf32, #tpu.memory_space<vmem>>, vector<64x128xf32>
    tpu.vector_store %arg9[%swap3A, %swap3A_43], %add3A_42 {strides = array<i32>} : memref<64x128xf32, #tpu.memory_space<vmem>>, vector<64x128xf32>,
    %get3A_45 = arith.constant 0 : index
    %get3A_46 = arith.constant 0 : index
    %get3A_47 = vector.load %arg10[%get3A_45, %get3A_46] : memref<64x128xf32, #tpu.memory_space<vmem>>, vector<64x128xf32>
    %broadcast_in_dim3A_48 = arith.constant 1.000000e+00 : f32
    %broadcast_in_dim3A_49 = vector.broadcast %broadcast_in_dim3A_48 : f32 to vector<1024x128xf32>
    %dot_general3A_50 = arith.constant dense<0.000000e+00> : vector<64x128xf32>
    %dot_general3A_51 = tpu.matmul %convert_element_type3A_37, %broadcast_in_dim3A_49, %dot_general3A_50 {dimension_numbers = #tpu.dot_dimension_numbers<[0], [0], [1], [1], [0, 1, 1, 1], [], []>, precision = #tpu.contract_precision<fp32>, transpose_lhs_hint = false} : vector<1024x64xf32>, vector<1024x128xf32>, vector<64x128xf32> -> vector<64x128xf32>
    %add3A_52 = arith.addf %get3A_47, %dot_general3A_51 : vector<64x128xf32>
    %swap3A_53 = arith.constant 0 : index
    %swap3A_54 = arith.constant 0 : index
    %swap3A_55 = vector.load %arg10[%swap3A_53, %swap3A_54] : memref<64x128xf32, #tpu.memory_space<vmem>>, vector<64x128xf32>
    tpu.vector_store %arg10[%swap3A_53, %swap3A_54], %add3A_52 {strides = array<i32>} : memref<64x128xf32, #tpu.memory_space<vmem>>, vector<64x128xf32>,
    %eq3A_56 = arith.constant 9 : i32
    %eq3A_57 = arith.cmpi eq, %arg0, %eq3A_56 : i32
    %convert_element_type3A_58 = arith.extui %eq3A_57 : i1 to i32
    %cond3A_59 = arith.constant 0 : i32
    %cond3A_60 = arith.cmpi ne, %convert_element_type3A_58, %cond3A_59 : i32
    scf.if %cond3A_60 {
      %get3A_61 = arith.constant 0 : index
      %get3A_62 = arith.constant 0 : index
      %get3A_63 = vector.load %arg9[%get3A_61, %get3A_62] : memref<64x128xf32, #tpu.memory_space<vmem>>, vector<64x128xf32>
      %get3A_64 = arith.constant 0 : index
      %get3A_65 = arith.constant 0 : index
      %get3A_66 = vector.load %arg10[%get3A_64, %get3A_65] : memref<64x128xf32, #tpu.memory_space<vmem>>, vector<64x128xf32>
      %max3A_67 = arith.constant 1.000000e+00 : f32
      %max3A_68 = vector.broadcast %max3A_67 : f32 to vector<64x128xf32>
      %max3A_69 = arith.maximumf %get3A_66, %max3A_68 : vector<64x128xf32>
      %div3A = arith.divf %get3A_63, %max3A_69 : vector<64x128xf32>
      %get3A_70 = arith.constant 0 : index
      %get3A_71 = arith.constant 0 : index
      %get3A_72 = vector.load %arg6[%get3A_70, %get3A_71] : memref<128x1xf32, #tpu.memory_space<vmem>>, vector<128x1xf32>
      %dot_general3A_73 = arith.constant dense<0.000000e+00> : vector<64x1xf32>
      %dot_general3A_74 = tpu.matmul %div3A, %get3A_72, %dot_general3A_73 {dimension_numbers = #tpu.dot_dimension_numbers<[1], [0], [0], [1], [0, 0, 1, 1], [], []>, precision = #tpu.contract_precision<fp32>, transpose_lhs_hint = false} : vector<64x128xf32>, vector<128x1xf32>, vector<64x1xf32> -> vector<64x1xf32>
      %get3A_75 = arith.constant 0 : index
      %get3A_76 = arith.constant 0 : index
      %get3A_77 = vector.load %arg7[%get3A_75, %get3A_76] : memref<1x1xf32, #tpu.memory_space<vmem>>, vector<1x1xf32>
      %add3A_78 = vector.broadcast %get3A_77 : vector<1x1xf32> to vector<64x1xf32>
      %add3A_79 = arith.addf %dot_general3A_74, %add3A_78 : vector<64x1xf32>
      %swap3A_80 = arith.constant 0 : index
      %swap3A_81 = arith.constant 0 : index
      %swap3A_82 = vector.load %arg8[%swap3A_80, %swap3A_81] : memref<64x1xf32, #tpu.memory_space<vmem>>, vector<64x1xf32>
      tpu.vector_store %arg8[%swap3A_80, %swap3A_81], %add3A_79 {strides = array<i32>} : memref<64x1xf32, #tpu.memory_space<vmem>>, vector<64x1xf32>,
    } else {
    }
    return
  }
  func.func @transform_0(%arg0: i32) -> (i32, i32, i32) {
    %c0_i32 = arith.constant 0 : i32
    %c0_i32_0 = arith.constant 0 : i32
    %c0_i32_1 = arith.constant 0 : i32
    return %c0_i32, %arg0, %c0_i32_0 : i32, i32, i32
  }
  func.func @transform_1(%arg0: i32) -> (i32, i32) {
    %c0_i32 = arith.constant 0 : i32
    %c0_i32_0 = arith.constant 0 : i32
    return %arg0, %c0_i32 : i32, i32
  }
  func.func @transform_2(%arg0: i32) -> (i32, i32) {
    %c0_i32 = arith.constant 0 : i32
    %c0_i32_0 = arith.constant 0 : i32
    return %c0_i32, %arg0 : i32, i32
  }
  func.func @transform_3(%arg0: i32) -> (i32, i32) {
    %c0_i32 = arith.constant 0 : i32
    %c0_i32_0 = arith.constant 0 : i32
    %c0_i32_1 = arith.constant 0 : i32
    return %c0_i32, %c0_i32_0 : i32, i32
  }
  func.func @transform_4(%arg0: i32) -> (i32, i32) {
    %c0_i32 = arith.constant 0 : i32
    %c0_i32_0 = arith.constant 0 : i32
    return %arg0, %c0_i32 : i32, i32
  }
  func.func @transform_5(%arg0: i32) -> (i32, i32) {
    %c0_i32 = arith.constant 0 : i32
    %c0_i32_0 = arith.constant 0 : i32
    %c0_i32_1 = arith.constant 0 : i32
    return %c0_i32, %c0_i32_0 : i32, i32
  }
  func.func @transform_6(%arg0: i32) -> (i32, i32) {
    %c0_i32 = arith.constant 0 : i32
    %c0_i32_0 = arith.constant 0 : i32
    %c0_i32_1 = arith.constant 0 : i32
    return %c0_i32, %c0_i32_0 : i32, i32
  }
  func.func @transform_7(%arg0: i32) -> (i32, i32) {
    %c0_i32 = arith.constant 0 : i32
    %c0_i32_0 = arith.constant 0 : i32
    %c0_i32_1 = arith.constant 0 : i32
    return %c0_i32, %c0_i32_0 : i32, i32
  }
}

</mosaic_0001>

<sc_bundles>
// kernel: kernel.11.cloned.1.call-start
scs
__scs_entry_jumppad:
0x0: {  	(pc) =	sbr.rel $0x88, $3  }
0x1: {  	(tag) =	ssettag $0x0;
	lr =	simm.s32 $0x1  }
0x2: {  	[smem:$0x3F98] =	sst lr;
	_ =	strace $0xD0000000  }
0x3: {  	_ = 	snop  }
0x4: {  	_ = 	snop  }
0x5: {  	_ = 	snop  }
0x6: {  	_ = 	snop  }
0x7: {  	_ = 	snop  }
__scs_overlays_trampoline_lowered:
0x8: {  	[smem:$0x3FA7] =	sst s0  }
0x9: {  	[smem:$0x3FA8] =	sst s1  }
0xa: {  	[smem:$0x3FA9] =	sst s2  }
0xb: {  	[smem:$0x3FAA] =	sst s3  }
0xc: {  	[smem:$0x3FAB] =	sst s4  }
0xd: {  	[smem:$0x3FAC] =	sst s5  }
0xe: {  	[smem:$0x3FAD] =	sst s6  }
0xf: {  	[smem:$0x3FAE] =	sst s7  }
0x10: {  	[smem:$0x3FAF] =	sst s8  }
0x11: {  	[smem:$0x3FB0] =	sst s9;
	s0 =	simm.s32 @!p0 $0x0  }
0x12: {  	s1 =	sld [smem:$0x3F96];
	s0 =	simm.s32 @p0 $0x1  }
0x13: {  	[smem:$0x3FB1] =	sst s0;
	s0 =	simm.s32 @!p1 $0x0  }
0x14: {  	s2 =	sld [smem:$0x3F95];
	s0 =	simm.s32 @p1 $0x1  }
0x15: {  	[smem:$0x3FB2] =	sst s0;
	s0 =	simm.s32 @!p2 $0x0  }
0x16: {  	s3 =	sld [smem:$0x3FDB];
	s0 =	simm.s32 @p2 $0x1  }
0x17: {  	s4 =	simm.s32 $0x1BF5;
	[smem:$0x3FB4] =	sst s0  }
0x18: {  	s0 =	sld [smem:$0x3F97];
	_ =	swait.ge [sflag:s4], $0x0  }
0x19: {  	s7 =	sld [smem:$0x3F98]  }
0x1a: {  	s8 =	sadd.s32 $0xFFFFE003, lr  }
0x1b: {  	s9 =	sadd.s32 $0xFFFFFEF7, lr;
	s5 =	simm.s32 $0xFFFFFFFF;
	p2 =	slt.u32 s8, $0xFFFFF086  }
0x1c: {  	p1 =	slt.u32 s9, $0xF7A;
	s5 =	simm.s32 @!p2 $0x0  }
0x1d: {  	s5 =	simm.s32 @p1 $0x1;
	p0 =	seq.s32 s7, s2  }
0x1e: {  	s7 =	smul.u32 @!p0 $0xF7A, s2;
	p2 =	seq.s32 @!p0 s5, $0x0  }
0x1f: {  	s9 =	smul.u32 $0xF7A, s1;
	s8 =	simm.s32 @!p0 $0x1BF5;
	p2 =	por !p2, p0  }
0x20: {  	[sflag:s8] =	ssyncset.s32 @!p0 $0xFFFFF086;
	s6 =	sadd.s32 @!p0 s3, s7;
	s7 =	simm.s32 @!p0 $0x108  }
0x21: {  	s3 =	sadd.s32 s3, s9;
	s6 =	sadd.s32 @!p0 $0x88, s6;
	s7 =	simm.s32 @p2 $0x1082  }
0x22: {  	[simem:s7], [sflag:s8] =	dma.local @!p0 [hbm:s6], $0xF7A  }
0x23: {  	s9 =	sor.u32 $0xD0000000, s2;
	s6 =	simm.s32 $0x108;
	_ =	swait.ge @!p0 [sflag:s8], $0x0  }
0x24: {  	s3 =	sadd.s32 $0x88, s3;
	s6 =	simm.s32 @!p1 $0x1082;
	[sflag:s4] =	ssyncset.s32 $0xFFFFF086  }
0x25: {  	[simem:s6], [sflag:s4] =	dma.local [hbm:s3], $0xF7A  }
0x26: {  	[smem:$0x3F98] =	sst s1;
	(tag) =	ssettag s2;
	_ =	strace s9  }
0x27: {  	s1 =	sld [smem:$0x3FA8]  }
0x28: {  	s2 =	sld [smem:$0x3FA9]  }
0x29: {  	s4 =	sld [smem:$0x3FAB]  }
0x2a: {  	p0 =	seq.s32 s5, $0x0;
	s5 =	sld [smem:$0x3FAC]  }
0x2b: {  	s6 =	sld [smem:$0x3FAD]  }
0x2c: {  	s7 =	sld [smem:$0x3FAE]  }
0x2d: {  	s3 =	simm.s32 $0x108;
	s8 =	sld [smem:$0x3FAF]  }
0x2e: {  	s3 =	simm.s32 @!p0 $0x1082;
	s9 =	sld [smem:$0x3FB0]  }
0x2f: {  	lr =	sadd.s32 s0, s3;
	s0 =	sld [smem:$0x3FA7]  }
0x30: {  	s3 =	sld [smem:$0x3FAA]  }
0x31: {  	[smem:$0x3FB3] =	sst s10  }
0x32: {  	s10 =	sld [smem:$0x3FB1];
	_ =	sdelay $0x3  }
0x33: {  	p0 =	seq.s32 s10, $0x1;
	s10 =	sld [smem:$0x3FB3];
	_ =	sdelay $0x3  }
0x34: {  	[smem:$0x3FB3] =	sst s10  }
0x35: {  	s10 =	sld [smem:$0x3FB2];
	_ =	sdelay $0x3  }
0x36: {  	p1 =	seq.s32 s10, $0x1;
	s10 =	sld [smem:$0x3FB3];
	_ =	sdelay $0x3  }
0x37: {  	[smem:$0x3FB3] =	sst s10  }
0x38: {  	s10 =	sld [smem:$0x3FB4]  }
0x39: {  	_ = 	snop;
	(pc) =	sbr.ind lr, $3  }
0x3a: {  	_ = 	snop  }
0x3b: {  	_ = 	snop  }
0x3c: {  	p2 =	seq.s32 s10, $0x1;
	s10 =	sld [smem:$0x3FB3]  }
0x3d: {  	_ =	shalt  }
0x3e: {  	_ =	shalt  }
0x3f: {  	_ =	shalt  }
0x40: {  	_ =	shalt  }
0x41: {  	_ =	shalt  }
0x42: {  	_ =	shalt  }
0x43: {  	_ =	shalt  }
0x44: {  	_ =	shalt  }
0x45: {  	_ =	shalt  }
0x46: {  	_ =	shalt  }
0x47: {  	_ =	shalt  }
0x48: {  	_ =	shalt  }
0x49: {  	_ =	shalt  }
0x4a: {  	_ =	shalt  }
0x4b: {  	_ =	shalt  }
0x4c: {  	_ =	shalt  }
0x4d: {  	_ =	shalt  }
0x4e: {  	_ =	shalt  }
0x4f: {  	_ =	shalt  }
0x50: {  	_ =	shalt  }
0x51: {  	_ =	shalt  }
0x52: {  	_ =	shalt  }
0x53: {  	_ =	shalt  }
0x54: {  	_ =	shalt  }
0x55: {  	_ =	shalt  }
0x56: {  	_ =	shalt  }
0x57: {  	_ =	shalt  }
0x58: {  	_ =	shalt  }
0x59: {  	_ =	shalt  }
0x5a: {  	_ =	shalt  }
0x5b: {  	_ =	shalt  }
0x5c: {  	_ =	shalt  }
0x5d: {  	_ =	shalt  }
0x5e: {  	_ =	shalt  }
0x5f: {  	_ =	shalt  }
0x60: {  	_ =	shalt  }
0x61: {  	_ =	shalt  }
0x62: {  	_ =	shalt  }
0x63: {  	_ =	shalt  }
0x64: {  	_ =	shalt  }
0x65: {  	_ =	shalt  }
0x66: {  	_ =	shalt  }
0x67: {  	_ =	shalt  }
0x68: {  	_ =	shalt  }
0x69: {  	_ =	shalt  }
0x6a: {  	_ =	shalt  }
0x6b: {  	_ =	shalt  }
0x6c: {  	_ =	shalt  }
0x6d: {  	_ =	shalt  }
0x6e: {  	_ =	shalt  }
0x6f: {  	_ =	shalt  }
0x70: {  	_ =	shalt  }
0x71: {  	_ =	shalt  }
0x72: {  	_ =	shalt  }
0x73: {  	_ =	shalt  }
0x74: {  	_ =	shalt  }
0x75: {  	_ =	shalt  }
0x76: {  	_ =	shalt  }
0x77: {  	_ =	shalt  }
0x78: {  	_ =	shalt  }
0x79: {  	_ =	shalt  }
0x7a: {  	_ =	shalt  }
0x7b: {  	_ =	shalt  }
0x7c: {  	_ =	shalt  }
0x7d: {  	_ =	shalt  }
0x7e: {  	_ =	shalt  }
0x7f: {  	_ =	shalt  }
0x80: {  	_ =	shalt  }
0x81: {  	_ =	shalt  }
0x82: {  	_ =	shalt  }
0x83: {  	_ =	shalt  }
0x84: {  	_ =	shalt  }
0x85: {  	_ =	shalt  }
0x86: {  	_ =	shalt  }
0x87: {  	_ =	shalt  }
.Lfunc_end0:
.L_simem_size_0:
called_computation.1_lowered:
.L_overlay_start_0:
0x88: {  	s2 =	sld [smem:$0x3FD9]  }
0x89: {  	s3 =	sld [smem:$0x3FFE];
	_ =	sdelay $0x1  }
0x8a: {  	s1 =	srdreg.scid  }
0x8b: {  	s0 =	sand.u32 $0x1, s1  }
0x8c: {  	s16 =	sshll.u32 s0, $0xA;
	s2 =	sadd.s32 s3, s2  }
0x8d: {  	s2 =	sadd.s32 s2, s16  }
0x8e: {  	[smem:$0x3FBF] =	sst s2  }
0x8f: {  	_ = 	snop  }
0x90: {  	(tm) =	ssettm $0x1  }
0x91: {  	s17 =	sld [smem:$0x3FFB];
	_ =	sdelay $0x3  }
0x92: {  	_ =	strace s17  }
0x93: {  	s2 =	sld [smem:$0x3FFC];
	_ =	sdelay $0x3  }
0x94: {  	_ =	strace s2  }
0x95: {  	s2 =	sld [smem:$0x3FFD];
	_ =	sdelay $0x3  }
0x96: {  	_ =	strace s2  }
0x97: {  	_ =	strace $0x8FFFFFFF  }
0x98: {  	s18 =	sld [smem:$0x3FDB];
	_ =	sdelay $0x1  }
0x99: {  	s19 =	simm.s32 $_scs_section_size  }
0x9a: {  	s4 =	simm.s32 $_size__tile_overlayer_lowered;
	s5 =	simm.s32 $_tile_overlayer_lowered  }
0x9b: {  	s22 =	simm.s32 $0x1BFF;
	s21 =	sshll.u32 s5, $0x1;
	s2 =	sadd.s32 s19, s18  }
0x9c: {  	s6 =	simm.s32 $0x0;
	s20 =	sshll.u32 s4, $0x1;
	s4 =	sadd.s32 s21, s2  }
0x9d: {  	[timem:s6], [sflag:s22] =	dma.local [hbm:s4], s20  }
0x9e: {  	_ =	swait.ge [sflag:s22], s20  }
0x9f: {  	s3 =	ssub.s32 $0x0, s20;
	[sflag:s22] =	ssyncset.done $0x0  }
0xa0: {  	[sflag:s22] =	ssyncadd.s32 s3;
	_ =	sdelay $0x1  }
0xa1: {  	s23 =	simm.s32 $0x1B8B  }
0xa2: {  	_ =	swait.ge [sflag:s23], $0x1  }
0xa3: {  	[sflag:s23] =	ssyncset.done $0x0  }
0xa4: {  	s25 =	simm.s32 $0x1B8E;
	s24 =	sld [smem:$0x3FFE];
	[sflag:s23] =	ssyncadd.s32 $0xFFFFFFFF  }
0xa5: {  	s26 =	simm.s32 $execute0_lowered;
	[smem:$0x3FD2] =	sst s25  }
0xa6: {  	s4 =	sshll.u32 s26, $0x1;
	_ =	strace $0x80000049;
	[dreg:$0x1] =	wrdreg $0xFFFFFFFF  }
0xa7: {  	s28 =	simm.s32 $_size_execute0_lowered;
	s2 =	sadd.s32 s2, s4;
	[dreg:$0x0] =	wrdreg $0x0  }
0xa8: {  	s4 =	sshll.u32 s28, $0x1;
	[dreg:$0x2] =	wrdreg s2  }
0xa9: {  	[dreg:$0x3] =	wrdreg s4  }
0xaa: {  	[dreg:$0x4] =	wrdreg $0xC0  }
0xab: {  	_ =	task [dreg:s6], $0x5FFFF  }
0xac: {  	[dreg:$0x1] =	wrdreg $0xFFFFFFFF  }
0xad: {  	[dreg:$0x0] =	wrdreg $0x60  }
0xae: {  	[dreg:$0x2] =	wrdreg s24  }
0xaf: {  	[dreg:$0x3] =	wrdreg $0xA8000  }
0xb0: {  	[dreg:$0x4] =	wrdreg $0x9  }
0xb1: {  	_ =	task.clear_ibuf [dreg:s6], $0x5FFFF;
	_ =	strace $0x90000049  }
0xb2: {  	s29 =	simm.s32 $0x9;
	_ =	strace $0x8000004B  }
0xb3: {  	_ =	swait.ge [sflag:s29], $0x1  }
0xb4: {  	[sflag:s29] =	ssyncadd.s32 $0xFFFFFFFF  }
0xb5: {  	_ =	strace $0x9000004B  }
0xb6: {  	_ =	sfence  }
0xb7: {  	s30 =	sld [smem:$0x0];
	_ =	sdelay $0x2  }
0xb8: {  	s31 =	sshll.u32 s1, $0xD;
	s1 =	sshrl.u32 s1, $0x2  }
0xb9: {  	s3 =	sand.u32 $0x4000, s31;
	s1 =	sadd.s32 s1, s30  }
0xba: {  	s0 =	sor.u32 s3, s0;
	s1 =	sshll.u32 s1, $0x11  }
0xbb: {  	s0 =	sor.u32 s1, s0  }
0xbc: {  	s0 =	sadd.s32 $0x8F2B, s0  }
0xbd: {  	[sflag:s0] =	ssyncadd.remote.s32 $0x1  }
0xbe: {  	_ =	sfence.sel $0xFFFF  }
0xbf: {  	[dreg:$0x0] =	wrdreg $0xFFFFFFFF;
	(pc) =	sbr.abs _section_cstart, $3  }
0xc0: {  	[dreg:$0x1] =	wrdreg $0xFFFFFFFF  }
0xc1: {  	_ =	task.clear_ibuf [dreg:s6], $0x2FFFF;
	_ =	strace $0x9FFFFFFF  }
0xc2: {  	(tm) =	ssettm $0x7FFFFFFF  }
0xc3: {  	_ =	shalt  }
tec
execute0_lowered:
.L_overlay_start_1:
0x0: {  	(tag) =	ssettag $0x1  }
0x1: {  	s5 =	rddreg [dreg:$0x0]  }
0x2: {  	s0 =	srdreg.scid;
	s2 =	rddreg [dreg:$0x1]  }
0x3: {  	s1 =	stileid.u32;
	s3 =	simm.s32 $0x0;
	s18 =	simm.s32 $0x3  }
0x4: {  	s19 =	simm.s32 $0x1400;
	s20 =	simm.s32 $0x7D;
	s21 =	simm.s32 $0x6800  }
0x5: {  	s22 =	simm.s32 $0x1;
	s23 =	simm.s32 $0x2;
	s24 =	simm.s32 $0x1380  }
0x6: {  	s25 =	simm.s32 $0x2700;
	s26 =	simm.s32 $0x2780;
	s7 =	smul.u32 $0x14000, s1  }
0x7: {  	s6 =	sand.u32 $0x1, s0;
	[smem:$0x7FF] =	sst s3;
	s8 =	smul.u32 $0x50000, s1  }
0x8: {  	s13 =	sadd.s32 $0x26000, s5;
	s14 =	sadd.s32 $0x1C000, s5;
	s4 =	smul.u32 $0x140000, s6  }
0x9: {  	_ =	strace $0x8000004A;
	s28 =	sshll.u32 s6, $0x4;
	s6 =	ssub.s32 $0x2, s6  }
0xa: {  	s29 =	sor.u32 s1, s28;
	s30 =	sshrl.u32 s8, $0x2;
	s31 =	sshrl.u32 s6, $0x1  }
0xb: {  	s4 =	sadd.s32 s7, s4;
	s10 =	smul.u32 $0x2800, s29;
	s16 =	ssub.s32 s6, s31  }
0xc: {  	s7 =	sshrl.u32 s4, $0x3;
	s4 =	sadd.s32 $0x30000, s5;
	s16 =	smax.u32 s16, $0x1  }
0xd: {  	s15 =	sadd.s32 s7, s5;
	s5 =	sadd.s32 s30, s2;
	s12 =	sshrl.u32 s10, $0x3  }
0xe: {  	s6 =	sadd.s32 $0x3E80, s5;
	s7 =	sadd.s32 $0x7D00, s5;
	s8 =	sadd.s32 $0xBB80, s5  }
0xf: {  	s9 =	sadd.s32 $0xFA00, s5;
	s10 =	sadd.s32 $0x13880, s5;
	s11 =	sadd.s32 s13, s12  }
0x10: {  	s17 =	sadd.s32 $0x280, s12;
	s12 =	sadd.s32 s14, s12;
	s15 =	sadd.s32 $0x58000, s15  }
0x11: {  	v0 =	vimm.f32 $0.0e+00;
	s13 =	sadd.s32 s13, s17;
	s14 =	sadd.s32 s14, s17;
	s17 =	simm.s32 $0x2800  }
.LBB2_1:
0x12: {  	s28 =	simm.s32 $0x0;
	s29 =	simm.s32 $0x200  }
.LBB2_2:
0x13: {  	p0 =	sne.s32 s29, $0xF800;
	[tilespmem:s28+$0x2870] =	vst v0  }
0x14: {  	[tilespmem:s28+$0x2800] =	vst v0  }
0x15: {  	[tilespmem:s28+$0x2810] =	vst v0  }
.Ltmp0:
0x16: {  	[tilespmem:s28+$0x2820] =	vst v0;
	(pc) =	sbr.rel @p0 .LBB2_2-.Ltmp0, $4  }
0x17: {  	[tilespmem:s28+$0x2830] =	vst v0  }
0x18: {  	[tilespmem:s28+$0x2840] =	vst v0  }
0x19: {  	[tilespmem:s28+$0x2850] =	vst v0  }
0x1a: {  	[tilespmem:s28+$0x2860] =	vst v0;
	s28 =	sshra.s32 s29, $0x2;
	s29 =	sadd.s32 $0x200, s29  }
0x1b: {  	[tilespmem:s28+$0x2870] =	vst v0  }
0x1c: {  	[tilespmem:s28+$0x2800] =	vst v0  }
0x1d: {  	[tilespmem:s28+$0x2810] =	vst v0  }
0x1e: {  	[tilespmem:s28+$0x2820] =	vst v0  }
0x1f: {  	[tilespmem:s28+$0x2830] =	vst v0  }
0x20: {  	[tilespmem:s28+$0x2840] =	vst v0  }
0x21: {  	[tilespmem:s28+$0x2850] =	vst v0  }
0x22: {  	[tilespmem:s28+$0x2860] =	vst v0  }
0x23: {  	[spmem:s5] =	stream.linear.scatter [tilespmem:s17], [sflag:$0x3], $0x3E80, $0x38;
	[tilespmem:$0x1E800] =	vst v63  }
0x24: {  	_ =	swait.ge [sflag:s18], $0x3E80  }
0x25: {  	[sflag:s18] =	ssyncset.done $0x0  }
0x26: {  	[sflag:s18] =	ssyncadd.s32 $0xFFFFC180  }
0x27: {  	[spmem:s6] =	stream.linear.scatter [tilespmem:s17], [sflag:$0x3], $0x3E80, $0x38;
	[tilespmem:$0x1E800] =	vst v63  }
0x28: {  	_ =	swait.ge [sflag:s18], $0x3E80  }
0x29: {  	[sflag:s18] =	ssyncset.done $0x0  }
0x2a: {  	[sflag:s18] =	ssyncadd.s32 $0xFFFFC180  }
0x2b: {  	[spmem:s7] =	stream.linear.scatter [tilespmem:s17], [sflag:$0x3], $0x3E80, $0x38;
	[tilespmem:$0x1E800] =	vst v63  }
0x2c: {  	_ =	swait.ge [sflag:s18], $0x3E80  }
0x2d: {  	[sflag:s18] =	ssyncset.done $0x0  }
0x2e: {  	[sflag:s18] =	ssyncadd.s32 $0xFFFFC180  }
0x2f: {  	[spmem:s8] =	stream.linear.scatter [tilespmem:s17], [sflag:$0x3], $0x3E80, $0x38;
	[tilespmem:$0x1E800] =	vst v63  }
0x30: {  	_ =	swait.ge [sflag:s18], $0x3E80  }
0x31: {  	[sflag:s18] =	ssyncset.done $0x0  }
0x32: {  	[sflag:s18] =	ssyncadd.s32 $0xFFFFC180  }
0x33: {  	[spmem:s9] =	stream.linear.scatter [tilespmem:s17], [sflag:$0x3], $0x3E80, $0x38;
	[tilespmem:$0x1E800] =	vst v63  }
0x34: {  	_ =	swait.ge [sflag:s18], $0x3E80  }
0x35: {  	[sflag:s18] =	ssyncset.done $0x0  }
0x36: {  	[sflag:s18] =	ssyncadd.s32 $0xFFFFC180  }
0x37: {  	[spmem:s10] =	stream.linear.scatter [tilespmem:s17], [sflag:$0x3], $0x780, $0x38;
	[tilespmem:$0x1E800] =	vst v63  }
0x38: {  	_ =	swait.ge [sflag:s18], $0x780  }
0x39: {  	[sflag:s18] =	ssyncset.done $0x0  }
0x3a: {  	[sflag:s18] =	ssyncadd.s32 $0xFFFFF880  }
0x3b: {  	s28 =	simm.s32 $0x0;
	[bflag:$0x0] =	sbarrier.arrive $0xFFFF  }
0x3c: {  	[tilespmem:s28], [sflag:$0x3] =	stream.linear.gather [hbm4b:s11+s28], $0x1400, $0x38;
	[tilespmem:$0x1E800] =	vst v63  }
0x3d: {  	_ =	swait.ge [sflag:s18], $0x1400  }
0x3e: {  	[sflag:s18] =	ssyncset.done $0x0  }
0x3f: {  	[sflag:s18] =	ssyncadd.s32 $0xFFFFEC00  }
0x40: {  	[tilespmem:s19], [sflag:$0x3] =	stream.linear.gather [hbm4b:s12+s28], $0x1400, $0x38;
	[tilespmem:$0x1E800] =	vst v63  }
0x41: {  	_ =	swait.ge [sflag:s18], $0x1400  }
0x42: {  	[sflag:s18] =	ssyncset.done $0x0  }
0x43: {  	[sflag:s18] =	ssyncadd.s32 $0xFFFFEC00  }
0x44: {  	[tilespmem:s17], [sflag:$0x1] =	stream.indirect.gather [hbm4b:s4+s20], $0x80, s28, s20, $0xb8;
	[tilespmem:$0x1E800] =	vst v63  }
0x45: {  	s28 =	simm.s32 $0x80  }
0x46: {  	[tilespmem:s21], [sflag:$0x2] =	stream.indirect.gather [hbm4b:s4+s20], $0x80, s28, s20, $0xb8;
	[tilespmem:$0x1E800] =	vst v63  }
0x47: {  	_ =	swait.ge [sflag:s22], $0x3E80  }
0x48: {  	[sflag:s22] =	ssyncset.done $0x0  }
0x49: {  	s28 =	simm.s32 $0x1400;
	[sflag:s22] =	ssyncadd.s32 $0xFFFFC180  }
0x4a: {  	[spmem:s2] =	stream.indirect.scatter.add.f32 [tilespmem:s17], [sflag:$0x3], $0x80, s28, s20, $0xb8;
	[tilespmem:$0x1E800] =	vst v63  }
0x4b: {  	_ =	swait.ge [sflag:s18], $0x3E80  }
0x4c: {  	[sflag:s18] =	ssyncset.done $0x0  }
0x4d: {  	s28 =	simm.s32 $0x100;
	[sflag:s18] =	ssyncadd.s32 $0xFFFFC180  }
0x4e: {  	[tilespmem:s17], [sflag:$0x1] =	stream.indirect.gather [hbm4b:s4+s20], $0x80, s28, s20, $0xb8;
	[tilespmem:$0x1E800] =	vst v63  }
0x4f: {  	_ =	swait.ge [sflag:s23], $0x3E80  }
0x50: {  	[sflag:s23] =	ssyncset.done $0x0  }
0x51: {  	s28 =	simm.s32 $0x1480;
	[sflag:s23] =	ssyncadd.s32 $0xFFFFC180  }
0x52: {  	[spmem:s2] =	stream.indirect.scatter.add.f32 [tilespmem:s21], [sflag:$0x3], $0x80, s28, s20, $0xb8;
	[tilespmem:$0x1E800] =	vst v63  }
0x53: {  	_ =	swait.ge [sflag:s18], $0x3E80  }
0x54: {  	s29 =	simm.s32 $0x800;
	s28 =	simm.s32 $0x100;
	[sflag:s18] =	ssyncset.done $0x0  }
.LBB2_4:
0x55: {  	s30 =	sadd.s32 $0x80, s28  }
0x56: {  	[sflag:s18] =	ssyncadd.s32 $0xFFFFC180;
	s31 =	smov.u32 s29;
	s0 =	sadd.s32 $0x400, s29  }
0x57: {  	[tilespmem:s21], [sflag:$0x2] =	stream.indirect.gather [hbm4b:s4+s20], $0x80, s30, s20, $0xb8;
	[tilespmem:$0x1E800] =	vst v63  }
0x58: {  	p0 =	sne.s32 s29, $0x4800;
	_ =	swait.ge [sflag:s22], $0x3E80  }
0x59: {  	[sflag:s22] =	ssyncset.done $0x0  }
0x5a: {  	s29 =	sadd.s32 $0x1400, s28;
	[sflag:s22] =	ssyncadd.s32 $0xFFFFC180  }
0x5b: {  	[spmem:s2] =	stream.indirect.scatter.add.f32 [tilespmem:s17], [sflag:$0x3], $0x80, s29, s20, $0xb8;
	[tilespmem:$0x1E800] =	vst v63  }
0x5c: {  	_ =	swait.ge [sflag:s18], $0x3E80  }
0x5d: {  	[sflag:s18] =	ssyncset.done $0x0  }
0x5e: {  	s29 =	sadd.s32 $0x100, s28;
	[sflag:s18] =	ssyncadd.s32 $0xFFFFC180  }
0x5f: {  	[tilespmem:s17], [sflag:$0x1] =	stream.indirect.gather [hbm4b:s4+s20], $0x80, s29, s20, $0xb8;
	[tilespmem:$0x1E800] =	vst v63  }
0x60: {  	_ =	swait.ge [sflag:s23], $0x3E80  }
.Ltmp1:
0x61: {  	[sflag:s23] =	ssyncset.done $0x0;
	(pc) =	sbr.rel @p0 .LBB2_4-.Ltmp1, $4  }
0x62: {  	s28 =	sadd.s32 $0x1480, s28;
	[sflag:s23] =	ssyncadd.s32 $0xFFFFC180  }
0x63: {  	[spmem:s2] =	stream.indirect.scatter.add.f32 [tilespmem:s21], [sflag:$0x3], $0x80, s28, s20, $0xb8;
	[tilespmem:$0x1E800] =	vst v63  }
0x64: {  	_ =	swait.ge [sflag:s18], $0x3E80  }
0x65: {  	s29 =	smov.u32 s0;
	s28 =	sshra.s32 s31, $0x2;
	[sflag:s18] =	ssyncset.done $0x0  }
0x66: {  	s0 =	sadd.s32 $0x80, s28;
	[sflag:s18] =	ssyncadd.s32 $0xFFFFC180  }
0x67: {  	[tilespmem:s21], [sflag:$0x2] =	stream.indirect.gather [hbm4b:s4+s20], $0x80, s0, s20, $0xb8;
	[tilespmem:$0x1E800] =	vst v63  }
0x68: {  	_ =	swait.ge [sflag:s22], $0x3E80  }
0x69: {  	[sflag:s22] =	ssyncset.done $0x0  }
0x6a: {  	s30 =	sadd.s32 $0x1400, s28;
	[sflag:s22] =	ssyncadd.s32 $0xFFFFC180  }
0x6b: {  	[spmem:s2] =	stream.indirect.scatter.add.f32 [tilespmem:s17], [sflag:$0x3], $0x80, s30, s20, $0xb8;
	[tilespmem:$0x1E800] =	vst v63  }
0x6c: {  	_ =	swait.ge [sflag:s18], $0x3E80  }
0x6d: {  	[sflag:s18] =	ssyncset.done $0x0  }
0x6e: {  	s31 =	sadd.s32 $0x100, s28;
	[sflag:s18] =	ssyncadd.s32 $0xFFFFC180  }
0x6f: {  	[tilespmem:s17], [sflag:$0x1] =	stream.indirect.gather [hbm4b:s4+s20], $0x80, s31, s20, $0xb8;
	[tilespmem:$0x1E800] =	vst v63  }
0x70: {  	_ =	swait.ge [sflag:s23], $0x3E80  }
0x71: {  	[sflag:s23] =	ssyncset.done $0x0  }
0x72: {  	s30 =	sadd.s32 $0x1480, s28;
	[sflag:s23] =	ssyncadd.s32 $0xFFFFC180  }
0x73: {  	[spmem:s2] =	stream.indirect.scatter.add.f32 [tilespmem:s21], [sflag:$0x3], $0x80, s30, s20, $0xb8;
	[tilespmem:$0x1E800] =	vst v63  }
0x74: {  	_ =	swait.ge [sflag:s18], $0x3E80  }
0x75: {  	[sflag:s18] =	ssyncset.done $0x0  }
0x76: {  	[sflag:s18] =	ssyncadd.s32 $0xFFFFC180  }
0x77: {  	[tilespmem:s21], [sflag:$0x2] =	stream.indirect.gather [hbm4b:s4+s20], $0x80, s24, s20, $0xb8;
	[tilespmem:$0x1E800] =	vst v63  }
0x78: {  	_ =	swait.ge [sflag:s22], $0x3E80  }
0x79: {  	[sflag:s22] =	ssyncset.done $0x0  }
0x7a: {  	[sflag:s22] =	ssyncadd.s32 $0xFFFFC180  }
0x7b: {  	[spmem:s2] =	stream.indirect.scatter.add.f32 [tilespmem:s17], [sflag:$0x3], $0x80, s25, s20, $0xb8;
	[tilespmem:$0x1E800] =	vst v63  }
0x7c: {  	_ =	swait.ge [sflag:s18], $0x3E80  }
0x7d: {  	[sflag:s18] =	ssyncset.done $0x0  }
0x7e: {  	[sflag:s18] =	ssyncadd.s32 $0xFFFFC180  }
0x7f: {  	_ =	swait.ge [sflag:s23], $0x3E80  }
0x80: {  	[sflag:s23] =	ssyncset.done $0x0  }
0x81: {  	[sflag:s23] =	ssyncadd.s32 $0xFFFFC180  }
0x82: {  	[spmem:s2] =	stream.indirect.scatter.add.f32 [tilespmem:s21], [sflag:$0x3], $0x80, s26, s20, $0xb8;
	[tilespmem:$0x1E800] =	vst v63  }
0x83: {  	_ =	swait.ge [sflag:s18], $0x3E80  }
0x84: {  	[sflag:s18] =	ssyncset.done $0x0  }
0x85: {  	s31 =	simm.s32 $0x0;
	[sflag:s18] =	ssyncadd.s32 $0xFFFFC180  }
0x86: {  	[tilespmem:s31], [sflag:$0x3] =	stream.linear.gather [hbm4b:s13+s31], $0x1400, $0x38;
	[tilespmem:$0x1E800] =	vst v63  }
0x87: {  	_ =	swait.ge [sflag:s18], $0x1400  }
0x88: {  	[sflag:s18] =	ssyncset.done $0x0  }
0x89: {  	[sflag:s18] =	ssyncadd.s32 $0xFFFFEC00  }
0x8a: {  	[tilespmem:s19], [sflag:$0x3] =	stream.linear.gather [hbm4b:s14+s31], $0x1400, $0x38;
	[tilespmem:$0x1E800] =	vst v63  }
0x8b: {  	_ =	swait.ge [sflag:s18], $0x1400  }
0x8c: {  	[sflag:s18] =	ssyncset.done $0x0  }
0x8d: {  	[sflag:s18] =	ssyncadd.s32 $0xFFFFEC00  }
0x8e: {  	[tilespmem:s17], [sflag:$0x1] =	stream.indirect.gather [hbm4b:s4+s20], $0x80, s31, s20, $0xb8;
	[tilespmem:$0x1E800] =	vst v63  }
0x8f: {  	s30 =	simm.s32 $0x80  }
0x90: {  	[tilespmem:s21], [sflag:$0x2] =	stream.indirect.gather [hbm4b:s4+s20], $0x80, s30, s20, $0xb8;
	[tilespmem:$0x1E800] =	vst v63  }
0x91: {  	_ =	swait.ge [sflag:s22], $0x3E80  }
0x92: {  	[sflag:s22] =	ssyncset.done $0x0  }
0x93: {  	s31 =	simm.s32 $0x1400;
	[sflag:s22] =	ssyncadd.s32 $0xFFFFC180  }
0x94: {  	[spmem:s2] =	stream.indirect.scatter.add.f32 [tilespmem:s17], [sflag:$0x3], $0x80, s31, s20, $0xb8;
	[tilespmem:$0x1E800] =	vst v63  }
0x95: {  	_ =	swait.ge [sflag:s18], $0x3E80  }
0x96: {  	[sflag:s18] =	ssyncset.done $0x0  }
0x97: {  	s30 =	simm.s32 $0x100;
	[sflag:s18] =	ssyncadd.s32 $0xFFFFC180  }
0x98: {  	[tilespmem:s17], [sflag:$0x1] =	stream.indirect.gather [hbm4b:s4+s20], $0x80, s30, s20, $0xb8;
	[tilespmem:$0x1E800] =	vst v63  }
0x99: {  	_ =	swait.ge [sflag:s23], $0x3E80  }
0x9a: {  	[sflag:s23] =	ssyncset.done $0x0  }
0x9b: {  	s31 =	simm.s32 $0x1480;
	[sflag:s23] =	ssyncadd.s32 $0xFFFFC180  }
0x9c: {  	[spmem:s2] =	stream.indirect.scatter.add.f32 [tilespmem:s21], [sflag:$0x3], $0x80, s31, s20, $0xb8;
	[tilespmem:$0x1E800] =	vst v63  }
0x9d: {  	_ =	swait.ge [sflag:s18], $0x3E80  }
0x9e: {  	s29 =	simm.s32 $0x800;
	s28 =	simm.s32 $0x100;
	[sflag:s18] =	ssyncset.done $0x0  }
.LBB2_6:
0x9f: {  	s0 =	sadd.s32 $0x80, s28  }
0xa0: {  	[sflag:s18] =	ssyncadd.s32 $0xFFFFC180;
	s30 =	smov.u32 s29;
	s31 =	sadd.s32 $0x400, s29  }
0xa1: {  	[tilespmem:s21], [sflag:$0x2] =	stream.indirect.gather [hbm4b:s4+s20], $0x80, s0, s20, $0xb8;
	[tilespmem:$0x1E800] =	vst v63  }
0xa2: {  	p0 =	sne.s32 s29, $0x4800;
	_ =	swait.ge [sflag:s22], $0x3E80  }
0xa3: {  	[sflag:s22] =	ssyncset.done $0x0  }
0xa4: {  	s0 =	sadd.s32 $0x1400, s28;
	[sflag:s22] =	ssyncadd.s32 $0xFFFFC180  }
0xa5: {  	[spmem:s2] =	stream.indirect.scatter.add.f32 [tilespmem:s17], [sflag:$0x3], $0x80, s0, s20, $0xb8;
	[tilespmem:$0x1E800] =	vst v63  }
0xa6: {  	_ =	swait.ge [sflag:s18], $0x3E80  }
0xa7: {  	[sflag:s18] =	ssyncset.done $0x0  }
0xa8: {  	s0 =	sadd.s32 $0x100, s28;
	[sflag:s18] =	ssyncadd.s32 $0xFFFFC180  }
0xa9: {  	[tilespmem:s17], [sflag:$0x1] =	stream.indirect.gather [hbm4b:s4+s20], $0x80, s0, s20, $0xb8;
	[tilespmem:$0x1E800] =	vst v63  }
0xaa: {  	_ =	swait.ge [sflag:s23], $0x3E80  }
.Ltmp2:
0xab: {  	[sflag:s23] =	ssyncset.done $0x0;
	(pc) =	sbr.rel @p0 .LBB2_6-.Ltmp2, $4  }
0xac: {  	s0 =	sadd.s32 $0x1480, s28;
	[sflag:s23] =	ssyncadd.s32 $0xFFFFC180  }
0xad: {  	[spmem:s2] =	stream.indirect.scatter.add.f32 [tilespmem:s21], [sflag:$0x3], $0x80, s0, s20, $0xb8;
	[tilespmem:$0x1E800] =	vst v63  }
0xae: {  	_ =	swait.ge [sflag:s18], $0x3E80  }
0xaf: {  	s29 =	smov.u32 s31;
	s28 =	sshra.s32 s30, $0x2;
	[sflag:s18] =	ssyncset.done $0x0  }
0xb0: {  	s0 =	sadd.s32 $0x80, s28;
	[sflag:s18] =	ssyncadd.s32 $0xFFFFC180  }
0xb1: {  	[tilespmem:s21], [sflag:$0x2] =	stream.indirect.gather [hbm4b:s4+s20], $0x80, s0, s20, $0xb8;
	[tilespmem:$0x1E800] =	vst v63  }
0xb2: {  	_ =	swait.ge [sflag:s22], $0x3E80  }
0xb3: {  	[sflag:s22] =	ssyncset.done $0x0  }
0xb4: {  	s30 =	sadd.s32 $0x1400, s28;
	[sflag:s22] =	ssyncadd.s32 $0xFFFFC180  }
0xb5: {  	[spmem:s2] =	stream.indirect.scatter.add.f32 [tilespmem:s17], [sflag:$0x3], $0x80, s30, s20, $0xb8;
	[tilespmem:$0x1E800] =	vst v63  }
0xb6: {  	_ =	swait.ge [sflag:s18], $0x3E80  }
0xb7: {  	[sflag:s18] =	ssyncset.done $0x0  }
0xb8: {  	s31 =	sadd.s32 $0x100, s28;
	[sflag:s18] =	ssyncadd.s32 $0xFFFFC180  }
0xb9: {  	[tilespmem:s17], [sflag:$0x1] =	stream.indirect.gather [hbm4b:s4+s20], $0x80, s31, s20, $0xb8;
	[tilespmem:$0x1E800] =	vst v63  }
0xba: {  	_ =	swait.ge [sflag:s23], $0x3E80  }
0xbb: {  	[sflag:s23] =	ssyncset.done $0x0  }
0xbc: {  	s29 =	sadd.s32 $0x1480, s28;
	[sflag:s23] =	ssyncadd.s32 $0xFFFFC180  }
0xbd: {  	[spmem:s2] =	stream.indirect.scatter.add.f32 [tilespmem:s21], [sflag:$0x3], $0x80, s29, s20, $0xb8;
	[tilespmem:$0x1E800] =	vst v63  }
0xbe: {  	_ =	swait.ge [sflag:s18], $0x3E80  }
0xbf: {  	[sflag:s18] =	ssyncset.done $0x0  }
0xc0: {  	[sflag:s18] =	ssyncadd.s32 $0xFFFFC180  }
0xc1: {  	[tilespmem:s21], [sflag:$0x2] =	stream.indirect.gather [hbm4b:s4+s20], $0x80, s24, s20, $0xb8;
	[tilespmem:$0x1E800] =	vst v63  }
0xc2: {  	_ =	swait.ge [sflag:s22], $0x3E80  }
0xc3: {  	[sflag:s22] =	ssyncset.done $0x0  }
0xc4: {  	[sflag:s22] =	ssyncadd.s32 $0xFFFFC180  }
0xc5: {  	[spmem:s2] =	stream.indirect.scatter.add.f32 [tilespmem:s17], [sflag:$0x3], $0x80, s25, s20, $0xb8;
	[tilespmem:$0x1E800] =	vst v63  }
0xc6: {  	_ =	swait.ge [sflag:s18], $0x3E80  }
0xc7: {  	[sflag:s18] =	ssyncset.done $0x0  }
0xc8: {  	[sflag:s18] =	ssyncadd.s32 $0xFFFFC180  }
0xc9: {  	_ =	swait.ge [sflag:s23], $0x3E80  }
0xca: {  	[sflag:s23] =	ssyncset.done $0x0  }
0xcb: {  	[sflag:s23] =	ssyncadd.s32 $0xFFFFC180  }
0xcc: {  	[spmem:s2] =	stream.indirect.scatter.add.f32 [tilespmem:s21], [sflag:$0x3], $0x80, s26, s20, $0xb8;
	[tilespmem:$0x1E800] =	vst v63  }
0xcd: {  	_ =	swait.ge [sflag:s18], $0x3E80  }
0xce: {  	s3 =	sadd.s32 $0x1, s3;
	s30 =	sshll.u32 s1, $0x6;
	[sflag:s18] =	ssyncset.done $0x0  }
0xcf: {  	p0 =	sne.s32 s3, s16;
	s0 =	sor.u32 $0x1C03, s30;
	[sflag:s18] =	ssyncadd.s32 $0xFFFFC180  }
.Ltmp3:
0xd0: {  	s31 =	sshrl.u32 s5, $0x3;
	[bflag:$0x0] =	sbarrier.arrive $0xFFFF;
	(pc) =	sbr.rel @p0 .LBB2_1-.Ltmp3, $4  }
0xd1: {  	[hbm:s15], [sflag:s0] =	dma.local [spmem:s31], $0x2800  }
0xd2: {  	_ =	swait.ge [sflag:s18], $0x2800  }
0xd3: {  	[sflag:s18] =	ssyncset.done $0x0  }
0xd4: {  	[sflag:s18] =	ssyncadd.s32 $0xFFFFD800  }
0xd5: {  	_ =	sfence.sel $0x180000  }
0xd6: {  	[bflag:$0x0] =	sbarrier.arrive $0xFFFF  }
0xd7: {  	_ =	strace $0x9000004A  }
0xd8: {  	[bflag:$0x2] =	sbarrier.arrive $0xFFFF  }
0xd9: {  	p0 =	sne.s32 s1, $0x0;
	s0 =	rddreg [dreg:$0x2]  }
0xda: {  	s0 =	sadd.s32 @!p0 $0x100000, s0  }
0xdb: {  	[sflag:s0] =	ssyncadd.tile.s32 @!p0 $0x1;
	_ =	shalt  }
.Lfunc_end2:
_tile_overlayer_lowered:
.L_overlay_start_2:
0xdc: {  	(tag) =	ssettag $0x2  }
0xdd: {  	s0 =	rddreg [dreg:$0x0];
	s2 =	stileid.u32  }
0xde: {  	s1 =	rddreg [dreg:$0x1];
	p0 =	sne.s32 s2, $0x0  }
0xdf: {  	s3 =	rddreg [dreg:$0x2];
	[bflag:$0x3] =	sbarrier.arrive $0xFFFF;
	s2 =	simm.s32 @!p0 $0x1C03  }
0xe0: {  	[timem:s3], [sflag:s2] =	dma.local @!p0 [hbm:s0], s1  }
0xe1: {  	s0 =	simm.s32 @!p0 $0x3  }
0xe2: {  	_ =	swait.ge @!p0 [sflag:s0], s1  }
0xe3: {  	s1 =	ssub.s32 @!p0 $0x0, s1;
	[sflag:s0] =	ssyncset.done @!p0 $0x0  }
0xe4: {  	[sflag:s0] =	ssyncadd.s32 @!p0 s1  }
0xe5: {  	[bflag:$0x3] =	sbarrier.arrive $0xFFFF  }
0xe6: {  	_ =	shalt  }

// kernel: kernel.14.cloned.1.call-start
scs
__scs_entry_jumppad:
0x0: {  	(pc) =	sbr.rel $0x88, $3  }
0x1: {  	(tag) =	ssettag $0x0;
	lr =	simm.s32 $0x1  }
0x2: {  	[smem:$0x3F98] =	sst lr;
	_ =	strace $0xD0000000  }
0x3: {  	_ = 	snop  }
0x4: {  	_ = 	snop  }
0x5: {  	_ = 	snop  }
0x6: {  	_ = 	snop  }
0x7: {  	_ = 	snop  }
__scs_overlays_trampoline_lowered:
0x8: {  	[smem:$0x3FA7] =	sst s0  }
0x9: {  	[smem:$0x3FA8] =	sst s1  }
0xa: {  	[smem:$0x3FA9] =	sst s2  }
0xb: {  	[smem:$0x3FAA] =	sst s3  }
0xc: {  	[smem:$0x3FAB] =	sst s4  }
0xd: {  	[smem:$0x3FAC] =	sst s5  }
0xe: {  	[smem:$0x3FAD] =	sst s6  }
0xf: {  	[smem:$0x3FAE] =	sst s7  }
0x10: {  	[smem:$0x3FAF] =	sst s8  }
0x11: {  	[smem:$0x3FB0] =	sst s9;
	s0 =	simm.s32 @!p0 $0x0  }
0x12: {  	s1 =	sld [smem:$0x3F96];
	s0 =	simm.s32 @p0 $0x1  }
0x13: {  	[smem:$0x3FB1] =	sst s0;
	s0 =	simm.s32 @!p1 $0x0  }
0x14: {  	s2 =	sld [smem:$0x3F95];
	s0 =	simm.s32 @p1 $0x1  }
0x15: {  	[smem:$0x3FB2] =	sst s0;
	s0 =	simm.s32 @!p2 $0x0  }
0x16: {  	s3 =	sld [smem:$0x3FDB];
	s0 =	simm.s32 @p2 $0x1  }
0x17: {  	s4 =	simm.s32 $0x1BF5;
	[smem:$0x3FB4] =	sst s0  }
0x18: {  	s0 =	sld [smem:$0x3F97];
	_ =	swait.ge [sflag:s4], $0x0  }
0x19: {  	s7 =	sld [smem:$0x3F98]  }
0x1a: {  	s8 =	sadd.s32 $0xFFFFE003, lr  }
0x1b: {  	s9 =	sadd.s32 $0xFFFFFEF7, lr;
	s5 =	simm.s32 $0xFFFFFFFF;
	p2 =	slt.u32 s8, $0xFFFFF086  }
0x1c: {  	p1 =	slt.u32 s9, $0xF7A;
	s5 =	simm.s32 @!p2 $0x0  }
0x1d: {  	s5 =	simm.s32 @p1 $0x1;
	p0 =	seq.s32 s7, s2  }
0x1e: {  	s7 =	smul.u32 @!p0 $0xF7A, s2;
	p2 =	seq.s32 @!p0 s5, $0x0  }
0x1f: {  	s9 =	smul.u32 $0xF7A, s1;
	s8 =	simm.s32 @!p0 $0x1BF5;
	p2 =	por !p2, p0  }
0x20: {  	[sflag:s8] =	ssyncset.s32 @!p0 $0xFFFFF086;
	s6 =	sadd.s32 @!p0 s3, s7;
	s7 =	simm.s32 @!p0 $0x108  }
0x21: {  	s3 =	sadd.s32 s3, s9;
	s6 =	sadd.s32 @!p0 $0x88, s6;
	s7 =	simm.s32 @p2 $0x1082  }
0x22: {  	[simem:s7], [sflag:s8] =	dma.local @!p0 [hbm:s6], $0xF7A  }
0x23: {  	s9 =	sor.u32 $0xD0000000, s2;
	s6 =	simm.s32 $0x108;
	_ =	swait.ge @!p0 [sflag:s8], $0x0  }
0x24: {  	s3 =	sadd.s32 $0x88, s3;
	s6 =	simm.s32 @!p1 $0x1082;
	[sflag:s4] =	ssyncset.s32 $0xFFFFF086  }
0x25: {  	[simem:s6], [sflag:s4] =	dma.local [hbm:s3], $0xF7A  }
0x26: {  	[smem:$0x3F98] =	sst s1;
	(tag) =	ssettag s2;
	_ =	strace s9  }
0x27: {  	s1 =	sld [smem:$0x3FA8]  }
0x28: {  	s2 =	sld [smem:$0x3FA9]  }
0x29: {  	s4 =	sld [smem:$0x3FAB]  }
0x2a: {  	p0 =	seq.s32 s5, $0x0;
	s5 =	sld [smem:$0x3FAC]  }
0x2b: {  	s6 =	sld [smem:$0x3FAD]  }
0x2c: {  	s7 =	sld [smem:$0x3FAE]  }
0x2d: {  	s3 =	simm.s32 $0x108;
	s8 =	sld [smem:$0x3FAF]  }
0x2e: {  	s3 =	simm.s32 @!p0 $0x1082;
	s9 =	sld [smem:$0x3FB0]  }
0x2f: {  	lr =	sadd.s32 s0, s3;
	s0 =	sld [smem:$0x3FA7]  }
0x30: {  	s3 =	sld [smem:$0x3FAA]  }
0x31: {  	[smem:$0x3FB3] =	sst s10  }
0x32: {  	s10 =	sld [smem:$0x3FB1];
	_ =	sdelay $0x3  }
0x33: {  	p0 =	seq.s32 s10, $0x1;
	s10 =	sld [smem:$0x3FB3];
	_ =	sdelay $0x3  }
0x34: {  	[smem:$0x3FB3] =	sst s10  }
0x35: {  	s10 =	sld [smem:$0x3FB2];
	_ =	sdelay $0x3  }
0x36: {  	p1 =	seq.s32 s10, $0x1;
	s10 =	sld [smem:$0x3FB3];
	_ =	sdelay $0x3  }
0x37: {  	[smem:$0x3FB3] =	sst s10  }
0x38: {  	s10 =	sld [smem:$0x3FB4]  }
0x39: {  	_ = 	snop;
	(pc) =	sbr.ind lr, $3  }
0x3a: {  	_ = 	snop  }
0x3b: {  	_ = 	snop  }
0x3c: {  	p2 =	seq.s32 s10, $0x1;
	s10 =	sld [smem:$0x3FB3]  }
0x3d: {  	_ =	shalt  }
0x3e: {  	_ =	shalt  }
0x3f: {  	_ =	shalt  }
0x40: {  	_ =	shalt  }
0x41: {  	_ =	shalt  }
0x42: {  	_ =	shalt  }
0x43: {  	_ =	shalt  }
0x44: {  	_ =	shalt  }
0x45: {  	_ =	shalt  }
0x46: {  	_ =	shalt  }
0x47: {  	_ =	shalt  }
0x48: {  	_ =	shalt  }
0x49: {  	_ =	shalt  }
0x4a: {  	_ =	shalt  }
0x4b: {  	_ =	shalt  }
0x4c: {  	_ =	shalt  }
0x4d: {  	_ =	shalt  }
0x4e: {  	_ =	shalt  }
0x4f: {  	_ =	shalt  }
0x50: {  	_ =	shalt  }
0x51: {  	_ =	shalt  }
0x52: {  	_ =	shalt  }
0x53: {  	_ =	shalt  }
0x54: {  	_ =	shalt  }
0x55: {  	_ =	shalt  }
0x56: {  	_ =	shalt  }
0x57: {  	_ =	shalt  }
0x58: {  	_ =	shalt  }
0x59: {  	_ =	shalt  }
0x5a: {  	_ =	shalt  }
0x5b: {  	_ =	shalt  }
0x5c: {  	_ =	shalt  }
0x5d: {  	_ =	shalt  }
0x5e: {  	_ =	shalt  }
0x5f: {  	_ =	shalt  }
0x60: {  	_ =	shalt  }
0x61: {  	_ =	shalt  }
0x62: {  	_ =	shalt  }
0x63: {  	_ =	shalt  }
0x64: {  	_ =	shalt  }
0x65: {  	_ =	shalt  }
0x66: {  	_ =	shalt  }
0x67: {  	_ =	shalt  }
0x68: {  	_ =	shalt  }
0x69: {  	_ =	shalt  }
0x6a: {  	_ =	shalt  }
0x6b: {  	_ =	shalt  }
0x6c: {  	_ =	shalt  }
0x6d: {  	_ =	shalt  }
0x6e: {  	_ =	shalt  }
0x6f: {  	_ =	shalt  }
0x70: {  	_ =	shalt  }
0x71: {  	_ =	shalt  }
0x72: {  	_ =	shalt  }
0x73: {  	_ =	shalt  }
0x74: {  	_ =	shalt  }
0x75: {  	_ =	shalt  }
0x76: {  	_ =	shalt  }
0x77: {  	_ =	shalt  }
0x78: {  	_ =	shalt  }
0x79: {  	_ =	shalt  }
0x7a: {  	_ =	shalt  }
0x7b: {  	_ =	shalt  }
0x7c: {  	_ =	shalt  }
0x7d: {  	_ =	shalt  }
0x7e: {  	_ =	shalt  }
0x7f: {  	_ =	shalt  }
0x80: {  	_ =	shalt  }
0x81: {  	_ =	shalt  }
0x82: {  	_ =	shalt  }
0x83: {  	_ =	shalt  }
0x84: {  	_ =	shalt  }
0x85: {  	_ =	shalt  }
0x86: {  	_ =	shalt  }
0x87: {  	_ =	shalt  }
.Lfunc_end0:
.L_simem_size_0:
called_computation.2_lowered:
.L_overlay_start_0:
0x88: {  	s2 =	sld [smem:$0x3FD9]  }
0x89: {  	s3 =	sld [smem:$0x3FFE];
	_ =	sdelay $0x1  }
0x8a: {  	s1 =	srdreg.scid  }
0x8b: {  	s0 =	sand.u32 $0x1, s1  }
0x8c: {  	s16 =	sshll.u32 s0, $0xA;
	s2 =	sadd.s32 s3, s2  }
0x8d: {  	s2 =	sadd.s32 s2, s16  }
0x8e: {  	[smem:$0x3FBF] =	sst s2  }
0x8f: {  	_ = 	snop  }
0x90: {  	(tm) =	ssettm $0x1  }
0x91: {  	s17 =	sld [smem:$0x3FFB];
	_ =	sdelay $0x3  }
0x92: {  	_ =	strace s17  }
0x93: {  	s2 =	sld [smem:$0x3FFC];
	_ =	sdelay $0x3  }
0x94: {  	_ =	strace s2  }
0x95: {  	s2 =	sld [smem:$0x3FFD];
	_ =	sdelay $0x3  }
0x96: {  	_ =	strace s2  }
0x97: {  	_ =	strace $0x8FFFFFFF  }
0x98: {  	s18 =	sld [smem:$0x3FDB];
	_ =	sdelay $0x1  }
0x99: {  	s19 =	simm.s32 $_scs_section_size  }
0x9a: {  	s4 =	simm.s32 $_size__tile_overlayer_lowered;
	s5 =	simm.s32 $_tile_overlayer_lowered  }
0x9b: {  	s22 =	simm.s32 $0x1BFF;
	s21 =	sshll.u32 s5, $0x1;
	s2 =	sadd.s32 s19, s18  }
0x9c: {  	s6 =	simm.s32 $0x0;
	s20 =	sshll.u32 s4, $0x1;
	s4 =	sadd.s32 s21, s2  }
0x9d: {  	[timem:s6], [sflag:s22] =	dma.local [hbm:s4], s20  }
0x9e: {  	_ =	swait.ge [sflag:s22], s20  }
0x9f: {  	s3 =	ssub.s32 $0x0, s20;
	[sflag:s22] =	ssyncset.done $0x0  }
0xa0: {  	[sflag:s22] =	ssyncadd.s32 s3;
	_ =	sdelay $0x1  }
0xa1: {  	s23 =	simm.s32 $0x1B8B  }
0xa2: {  	_ =	swait.ge [sflag:s23], $0x1  }
0xa3: {  	[sflag:s23] =	ssyncset.done $0x0  }
0xa4: {  	s25 =	simm.s32 $0x1B8E;
	s24 =	sld [smem:$0x3FFE];
	[sflag:s23] =	ssyncadd.s32 $0xFFFFFFFF  }
0xa5: {  	s26 =	simm.s32 $execute0_lowered;
	[smem:$0x3FD2] =	sst s25  }
0xa6: {  	s4 =	sshll.u32 s26, $0x1;
	_ =	strace $0x8000004C;
	[dreg:$0x1] =	wrdreg $0xFFFFFFFF  }
0xa7: {  	s28 =	simm.s32 $_size_execute0_lowered;
	s2 =	sadd.s32 s2, s4;
	[dreg:$0x0] =	wrdreg $0x0  }
0xa8: {  	s4 =	sshll.u32 s28, $0x1;
	[dreg:$0x2] =	wrdreg s2  }
0xa9: {  	[dreg:$0x3] =	wrdreg s4  }
0xaa: {  	[dreg:$0x4] =	wrdreg $0xC0  }
0xab: {  	_ =	task [dreg:s6], $0x5FFFF  }
0xac: {  	[dreg:$0x1] =	wrdreg $0xFFFFFFFF  }
0xad: {  	[dreg:$0x0] =	wrdreg $0x60  }
0xae: {  	[dreg:$0x2] =	wrdreg s24  }
0xaf: {  	[dreg:$0x3] =	wrdreg $0xA8000  }
0xb0: {  	[dreg:$0x4] =	wrdreg $0x9  }
0xb1: {  	_ =	task.clear_ibuf [dreg:s6], $0x5FFFF;
	_ =	strace $0x9000004C  }
0xb2: {  	s29 =	simm.s32 $0x9;
	_ =	strace $0x8000004E  }
0xb3: {  	_ =	swait.ge [sflag:s29], $0x1  }
0xb4: {  	[sflag:s29] =	ssyncadd.s32 $0xFFFFFFFF  }
0xb5: {  	_ =	strace $0x9000004E  }
0xb6: {  	_ =	sfence  }
0xb7: {  	s30 =	sld [smem:$0x0];
	_ =	sdelay $0x2  }
0xb8: {  	s31 =	sshll.u32 s1, $0xD;
	s1 =	sshrl.u32 s1, $0x2  }
0xb9: {  	s3 =	sand.u32 $0x4000, s31;
	s1 =	sadd.s32 s1, s30  }
0xba: {  	s0 =	sor.u32 s3, s0;
	s1 =	sshll.u32 s1, $0x11  }
0xbb: {  	s0 =	sor.u32 s1, s0  }
0xbc: {  	s0 =	sadd.s32 $0x8F2B, s0  }
0xbd: {  	[sflag:s0] =	ssyncadd.remote.s32 $0x1  }
0xbe: {  	_ =	sfence.sel $0xFFFF  }
0xbf: {  	[dreg:$0x0] =	wrdreg $0xFFFFFFFF;
	(pc) =	sbr.abs _section_cstart, $3  }
0xc0: {  	[dreg:$0x1] =	wrdreg $0xFFFFFFFF  }
0xc1: {  	_ =	task.clear_ibuf [dreg:s6], $0x2FFFF;
	_ =	strace $0x9FFFFFFF  }
0xc2: {  	(tm) =	ssettm $0x7FFFFFFF  }
0xc3: {  	_ =	shalt  }
tec
execute0_lowered:
.L_overlay_start_1:
0x0: {  	(tag) =	ssettag $0x1  }
0x1: {  	s5 =	rddreg [dreg:$0x0]  }
0x2: {  	s0 =	srdreg.scid;
	s2 =	rddreg [dreg:$0x1]  }
0x3: {  	s1 =	stileid.u32;
	s3 =	simm.s32 $0x0;
	s18 =	simm.s32 $0x3  }
0x4: {  	s19 =	simm.s32 $0x1400;
	s20 =	simm.s32 $0x7D;
	s21 =	simm.s32 $0x6800  }
0x5: {  	s22 =	simm.s32 $0x1;
	s23 =	simm.s32 $0x2;
	s24 =	simm.s32 $0x1380  }
0x6: {  	s25 =	simm.s32 $0x2700;
	s26 =	simm.s32 $0x2780;
	s7 =	smul.u32 $0x14000, s1  }
0x7: {  	s6 =	sand.u32 $0x1, s0;
	[smem:$0x7FF] =	sst s3;
	s8 =	smul.u32 $0x50000, s1  }
0x8: {  	s13 =	sadd.s32 $0x26000, s5;
	s14 =	sadd.s32 $0x1C000, s5;
	s4 =	smul.u32 $0x140000, s6  }
0x9: {  	_ =	strace $0x8000004D;
	s28 =	sshll.u32 s6, $0x4;
	s6 =	ssub.s32 $0x2, s6  }
0xa: {  	s29 =	sor.u32 s1, s28;
	s30 =	sshrl.u32 s8, $0x2;
	s31 =	sshrl.u32 s6, $0x1  }
0xb: {  	s4 =	sadd.s32 s7, s4;
	s10 =	smul.u32 $0x2800, s29;
	s16 =	ssub.s32 s6, s31  }
0xc: {  	s7 =	sshrl.u32 s4, $0x3;
	s4 =	sadd.s32 $0x30000, s5;
	s16 =	smax.u32 s16, $0x1  }
0xd: {  	s15 =	sadd.s32 s7, s5;
	s5 =	sadd.s32 s30, s2;
	s12 =	sshrl.u32 s10, $0x3  }
0xe: {  	s6 =	sadd.s32 $0x3E80, s5;
	s7 =	sadd.s32 $0x7D00, s5;
	s8 =	sadd.s32 $0xBB80, s5  }
0xf: {  	s9 =	sadd.s32 $0xFA00, s5;
	s10 =	sadd.s32 $0x13880, s5;
	s11 =	sadd.s32 s13, s12  }
0x10: {  	s17 =	sadd.s32 $0x280, s12;
	s12 =	sadd.s32 s14, s12;
	s15 =	sadd.s32 $0x58000, s15  }
0x11: {  	v0 =	vimm.f32 $0.0e+00;
	s13 =	sadd.s32 s13, s17;
	s14 =	sadd.s32 s14, s17;
	s17 =	simm.s32 $0x2800  }
.LBB2_1:
0x12: {  	s28 =	simm.s32 $0x0;
	s29 =	simm.s32 $0x200  }
.LBB2_2:
0x13: {  	p0 =	sne.s32 s29, $0xF800;
	[tilespmem:s28+$0x2870] =	vst v0  }
0x14: {  	[tilespmem:s28+$0x2800] =	vst v0  }
0x15: {  	[tilespmem:s28+$0x2810] =	vst v0  }
.Ltmp0:
0x16: {  	[tilespmem:s28+$0x2820] =	vst v0;
	(pc) =	sbr.rel @p0 .LBB2_2-.Ltmp0, $4  }
0x17: {  	[tilespmem:s28+$0x2830] =	vst v0  }
0x18: {  	[tilespmem:s28+$0x2840] =	vst v0  }
0x19: {  	[tilespmem:s28+$0x2850] =	vst v0  }
0x1a: {  	[tilespmem:s28+$0x2860] =	vst v0;
	s28 =	sshra.s32 s29, $0x2;
	s29 =	sadd.s32 $0x200, s29  }
0x1b: {  	[tilespmem:s28+$0x2870] =	vst v0  }
0x1c: {  	[tilespmem:s28+$0x2800] =	vst v0  }
0x1d: {  	[tilespmem:s28+$0x2810] =	vst v0  }
0x1e: {  	[tilespmem:s28+$0x2820] =	vst v0  }
0x1f: {  	[tilespmem:s28+$0x2830] =	vst v0  }
0x20: {  	[tilespmem:s28+$0x2840] =	vst v0  }
0x21: {  	[tilespmem:s28+$0x2850] =	vst v0  }
0x22: {  	[tilespmem:s28+$0x2860] =	vst v0  }
0x23: {  	[spmem:s5] =	stream.linear.scatter [tilespmem:s17], [sflag:$0x3], $0x3E80, $0x38;
	[tilespmem:$0x1E800] =	vst v63  }
0x24: {  	_ =	swait.ge [sflag:s18], $0x3E80  }
0x25: {  	[sflag:s18] =	ssyncset.done $0x0  }
0x26: {  	[sflag:s18] =	ssyncadd.s32 $0xFFFFC180  }
0x27: {  	[spmem:s6] =	stream.linear.scatter [tilespmem:s17], [sflag:$0x3], $0x3E80, $0x38;
	[tilespmem:$0x1E800] =	vst v63  }
0x28: {  	_ =	swait.ge [sflag:s18], $0x3E80  }
0x29: {  	[sflag:s18] =	ssyncset.done $0x0  }
0x2a: {  	[sflag:s18] =	ssyncadd.s32 $0xFFFFC180  }
0x2b: {  	[spmem:s7] =	stream.linear.scatter [tilespmem:s17], [sflag:$0x3], $0x3E80, $0x38;
	[tilespmem:$0x1E800] =	vst v63  }
0x2c: {  	_ =	swait.ge [sflag:s18], $0x3E80  }
0x2d: {  	[sflag:s18] =	ssyncset.done $0x0  }
0x2e: {  	[sflag:s18] =	ssyncadd.s32 $0xFFFFC180  }
0x2f: {  	[spmem:s8] =	stream.linear.scatter [tilespmem:s17], [sflag:$0x3], $0x3E80, $0x38;
	[tilespmem:$0x1E800] =	vst v63  }
0x30: {  	_ =	swait.ge [sflag:s18], $0x3E80  }
0x31: {  	[sflag:s18] =	ssyncset.done $0x0  }
0x32: {  	[sflag:s18] =	ssyncadd.s32 $0xFFFFC180  }
0x33: {  	[spmem:s9] =	stream.linear.scatter [tilespmem:s17], [sflag:$0x3], $0x3E80, $0x38;
	[tilespmem:$0x1E800] =	vst v63  }
0x34: {  	_ =	swait.ge [sflag:s18], $0x3E80  }
0x35: {  	[sflag:s18] =	ssyncset.done $0x0  }
0x36: {  	[sflag:s18] =	ssyncadd.s32 $0xFFFFC180  }
0x37: {  	[spmem:s10] =	stream.linear.scatter [tilespmem:s17], [sflag:$0x3], $0x780, $0x38;
	[tilespmem:$0x1E800] =	vst v63  }
0x38: {  	_ =	swait.ge [sflag:s18], $0x780  }
0x39: {  	[sflag:s18] =	ssyncset.done $0x0  }
0x3a: {  	[sflag:s18] =	ssyncadd.s32 $0xFFFFF880  }
0x3b: {  	s28 =	simm.s32 $0x0;
	[bflag:$0x0] =	sbarrier.arrive $0xFFFF  }
0x3c: {  	[tilespmem:s28], [sflag:$0x3] =	stream.linear.gather [hbm4b:s11+s28], $0x1400, $0x38;
	[tilespmem:$0x1E800] =	vst v63  }
0x3d: {  	_ =	swait.ge [sflag:s18], $0x1400  }
0x3e: {  	[sflag:s18] =	ssyncset.done $0x0  }
0x3f: {  	[sflag:s18] =	ssyncadd.s32 $0xFFFFEC00  }
0x40: {  	[tilespmem:s19], [sflag:$0x3] =	stream.linear.gather [hbm4b:s12+s28], $0x1400, $0x38;
	[tilespmem:$0x1E800] =	vst v63  }
0x41: {  	_ =	swait.ge [sflag:s18], $0x1400  }
0x42: {  	[sflag:s18] =	ssyncset.done $0x0  }
0x43: {  	[sflag:s18] =	ssyncadd.s32 $0xFFFFEC00  }
0x44: {  	[tilespmem:s17], [sflag:$0x1] =	stream.indirect.gather [hbm4b:s4+s20], $0x80, s28, s20, $0xb8;
	[tilespmem:$0x1E800] =	vst v63  }
0x45: {  	s28 =	simm.s32 $0x80  }
0x46: {  	[tilespmem:s21], [sflag:$0x2] =	stream.indirect.gather [hbm4b:s4+s20], $0x80, s28, s20, $0xb8;
	[tilespmem:$0x1E800] =	vst v63  }
0x47: {  	_ =	swait.ge [sflag:s22], $0x3E80  }
0x48: {  	[sflag:s22] =	ssyncset.done $0x0  }
0x49: {  	s28 =	simm.s32 $0x1400;
	[sflag:s22] =	ssyncadd.s32 $0xFFFFC180  }
0x4a: {  	[spmem:s2] =	stream.indirect.scatter.add.f32 [tilespmem:s17], [sflag:$0x3], $0x80, s28, s20, $0xb8;
	[tilespmem:$0x1E800] =	vst v63  }
0x4b: {  	_ =	swait.ge [sflag:s18], $0x3E80  }
0x4c: {  	[sflag:s18] =	ssyncset.done $0x0  }
0x4d: {  	s28 =	simm.s32 $0x100;
	[sflag:s18] =	ssyncadd.s32 $0xFFFFC180  }
0x4e: {  	[tilespmem:s17], [sflag:$0x1] =	stream.indirect.gather [hbm4b:s4+s20], $0x80, s28, s20, $0xb8;
	[tilespmem:$0x1E800] =	vst v63  }
0x4f: {  	_ =	swait.ge [sflag:s23], $0x3E80  }
0x50: {  	[sflag:s23] =	ssyncset.done $0x0  }
0x51: {  	s28 =	simm.s32 $0x1480;
	[sflag:s23] =	ssyncadd.s32 $0xFFFFC180  }
0x52: {  	[spmem:s2] =	stream.indirect.scatter.add.f32 [tilespmem:s21], [sflag:$0x3], $0x80, s28, s20, $0xb8;
	[tilespmem:$0x1E800] =	vst v63  }
0x53: {  	_ =	swait.ge [sflag:s18], $0x3E80  }
0x54: {  	s29 =	simm.s32 $0x800;
	s28 =	simm.s32 $0x100;
	[sflag:s18] =	ssyncset.done $0x0  }
.LBB2_4:
0x55: {  	s30 =	sadd.s32 $0x80, s28  }
0x56: {  	[sflag:s18] =	ssyncadd.s32 $0xFFFFC180;
	s31 =	smov.u32 s29;
	s0 =	sadd.s32 $0x400, s29  }
0x57: {  	[tilespmem:s21], [sflag:$0x2] =	stream.indirect.gather [hbm4b:s4+s20], $0x80, s30, s20, $0xb8;
	[tilespmem:$0x1E800] =	vst v63  }
0x58: {  	p0 =	sne.s32 s29, $0x4800;
	_ =	swait.ge [sflag:s22], $0x3E80  }
0x59: {  	[sflag:s22] =	ssyncset.done $0x0  }
0x5a: {  	s29 =	sadd.s32 $0x1400, s28;
	[sflag:s22] =	ssyncadd.s32 $0xFFFFC180  }
0x5b: {  	[spmem:s2] =	stream.indirect.scatter.add.f32 [tilespmem:s17], [sflag:$0x3], $0x80, s29, s20, $0xb8;
	[tilespmem:$0x1E800] =	vst v63  }
0x5c: {  	_ =	swait.ge [sflag:s18], $0x3E80  }
0x5d: {  	[sflag:s18] =	ssyncset.done $0x0  }
0x5e: {  	s29 =	sadd.s32 $0x100, s28;
	[sflag:s18] =	ssyncadd.s32 $0xFFFFC180  }
0x5f: {  	[tilespmem:s17], [sflag:$0x1] =	stream.indirect.gather [hbm4b:s4+s20], $0x80, s29, s20, $0xb8;
	[tilespmem:$0x1E800] =	vst v63  }
0x60: {  	_ =	swait.ge [sflag:s23], $0x3E80  }
.Ltmp1:
0x61: {  	[sflag:s23] =	ssyncset.done $0x0;
	(pc) =	sbr.rel @p0 .LBB2_4-.Ltmp1, $4  }
0x62: {  	s28 =	sadd.s32 $0x1480, s28;
	[sflag:s23] =	ssyncadd.s32 $0xFFFFC180  }
0x63: {  	[spmem:s2] =	stream.indirect.scatter.add.f32 [tilespmem:s21], [sflag:$0x3], $0x80, s28, s20, $0xb8;
	[tilespmem:$0x1E800] =	vst v63  }
0x64: {  	_ =	swait.ge [sflag:s18], $0x3E80  }
0x65: {  	s29 =	smov.u32 s0;
	s28 =	sshra.s32 s31, $0x2;
	[sflag:s18] =	ssyncset.done $0x0  }
0x66: {  	s0 =	sadd.s32 $0x80, s28;
	[sflag:s18] =	ssyncadd.s32 $0xFFFFC180  }
0x67: {  	[tilespmem:s21], [sflag:$0x2] =	stream.indirect.gather [hbm4b:s4+s20], $0x80, s0, s20, $0xb8;
	[tilespmem:$0x1E800] =	vst v63  }
0x68: {  	_ =	swait.ge [sflag:s22], $0x3E80  }
0x69: {  	[sflag:s22] =	ssyncset.done $0x0  }
0x6a: {  	s30 =	sadd.s32 $0x1400, s28;
	[sflag:s22] =	ssyncadd.s32 $0xFFFFC180  }
0x6b: {  	[spmem:s2] =	stream.indirect.scatter.add.f32 [tilespmem:s17], [sflag:$0x3], $0x80, s30, s20, $0xb8;
	[tilespmem:$0x1E800] =	vst v63  }
0x6c: {  	_ =	swait.ge [sflag:s18], $0x3E80  }
0x6d: {  	[sflag:s18] =	ssyncset.done $0x0  }
0x6e: {  	s31 =	sadd.s32 $0x100, s28;
	[sflag:s18] =	ssyncadd.s32 $0xFFFFC180  }
0x6f: {  	[tilespmem:s17], [sflag:$0x1] =	stream.indirect.gather [hbm4b:s4+s20], $0x80, s31, s20, $0xb8;
	[tilespmem:$0x1E800] =	vst v63  }
0x70: {  	_ =	swait.ge [sflag:s23], $0x3E80  }
0x71: {  	[sflag:s23] =	ssyncset.done $0x0  }
0x72: {  	s30 =	sadd.s32 $0x1480, s28;
	[sflag:s23] =	ssyncadd.s32 $0xFFFFC180  }
0x73: {  	[spmem:s2] =	stream.indirect.scatter.add.f32 [tilespmem:s21], [sflag:$0x3], $0x80, s30, s20, $0xb8;
	[tilespmem:$0x1E800] =	vst v63  }
0x74: {  	_ =	swait.ge [sflag:s18], $0x3E80  }
0x75: {  	[sflag:s18] =	ssyncset.done $0x0  }
0x76: {  	[sflag:s18] =	ssyncadd.s32 $0xFFFFC180  }
0x77: {  	[tilespmem:s21], [sflag:$0x2] =	stream.indirect.gather [hbm4b:s4+s20], $0x80, s24, s20, $0xb8;
	[tilespmem:$0x1E800] =	vst v63  }
0x78: {  	_ =	swait.ge [sflag:s22], $0x3E80  }
0x79: {  	[sflag:s22] =	ssyncset.done $0x0  }
0x7a: {  	[sflag:s22] =	ssyncadd.s32 $0xFFFFC180  }
0x7b: {  	[spmem:s2] =	stream.indirect.scatter.add.f32 [tilespmem:s17], [sflag:$0x3], $0x80, s25, s20, $0xb8;
	[tilespmem:$0x1E800] =	vst v63  }
0x7c: {  	_ =	swait.ge [sflag:s18], $0x3E80  }
0x7d: {  	[sflag:s18] =	ssyncset.done $0x0  }
0x7e: {  	[sflag:s18] =	ssyncadd.s32 $0xFFFFC180  }
0x7f: {  	_ =	swait.ge [sflag:s23], $0x3E80  }
0x80: {  	[sflag:s23] =	ssyncset.done $0x0  }
0x81: {  	[sflag:s23] =	ssyncadd.s32 $0xFFFFC180  }
0x82: {  	[spmem:s2] =	stream.indirect.scatter.add.f32 [tilespmem:s21], [sflag:$0x3], $0x80, s26, s20, $0xb8;
	[tilespmem:$0x1E800] =	vst v63  }
0x83: {  	_ =	swait.ge [sflag:s18], $0x3E80  }
0x84: {  	[sflag:s18] =	ssyncset.done $0x0  }
0x85: {  	s31 =	simm.s32 $0x0;
	[sflag:s18] =	ssyncadd.s32 $0xFFFFC180  }
0x86: {  	[tilespmem:s31], [sflag:$0x3] =	stream.linear.gather [hbm4b:s13+s31], $0x1400, $0x38;
	[tilespmem:$0x1E800] =	vst v63  }
0x87: {  	_ =	swait.ge [sflag:s18], $0x1400  }
0x88: {  	[sflag:s18] =	ssyncset.done $0x0  }
0x89: {  	[sflag:s18] =	ssyncadd.s32 $0xFFFFEC00  }
0x8a: {  	[tilespmem:s19], [sflag:$0x3] =	stream.linear.gather [hbm4b:s14+s31], $0x1400, $0x38;
	[tilespmem:$0x1E800] =	vst v63  }
0x8b: {  	_ =	swait.ge [sflag:s18], $0x1400  }
0x8c: {  	[sflag:s18] =	ssyncset.done $0x0  }
0x8d: {  	[sflag:s18] =	ssyncadd.s32 $0xFFFFEC00  }
0x8e: {  	[tilespmem:s17], [sflag:$0x1] =	stream.indirect.gather [hbm4b:s4+s20], $0x80, s31, s20, $0xb8;
	[tilespmem:$0x1E800] =	vst v63  }
0x8f: {  	s30 =	simm.s32 $0x80  }
0x90: {  	[tilespmem:s21], [sflag:$0x2] =	stream.indirect.gather [hbm4b:s4+s20], $0x80, s30, s20, $0xb8;
	[tilespmem:$0x1E800] =	vst v63  }
0x91: {  	_ =	swait.ge [sflag:s22], $0x3E80  }
0x92: {  	[sflag:s22] =	ssyncset.done $0x0  }
0x93: {  	s31 =	simm.s32 $0x1400;
	[sflag:s22] =	ssyncadd.s32 $0xFFFFC180  }
0x94: {  	[spmem:s2] =	stream.indirect.scatter.add.f32 [tilespmem:s17], [sflag:$0x3], $0x80, s31, s20, $0xb8;
	[tilespmem:$0x1E800] =	vst v63  }
0x95: {  	_ =	swait.ge [sflag:s18], $0x3E80  }
0x96: {  	[sflag:s18] =	ssyncset.done $0x0  }
0x97: {  	s30 =	simm.s32 $0x100;
	[sflag:s18] =	ssyncadd.s32 $0xFFFFC180  }
0x98: {  	[tilespmem:s17], [sflag:$0x1] =	stream.indirect.gather [hbm4b:s4+s20], $0x80, s30, s20, $0xb8;
	[tilespmem:$0x1E800] =	vst v63  }
0x99: {  	_ =	swait.ge [sflag:s23], $0x3E80  }
0x9a: {  	[sflag:s23] =	ssyncset.done $0x0  }
0x9b: {  	s31 =	simm.s32 $0x1480;
	[sflag:s23] =	ssyncadd.s32 $0xFFFFC180  }
0x9c: {  	[spmem:s2] =	stream.indirect.scatter.add.f32 [tilespmem:s21], [sflag:$0x3], $0x80, s31, s20, $0xb8;
	[tilespmem:$0x1E800] =	vst v63  }
0x9d: {  	_ =	swait.ge [sflag:s18], $0x3E80  }
0x9e: {  	s29 =	simm.s32 $0x800;
	s28 =	simm.s32 $0x100;
	[sflag:s18] =	ssyncset.done $0x0  }
.LBB2_6:
0x9f: {  	s0 =	sadd.s32 $0x80, s28  }
0xa0: {  	[sflag:s18] =	ssyncadd.s32 $0xFFFFC180;
	s30 =	smov.u32 s29;
	s31 =	sadd.s32 $0x400, s29  }
0xa1: {  	[tilespmem:s21], [sflag:$0x2] =	stream.indirect.gather [hbm4b:s4+s20], $0x80, s0, s20, $0xb8;
	[tilespmem:$0x1E800] =	vst v63  }
0xa2: {  	p0 =	sne.s32 s29, $0x4800;
	_ =	swait.ge [sflag:s22], $0x3E80  }
0xa3: {  	[sflag:s22] =	ssyncset.done $0x0  }
0xa4: {  	s0 =	sadd.s32 $0x1400, s28;
	[sflag:s22] =	ssyncadd.s32 $0xFFFFC180  }
0xa5: {  	[spmem:s2] =	stream.indirect.scatter.add.f32 [tilespmem:s17], [sflag:$0x3], $0x80, s0, s20, $0xb8;
	[tilespmem:$0x1E800] =	vst v63  }
0xa6: {  	_ =	swait.ge [sflag:s18], $0x3E80  }
0xa7: {  	[sflag:s18] =	ssyncset.done $0x0  }
0xa8: {  	s0 =	sadd.s32 $0x100, s28;
	[sflag:s18] =	ssyncadd.s32 $0xFFFFC180  }
0xa9: {  	[tilespmem:s17], [sflag:$0x1] =	stream.indirect.gather [hbm4b:s4+s20], $0x80, s0, s20, $0xb8;
	[tilespmem:$0x1E800] =	vst v63  }
0xaa: {  	_ =	swait.ge [sflag:s23], $0x3E80  }
.Ltmp2:
0xab: {  	[sflag:s23] =	ssyncset.done $0x0;
	(pc) =	sbr.rel @p0 .LBB2_6-.Ltmp2, $4  }
0xac: {  	s0 =	sadd.s32 $0x1480, s28;
	[sflag:s23] =	ssyncadd.s32 $0xFFFFC180  }
0xad: {  	[spmem:s2] =	stream.indirect.scatter.add.f32 [tilespmem:s21], [sflag:$0x3], $0x80, s0, s20, $0xb8;
	[tilespmem:$0x1E800] =	vst v63  }
0xae: {  	_ =	swait.ge [sflag:s18], $0x3E80  }
0xaf: {  	s29 =	smov.u32 s31;
	s28 =	sshra.s32 s30, $0x2;
	[sflag:s18] =	ssyncset.done $0x0  }
0xb0: {  	s0 =	sadd.s32 $0x80, s28;
	[sflag:s18] =	ssyncadd.s32 $0xFFFFC180  }
0xb1: {  	[tilespmem:s21], [sflag:$0x2] =	stream.indirect.gather [hbm4b:s4+s20], $0x80, s0, s20, $0xb8;
	[tilespmem:$0x1E800] =	vst v63  }
0xb2: {  	_ =	swait.ge [sflag:s22], $0x3E80  }
0xb3: {  	[sflag:s22] =	ssyncset.done $0x0  }
0xb4: {  	s30 =	sadd.s32 $0x1400, s28;
	[sflag:s22] =	ssyncadd.s32 $0xFFFFC180  }
0xb5: {  	[spmem:s2] =	stream.indirect.scatter.add.f32 [tilespmem:s17], [sflag:$0x3], $0x80, s30, s20, $0xb8;
	[tilespmem:$0x1E800] =	vst v63  }
0xb6: {  	_ =	swait.ge [sflag:s18], $0x3E80  }
0xb7: {  	[sflag:s18] =	ssyncset.done $0x0  }
0xb8: {  	s31 =	sadd.s32 $0x100, s28;
	[sflag:s18] =	ssyncadd.s32 $0xFFFFC180  }
0xb9: {  	[tilespmem:s17], [sflag:$0x1] =	stream.indirect.gather [hbm4b:s4+s20], $0x80, s31, s20, $0xb8;
	[tilespmem:$0x1E800] =	vst v63  }
0xba: {  	_ =	swait.ge [sflag:s23], $0x3E80  }
0xbb: {  	[sflag:s23] =	ssyncset.done $0x0  }
0xbc: {  	s29 =	sadd.s32 $0x1480, s28;
	[sflag:s23] =	ssyncadd.s32 $0xFFFFC180  }
0xbd: {  	[spmem:s2] =	stream.indirect.scatter.add.f32 [tilespmem:s21], [sflag:$0x3], $0x80, s29, s20, $0xb8;
	[tilespmem:$0x1E800] =	vst v63  }
0xbe: {  	_ =	swait.ge [sflag:s18], $0x3E80  }
0xbf: {  	[sflag:s18] =	ssyncset.done $0x0  }
0xc0: {  	[sflag:s18] =	ssyncadd.s32 $0xFFFFC180  }
0xc1: {  	[tilespmem:s21], [sflag:$0x2] =	stream.indirect.gather [hbm4b:s4+s20], $0x80, s24, s20, $0xb8;
	[tilespmem:$0x1E800] =	vst v63  }
0xc2: {  	_ =	swait.ge [sflag:s22], $0x3E80  }
0xc3: {  	[sflag:s22] =	ssyncset.done $0x0  }
0xc4: {  	[sflag:s22] =	ssyncadd.s32 $0xFFFFC180  }
0xc5: {  	[spmem:s2] =	stream.indirect.scatter.add.f32 [tilespmem:s17], [sflag:$0x3], $0x80, s25, s20, $0xb8;
	[tilespmem:$0x1E800] =	vst v63  }
0xc6: {  	_ =	swait.ge [sflag:s18], $0x3E80  }
0xc7: {  	[sflag:s18] =	ssyncset.done $0x0  }
0xc8: {  	[sflag:s18] =	ssyncadd.s32 $0xFFFFC180  }
0xc9: {  	_ =	swait.ge [sflag:s23], $0x3E80  }
0xca: {  	[sflag:s23] =	ssyncset.done $0x0  }
0xcb: {  	[sflag:s23] =	ssyncadd.s32 $0xFFFFC180  }
0xcc: {  	[spmem:s2] =	stream.indirect.scatter.add.f32 [tilespmem:s21], [sflag:$0x3], $0x80, s26, s20, $0xb8;
	[tilespmem:$0x1E800] =	vst v63  }
0xcd: {  	_ =	swait.ge [sflag:s18], $0x3E80  }
0xce: {  	s3 =	sadd.s32 $0x1, s3;
	s30 =	sshll.u32 s1, $0x6;
	[sflag:s18] =	ssyncset.done $0x0  }
0xcf: {  	p0 =	sne.s32 s3, s16;
	s0 =	sor.u32 $0x1C03, s30;
	[sflag:s18] =	ssyncadd.s32 $0xFFFFC180  }
.Ltmp3:
0xd0: {  	s31 =	sshrl.u32 s5, $0x3;
	[bflag:$0x0] =	sbarrier.arrive $0xFFFF;
	(pc) =	sbr.rel @p0 .LBB2_1-.Ltmp3, $4  }
0xd1: {  	[hbm:s15], [sflag:s0] =	dma.local [spmem:s31], $0x2800  }
0xd2: {  	_ =	swait.ge [sflag:s18], $0x2800  }
0xd3: {  	[sflag:s18] =	ssyncset.done $0x0  }
0xd4: {  	[sflag:s18] =	ssyncadd.s32 $0xFFFFD800  }
0xd5: {  	_ =	sfence.sel $0x180000  }
0xd6: {  	[bflag:$0x0] =	sbarrier.arrive $0xFFFF  }
0xd7: {  	_ =	strace $0x9000004D  }
0xd8: {  	[bflag:$0x2] =	sbarrier.arrive $0xFFFF  }
0xd9: {  	p0 =	sne.s32 s1, $0x0;
	s0 =	rddreg [dreg:$0x2]  }
0xda: {  	s0 =	sadd.s32 @!p0 $0x100000, s0  }
0xdb: {  	[sflag:s0] =	ssyncadd.tile.s32 @!p0 $0x1;
	_ =	shalt  }
.Lfunc_end2:
_tile_overlayer_lowered:
.L_overlay_start_2:
0xdc: {  	(tag) =	ssettag $0x2  }
0xdd: {  	s0 =	rddreg [dreg:$0x0];
	s2 =	stileid.u32  }
0xde: {  	s1 =	rddreg [dreg:$0x1];
	p0 =	sne.s32 s2, $0x0  }
0xdf: {  	s3 =	rddreg [dreg:$0x2];
	[bflag:$0x3] =	sbarrier.arrive $0xFFFF;
	s2 =	simm.s32 @!p0 $0x1C03  }
0xe0: {  	[timem:s3], [sflag:s2] =	dma.local @!p0 [hbm:s0], s1  }
0xe1: {  	s0 =	simm.s32 @!p0 $0x3  }
0xe2: {  	_ =	swait.ge @!p0 [sflag:s0], s1  }
0xe3: {  	s1 =	ssub.s32 @!p0 $0x0, s1;
	[sflag:s0] =	ssyncset.done @!p0 $0x0  }
0xe4: {  	[sflag:s0] =	ssyncadd.s32 @!p0 s1  }
0xe5: {  	[bflag:$0x3] =	sbarrier.arrive $0xFFFF  }
0xe6: {  	_ =	shalt  }

// kernel: kernel.8.cloned.1.call-start
scs
__scs_entry_jumppad:
0x0: {  	(pc) =	sbr.rel $0x88, $3  }
0x1: {  	(tag) =	ssettag $0x0;
	lr =	simm.s32 $0x1  }
0x2: {  	[smem:$0x3F98] =	sst lr;
	_ =	strace $0xD0000000  }
0x3: {  	_ = 	snop  }
0x4: {  	_ = 	snop  }
0x5: {  	_ = 	snop  }
0x6: {  	_ = 	snop  }
0x7: {  	_ = 	snop  }
__scs_overlays_trampoline_lowered:
0x8: {  	[smem:$0x3FA7] =	sst s0  }
0x9: {  	[smem:$0x3FA8] =	sst s1  }
0xa: {  	[smem:$0x3FA9] =	sst s2  }
0xb: {  	[smem:$0x3FAA] =	sst s3  }
0xc: {  	[smem:$0x3FAB] =	sst s4  }
0xd: {  	[smem:$0x3FAC] =	sst s5  }
0xe: {  	[smem:$0x3FAD] =	sst s6  }
0xf: {  	[smem:$0x3FAE] =	sst s7  }
0x10: {  	[smem:$0x3FAF] =	sst s8  }
0x11: {  	[smem:$0x3FB0] =	sst s9;
	s0 =	simm.s32 @!p0 $0x0  }
0x12: {  	s1 =	sld [smem:$0x3F96];
	s0 =	simm.s32 @p0 $0x1  }
0x13: {  	[smem:$0x3FB1] =	sst s0;
	s0 =	simm.s32 @!p1 $0x0  }
0x14: {  	s2 =	sld [smem:$0x3F95];
	s0 =	simm.s32 @p1 $0x1  }
0x15: {  	[smem:$0x3FB2] =	sst s0;
	s0 =	simm.s32 @!p2 $0x0  }
0x16: {  	s3 =	sld [smem:$0x3FDB];
	s0 =	simm.s32 @p2 $0x1  }
0x17: {  	s4 =	simm.s32 $0x1BF5;
	[smem:$0x3FB4] =	sst s0  }
0x18: {  	s0 =	sld [smem:$0x3F97];
	_ =	swait.ge [sflag:s4], $0x0  }
0x19: {  	s7 =	sld [smem:$0x3F98]  }
0x1a: {  	s8 =	sadd.s32 $0xFFFFE003, lr  }
0x1b: {  	s9 =	sadd.s32 $0xFFFFFEF7, lr;
	s5 =	simm.s32 $0xFFFFFFFF;
	p2 =	slt.u32 s8, $0xFFFFF086  }
0x1c: {  	p1 =	slt.u32 s9, $0xF7A;
	s5 =	simm.s32 @!p2 $0x0  }
0x1d: {  	s5 =	simm.s32 @p1 $0x1;
	p0 =	seq.s32 s7, s2  }
0x1e: {  	s7 =	smul.u32 @!p0 $0xF7A, s2;
	p2 =	seq.s32 @!p0 s5, $0x0  }
0x1f: {  	s9 =	smul.u32 $0xF7A, s1;
	s8 =	simm.s32 @!p0 $0x1BF5;
	p2 =	por !p2, p0  }
0x20: {  	[sflag:s8] =	ssyncset.s32 @!p0 $0xFFFFF086;
	s6 =	sadd.s32 @!p0 s3, s7;
	s7 =	simm.s32 @!p0 $0x108  }
0x21: {  	s3 =	sadd.s32 s3, s9;
	s6 =	sadd.s32 @!p0 $0x88, s6;
	s7 =	simm.s32 @p2 $0x1082  }
0x22: {  	[simem:s7], [sflag:s8] =	dma.local @!p0 [hbm:s6], $0xF7A  }
0x23: {  	s9 =	sor.u32 $0xD0000000, s2;
	s6 =	simm.s32 $0x108;
	_ =	swait.ge @!p0 [sflag:s8], $0x0  }
0x24: {  	s3 =	sadd.s32 $0x88, s3;
	s6 =	simm.s32 @!p1 $0x1082;
	[sflag:s4] =	ssyncset.s32 $0xFFFFF086  }
0x25: {  	[simem:s6], [sflag:s4] =	dma.local [hbm:s3], $0xF7A  }
0x26: {  	[smem:$0x3F98] =	sst s1;
	(tag) =	ssettag s2;
	_ =	strace s9  }
0x27: {  	s1 =	sld [smem:$0x3FA8]  }
0x28: {  	s2 =	sld [smem:$0x3FA9]  }
0x29: {  	s4 =	sld [smem:$0x3FAB]  }
0x2a: {  	p0 =	seq.s32 s5, $0x0;
	s5 =	sld [smem:$0x3FAC]  }
0x2b: {  	s6 =	sld [smem:$0x3FAD]  }
0x2c: {  	s7 =	sld [smem:$0x3FAE]  }
0x2d: {  	s3 =	simm.s32 $0x108;
	s8 =	sld [smem:$0x3FAF]  }
0x2e: {  	s3 =	simm.s32 @!p0 $0x1082;
	s9 =	sld [smem:$0x3FB0]  }
0x2f: {  	lr =	sadd.s32 s0, s3;
	s0 =	sld [smem:$0x3FA7]  }
0x30: {  	s3 =	sld [smem:$0x3FAA]  }
0x31: {  	[smem:$0x3FB3] =	sst s10  }
0x32: {  	s10 =	sld [smem:$0x3FB1];
	_ =	sdelay $0x3  }
0x33: {  	p0 =	seq.s32 s10, $0x1;
	s10 =	sld [smem:$0x3FB3];
	_ =	sdelay $0x3  }
0x34: {  	[smem:$0x3FB3] =	sst s10  }
0x35: {  	s10 =	sld [smem:$0x3FB2];
	_ =	sdelay $0x3  }
0x36: {  	p1 =	seq.s32 s10, $0x1;
	s10 =	sld [smem:$0x3FB3];
	_ =	sdelay $0x3  }
0x37: {  	[smem:$0x3FB3] =	sst s10  }
0x38: {  	s10 =	sld [smem:$0x3FB4]  }
0x39: {  	_ = 	snop;
	(pc) =	sbr.ind lr, $3  }
0x3a: {  	_ = 	snop  }
0x3b: {  	_ = 	snop  }
0x3c: {  	p2 =	seq.s32 s10, $0x1;
	s10 =	sld [smem:$0x3FB3]  }
0x3d: {  	_ =	shalt  }
0x3e: {  	_ =	shalt  }
0x3f: {  	_ =	shalt  }
0x40: {  	_ =	shalt  }
0x41: {  	_ =	shalt  }
0x42: {  	_ =	shalt  }
0x43: {  	_ =	shalt  }
0x44: {  	_ =	shalt  }
0x45: {  	_ =	shalt  }
0x46: {  	_ =	shalt  }
0x47: {  	_ =	shalt  }
0x48: {  	_ =	shalt  }
0x49: {  	_ =	shalt  }
0x4a: {  	_ =	shalt  }
0x4b: {  	_ =	shalt  }
0x4c: {  	_ =	shalt  }
0x4d: {  	_ =	shalt  }
0x4e: {  	_ =	shalt  }
0x4f: {  	_ =	shalt  }
0x50: {  	_ =	shalt  }
0x51: {  	_ =	shalt  }
0x52: {  	_ =	shalt  }
0x53: {  	_ =	shalt  }
0x54: {  	_ =	shalt  }
0x55: {  	_ =	shalt  }
0x56: {  	_ =	shalt  }
0x57: {  	_ =	shalt  }
0x58: {  	_ =	shalt  }
0x59: {  	_ =	shalt  }
0x5a: {  	_ =	shalt  }
0x5b: {  	_ =	shalt  }
0x5c: {  	_ =	shalt  }
0x5d: {  	_ =	shalt  }
0x5e: {  	_ =	shalt  }
0x5f: {  	_ =	shalt  }
0x60: {  	_ =	shalt  }
0x61: {  	_ =	shalt  }
0x62: {  	_ =	shalt  }
0x63: {  	_ =	shalt  }
0x64: {  	_ =	shalt  }
0x65: {  	_ =	shalt  }
0x66: {  	_ =	shalt  }
0x67: {  	_ =	shalt  }
0x68: {  	_ =	shalt  }
0x69: {  	_ =	shalt  }
0x6a: {  	_ =	shalt  }
0x6b: {  	_ =	shalt  }
0x6c: {  	_ =	shalt  }
0x6d: {  	_ =	shalt  }
0x6e: {  	_ =	shalt  }
0x6f: {  	_ =	shalt  }
0x70: {  	_ =	shalt  }
0x71: {  	_ =	shalt  }
0x72: {  	_ =	shalt  }
0x73: {  	_ =	shalt  }
0x74: {  	_ =	shalt  }
0x75: {  	_ =	shalt  }
0x76: {  	_ =	shalt  }
0x77: {  	_ =	shalt  }
0x78: {  	_ =	shalt  }
0x79: {  	_ =	shalt  }
0x7a: {  	_ =	shalt  }
0x7b: {  	_ =	shalt  }
0x7c: {  	_ =	shalt  }
0x7d: {  	_ =	shalt  }
0x7e: {  	_ =	shalt  }
0x7f: {  	_ =	shalt  }
0x80: {  	_ =	shalt  }
0x81: {  	_ =	shalt  }
0x82: {  	_ =	shalt  }
0x83: {  	_ =	shalt  }
0x84: {  	_ =	shalt  }
0x85: {  	_ =	shalt  }
0x86: {  	_ =	shalt  }
0x87: {  	_ =	shalt  }
.Lfunc_end0:
.L_simem_size_0:
called_computation_lowered:
.L_overlay_start_0:
0x88: {  	s2 =	sld [smem:$0x3FD9]  }
0x89: {  	s3 =	sld [smem:$0x3FFE];
	_ =	sdelay $0x1  }
0x8a: {  	s1 =	srdreg.scid  }
0x8b: {  	s0 =	sand.u32 $0x1, s1  }
0x8c: {  	s16 =	sshll.u32 s0, $0xA;
	s2 =	sadd.s32 s3, s2  }
0x8d: {  	s2 =	sadd.s32 s2, s16  }
0x8e: {  	[smem:$0x3FBF] =	sst s2  }
0x8f: {  	_ = 	snop  }
0x90: {  	(tm) =	ssettm $0x1  }
0x91: {  	s17 =	sld [smem:$0x3FFB];
	_ =	sdelay $0x3  }
0x92: {  	_ =	strace s17  }
0x93: {  	s2 =	sld [smem:$0x3FFC];
	_ =	sdelay $0x3  }
0x94: {  	_ =	strace s2  }
0x95: {  	s2 =	sld [smem:$0x3FFD];
	_ =	sdelay $0x3  }
0x96: {  	_ =	strace s2  }
0x97: {  	_ =	strace $0x8FFFFFFF  }
0x98: {  	s18 =	sld [smem:$0x3FDB];
	_ =	sdelay $0x1  }
0x99: {  	s19 =	simm.s32 $_scs_section_size  }
0x9a: {  	s4 =	simm.s32 $_size__tile_overlayer_lowered;
	s5 =	simm.s32 $_tile_overlayer_lowered  }
0x9b: {  	s22 =	simm.s32 $0x1BFF;
	s21 =	sshll.u32 s5, $0x1;
	s2 =	sadd.s32 s19, s18  }
0x9c: {  	s6 =	simm.s32 $0x0;
	s20 =	sshll.u32 s4, $0x1;
	s4 =	sadd.s32 s21, s2  }
0x9d: {  	[timem:s6], [sflag:s22] =	dma.local [hbm:s4], s20  }
0x9e: {  	_ =	swait.ge [sflag:s22], s20  }
0x9f: {  	s3 =	ssub.s32 $0x0, s20;
	[sflag:s22] =	ssyncset.done $0x0  }
0xa0: {  	[sflag:s22] =	ssyncadd.s32 s3;
	_ =	sdelay $0x1  }
0xa1: {  	s23 =	simm.s32 $0x1B8B  }
0xa2: {  	_ =	swait.ge [sflag:s23], $0x1  }
0xa3: {  	[sflag:s23] =	ssyncset.done $0x0  }
0xa4: {  	s25 =	simm.s32 $0x1B8E;
	s24 =	sld [smem:$0x3FFE];
	[sflag:s23] =	ssyncadd.s32 $0xFFFFFFFF  }
0xa5: {  	s26 =	simm.s32 $execute0_lowered;
	[smem:$0x3FD2] =	sst s25  }
0xa6: {  	s4 =	sshll.u32 s26, $0x1;
	_ =	strace $0x80000046;
	[dreg:$0x1] =	wrdreg $0xFFFFFFFF  }
0xa7: {  	s28 =	simm.s32 $_size_execute0_lowered;
	s2 =	sadd.s32 s2, s4;
	[dreg:$0x0] =	wrdreg $0x0  }
0xa8: {  	s4 =	sshll.u32 s28, $0x1;
	[dreg:$0x2] =	wrdreg s2  }
0xa9: {  	[dreg:$0x3] =	wrdreg s4  }
0xaa: {  	[dreg:$0x4] =	wrdreg $0xC0  }
0xab: {  	_ =	task [dreg:s6], $0x5FFFF  }
0xac: {  	[dreg:$0x1] =	wrdreg $0xFFFFFFFF  }
0xad: {  	[dreg:$0x0] =	wrdreg $0x60  }
0xae: {  	[dreg:$0x2] =	wrdreg s24  }
0xaf: {  	[dreg:$0x3] =	wrdreg $0x9  }
0xb0: {  	_ =	task.clear_ibuf [dreg:s6], $0x4FFFF;
	_ =	strace $0x90000046  }
0xb1: {  	s29 =	simm.s32 $0x9;
	_ =	strace $0x80000048  }
0xb2: {  	_ =	swait.ge [sflag:s29], $0x1  }
0xb3: {  	[sflag:s29] =	ssyncadd.s32 $0xFFFFFFFF  }
0xb4: {  	_ =	strace $0x90000048  }
0xb5: {  	_ =	sfence  }
0xb6: {  	s30 =	sld [smem:$0x0];
	_ =	sdelay $0x2  }
0xb7: {  	s31 =	sshll.u32 s1, $0xD;
	s1 =	sshrl.u32 s1, $0x2  }
0xb8: {  	s3 =	sand.u32 $0x4000, s31;
	s1 =	sadd.s32 s1, s30  }
0xb9: {  	s0 =	sor.u32 s3, s0;
	s1 =	sshll.u32 s1, $0x11  }
0xba: {  	s0 =	sor.u32 s1, s0  }
0xbb: {  	s0 =	sadd.s32 $0x8F2B, s0  }
0xbc: {  	[sflag:s0] =	ssyncadd.remote.s32 $0x1  }
0xbd: {  	_ =	sfence.sel $0xFFFF  }
0xbe: {  	[dreg:$0x0] =	wrdreg $0xFFFFFFFF;
	(pc) =	sbr.abs _section_cstart, $3  }
0xbf: {  	[dreg:$0x1] =	wrdreg $0xFFFFFFFF  }
0xc0: {  	_ =	task.clear_ibuf [dreg:s6], $0x2FFFF;
	_ =	strace $0x9FFFFFFF  }
0xc1: {  	(tm) =	ssettm $0x7FFFFFFF  }
tec
execute0_lowered:
.L_overlay_start_1:
0x0: {  	(tag) =	ssettag $0x1  }
0x1: {  	s1 =	srdreg.scid;
	s0 =	stileid.u32  }
0x2: {  	s4 =	rddreg [dreg:$0x0];
	s2 =	simm.s32 $0x0;
	s9 =	simm.s32 $0x400  }
0x3: {  	s10 =	simm.s32 $0x0;
	s3 =	sand.u32 $0x1, s1;
	s1 =	rddreg [dreg:$0x1]  }
0x4: {  	s6 =	sshrl.u32 s0, $0x3;
	[smem:$0x7FF] =	sst s2;
	s5 =	smul.u32 $0x28000, s3  }
0x5: {  	s7 =	sshll.u32 s0, $0x7;
	s8 =	sshll.u32 s0, $0xB;
	s6 =	smul.u32 $0x14000, s6  }
0x6: {  	s28 =	sand.u32 $0x380, s7;
	_ =	strace $0x80000047;
	s29 =	sadd.s32 s8, s4  }
0x7: {  	s30 =	ssub.s32 $0x2, s3;
	s3 =	sshll.u32 s3, $0xF;
	s5 =	sadd.s32 s5, s6  }
0x8: {  	s7 =	simm.s32 $0x4000;
	s8 =	simm.s32 $0x80;
	s5 =	sor.u32 s28, s5  }
0x9: {  	s31 =	sshrl.u32 s30, $0x1;
	s3 =	sadd.s32 s3, s29;
	s5 =	sshrl.u32 s5, $0x3  }
0xa: {  	s3 =	sadd.s32 $0x2000, s3;
	s4 =	sadd.s32 s5, s4;
	s5 =	ssub.s32 s30, s31  }
0xb: {  	v0 =	vimm.f32 $0.0e+00;
	v1 =	vimm.f32 $1.000000000e+00;
	s6 =	simm.s32 $0x1;
	s4 =	sadd.s32 $0x12000, s4;
	s5 =	smax.u32 s5, $0x1  }
.LBB2_1:
0xc: {  	[tilespmem:s2], [sflag:$0x1] =	stream.linear.gather [hbm4b:s3+s2], $0x3E80, $0x38;
	[tilespmem:$0x6800] =	vst v63  }
0xd: {  	_ =	swait.ge [sflag:s6], $0x3E80  }
0xe: {  	[sflag:s6] =	ssyncset.done $0x0  }
0xf: {  	s11 =	simm.s32 $0x0;
	[sflag:s6] =	ssyncadd.s32 $0xFFFFC180  }
.LBB2_2:
0x10: {  	p0 =	sne.s32 s11, $0x9FC0  }
.Ltmp0:
0x11: {  	_ = 	snop;
	(pc) =	sbr.rel @p0 .LBB2_2-.Ltmp0, $3  }
0x12: {  	_ =	sdelay $0x1  }
0x13: {  	s12 =	sshra.s32 s11, $0x2  }
0x14: {  	s11 =	sadd.s32 $0x40, s11;
	[tilespmem:s12+$0x4000] =	vst v0  }
0x15: {  	s11 =	simm.s32 $0x0  }
.LBB2_4:
0x16: {  	s12 =	sshra.s32 s11, $0x2  }
0x17: {  	v2 =	vld [tilespmem:s12+$0x0];
	_ =	sdelay $0x7  }
0x18: {  	[tilespmem:v2+s7+$0x0] =	vst.idx.add.f32.msk $0xffff, v1  }
0x19: {  	v2 =	vld [tilespmem:s12+$0x10];
	_ =	sdelay $0x7  }
0x1a: {  	[tilespmem:v2+s7+$0x0] =	vst.idx.add.f32.msk $0xffff, v1  }
0x1b: {  	v2 =	vld [tilespmem:s12+$0x20];
	_ =	sdelay $0x7  }
0x1c: {  	[tilespmem:v2+s7+$0x0] =	vst.idx.add.f32.msk $0xffff, v1  }
0x1d: {  	v2 =	vld [tilespmem:s12+$0x30];
	_ =	sdelay $0x7  }
0x1e: {  	[tilespmem:v2+s7+$0x0] =	vst.idx.add.f32.msk $0xffff, v1  }
0x1f: {  	v2 =	vld [tilespmem:s12+$0x40];
	_ =	sdelay $0x2  }
0x20: {  	p0 =	sne.s32 s11, $0xF800  }
.Ltmp1:
0x21: {  	_ = 	snop;
	(pc) =	sbr.rel @p0 .LBB2_4-.Ltmp1, $2  }
0x22: {  	_ =	sdelay $0x2  }
0x23: {  	s11 =	sadd.s32 $0x200, s11;
	[tilespmem:v2+s7+$0x0] =	vst.idx.add.f32.msk $0xffff, v1  }
0x24: {  	s10 =	sadd.s32 $0x1, s10  }
0x25: {  	p0 =	sne.s32 s10, s5  }
.Ltmp2:
0x26: {  	_ = 	snop;
	(pc) =	sbr.rel @p0 .LBB2_1-.Ltmp2, $4  }
0x27: {  	[hbm4b:s4+s8] =	stream.strided.scatter [tilespmem:s7], [sflag:$0x1], $0x2800, s9, s8, $0x38;
	[tilespmem:$0x6800] =	vst v63  }
0x28: {  	_ =	swait.ge [sflag:s6], $0x2800  }
0x29: {  	[sflag:s6] =	ssyncset.done $0x0  }
0x2a: {  	[sflag:s6] =	ssyncadd.s32 $0xFFFFD800  }
0x2b: {  	_ =	sfence.sel $0x180000  }
0x2c: {  	[bflag:$0x0] =	sbarrier.arrive $0xFFFF  }
0x2d: {  	p0 =	sne.s32 s0, $0x0;
	_ =	strace $0x90000047  }
0x2e: {  	s0 =	sadd.s32 @!p0 $0x100000, s1;
	[bflag:$0x2] =	sbarrier.arrive $0xFFFF  }
0x2f: {  	[sflag:s0] =	ssyncadd.tile.s32 @!p0 $0x1;
	_ =	shalt  }
.Lfunc_end2:
_tile_overlayer_lowered:
.L_overlay_start_2:
0x30: {  	(tag) =	ssettag $0x2  }
0x31: {  	s0 =	rddreg [dreg:$0x0];
	s2 =	stileid.u32  }
0x32: {  	s1 =	rddreg [dreg:$0x1];
	p0 =	sne.s32 s2, $0x0  }
0x33: {  	s3 =	rddreg [dreg:$0x2];
	[bflag:$0x3] =	sbarrier.arrive $0xFFFF;
	s2 =	simm.s32 @!p0 $0x1C01  }
0x34: {  	[timem:s3], [sflag:s2] =	dma.local @!p0 [hbm:s0], s1  }
0x35: {  	s0 =	simm.s32 @!p0 $0x1  }
0x36: {  	_ =	swait.ge @!p0 [sflag:s0], s1  }
0x37: {  	s1 =	ssub.s32 @!p0 $0x0, s1;
	[sflag:s0] =	ssyncset.done @!p0 $0x0  }
0x38: {  	[sflag:s0] =	ssyncadd.s32 @!p0 s1  }
0x39: {  	[bflag:$0x3] =	sbarrier.arrive $0xFFFF  }
0x3a: {  	_ =	shalt  }

</sc_bundles>
